<compile_context>
chip_gen: v7x
topology: tpu7x:2x2x1
jax: 0.10.2.dev20260603
libtpu: 0.0.44.dev20260713+nightly
codegen_flags: <defaults>
</compile_context>

<pallas_src>
import functools
import math

import jax
import jax.numpy as jnp
from jax import lax
from jax.experimental import pallas as pl
from jax.experimental.pallas import tpu as pltpu
from jax.experimental.pallas import tpu_sc as plsc

NC = 2
NS = 16
NW = NC * NS
CHUNK = 128
D = 128
DEGW = 128


def _sc_degree(dst_g, zeros_deg, ones_chunk, npad, kch):
    rpt = npad // NS
    nzc = rpt // CHUNK
    mesh = plsc.VectorSubcoreMesh(core_axis_name="c", subcore_axis_name="s")

    @functools.partial(
        pl.kernel,
        mesh=mesh,
        out_type=jax.ShapeDtypeStruct((NC, npad, DEGW), jnp.float32),
        scratch_types=[
            pltpu.VMEM((1, CHUNK), jnp.int32),
            pltpu.VMEM((1, CHUNK), jnp.int32),
            pltpu.VMEM((CHUNK, DEGW), jnp.float32),
            pltpu.VMEM((CHUNK, DEGW), jnp.float32),
            pltpu.VMEM_SHARED((npad, DEGW), jnp.float32),
            pltpu.SemaphoreType.DMA,
            pltpu.SemaphoreType.DMA,
        ],
    )
    def k(dst_hbm, zeros_hbm, ones_hbm, deg_hbm, ib0, ib1, ones_v, stripe_v,
          acc_sh, sem0, sem1):
        c = lax.axis_index("c")
        s = lax.axis_index("s")
        w = c * NS + s
        pltpu.sync_copy(ones_hbm, ones_v)
        pltpu.sync_copy(zeros_hbm, stripe_v)
        for t in range(nzc):
            pltpu.sync_copy(stripe_v, acc_sh.at[pl.ds(s * rpt + t * CHUNK, CHUNK)])
        plsc.subcore_barrier()

        pltpu.sync_copy(dst_hbm.at[w, pl.ds(0, 1)], ib0)
        pltpu.async_copy(dst_hbm.at[w, pl.ds(1, 1)], ib1, sem1)

        def body(t, carry):
            j2 = jnp.minimum(2 * t + 2, kch - 1)
            j3 = jnp.minimum(2 * t + 3, kch - 1)
            pltpu.sync_copy(ones_v, acc_sh.at[ib0.at[0]], add=True)
            pltpu.make_async_copy(dst_hbm.at[w, pl.ds(j3, 1)], ib1, sem1).wait()
            pltpu.async_copy(dst_hbm.at[w, pl.ds(j2, 1)], ib0, sem0)
            pltpu.sync_copy(ones_v, acc_sh.at[ib1.at[0]], add=True)
            pltpu.make_async_copy(dst_hbm.at[w, pl.ds(j2, 1)], ib0, sem0).wait()
            pltpu.async_copy(dst_hbm.at[w, pl.ds(j3, 1)], ib1, sem1)
            return carry

        lax.fori_loop(0, kch // 2, body, 0)
        pltpu.make_async_copy(dst_hbm.at[w, pl.ds(kch - 1, 1)], ib1, sem1).wait()
        plsc.subcore_barrier()
        for t in range(nzc):
            pltpu.sync_copy(acc_sh.at[pl.ds(s * rpt + t * CHUNK, CHUNK)], stripe_v)
            pltpu.sync_copy(stripe_v, deg_hbm.at[c, pl.ds(s * rpt + t * CHUNK, CHUNK)])

    return k(dst_g, zeros_deg, ones_chunk)


def _sc_aggregate(cmb, table, zeros_chunk, npad, kch):
    rpt = npad // NS
    nzc = rpt // CHUNK
    mesh = plsc.VectorSubcoreMesh(core_axis_name="c", subcore_axis_name="s")

    @functools.partial(
        pl.kernel,
        mesh=mesh,
        out_type=jax.ShapeDtypeStruct((NC, npad, D), jnp.float32),
        scratch_types=[
            pltpu.VMEM((2, CHUNK), jnp.int32),
            pltpu.VMEM((2, CHUNK), jnp.int32),
            pltpu.VMEM((CHUNK, D), jnp.float32),
            pltpu.VMEM((CHUNK, D), jnp.float32),
            pltpu.VMEM_SHARED((npad, D), jnp.float32),
            pltpu.SemaphoreType.DMA,
            pltpu.SemaphoreType.DMA,
            pltpu.SemaphoreType.DMA,
        ],
    )
    def k(cmb_hbm, table_hbm, zeros_hbm, out_hbm,
          iring0, iring1, rows0, rows1, acc_sh, gsem0, gsem1, isem):
        c = lax.axis_index("c")
        s = lax.axis_index("s")
        w = c * NS + s
        pltpu.sync_copy(zeros_hbm, rows0)
        for t in range(nzc):
            pltpu.sync_copy(rows0, acc_sh.at[pl.ds(s * rpt + t * CHUNK, CHUNK)])
        plsc.subcore_barrier()

        pltpu.sync_copy(cmb_hbm.at[w, 0], iring0)
        pltpu.async_copy(table_hbm.at[iring0.at[0]], rows0, gsem0)
        pltpu.async_copy(cmb_hbm.at[w, 1], iring1, isem)

        def body(t, carry):
            j2 = jnp.minimum(2 * t + 2, kch - 1)
            j3 = jnp.minimum(2 * t + 3, kch - 1)
            pltpu.make_async_copy(cmb_hbm.at[w, j3], iring1, isem).wait()
            pltpu.make_async_copy(table_hbm.at[iring0.at[0]], rows0, gsem0).wait()
            pltpu.async_copy(table_hbm.at[iring1.at[0]], rows1, gsem1)
            pltpu.sync_copy(rows0, acc_sh.at[iring0.at[1]], add=True)
            pltpu.sync_copy(cmb_hbm.at[w, j2], iring0)
            pltpu.async_copy(table_hbm.at[iring0.at[0]], rows0, gsem0)
            pltpu.make_async_copy(table_hbm.at[iring1.at[0]], rows1, gsem1).wait()
            pltpu.sync_copy(rows1, acc_sh.at[iring1.at[1]], add=True)
            pltpu.async_copy(cmb_hbm.at[w, j3], iring1, isem)
            return carry

        lax.fori_loop(0, kch // 2, body, 0)
        pltpu.make_async_copy(table_hbm.at[iring0.at[0]], rows0, gsem0).wait()
        pltpu.make_async_copy(cmb_hbm.at[w, kch - 1], iring1, isem).wait()
        plsc.subcore_barrier()
        for t in range(nzc):
            pltpu.sync_copy(acc_sh.at[pl.ds(s * rpt + t * CHUNK, CHUNK)], rows0)
            pltpu.sync_copy(rows0, out_hbm.at[c, pl.ds(s * rpt + t * CHUNK, CHUNK)])

    return k(cmb, table, zeros_chunk)


def _first_body(dp_ref, x_ref, w_ref, t_ref, dinv_ref):
    deg = dp_ref[0, :, 0:1] + dp_ref[1, :, 0:1]
    dinv = jnp.where(deg > 0.0, lax.rsqrt(jnp.maximum(deg, 1.0)), 0.0)
    xw = jnp.dot(x_ref[...], w_ref[...], preferred_element_type=jnp.float32,
                 precision=lax.Precision.HIGHEST)
    t_ref[...] = dinv * xw
    dinv_ref[...] = dinv


def _tc_first(deg_p, x_pad, W1, npad):
    nb = npad // 128
    return pl.pallas_call(
        _first_body,
        grid=(nb,),
        in_specs=[
            pl.BlockSpec((NC, 128, DEGW), lambda j: (0, j, 0)),
            pl.BlockSpec((128, D), lambda j: (j, 0)),
            pl.BlockSpec((D, D), lambda j: (0, 0)),
        ],
        out_specs=[
            pl.BlockSpec((128, D), lambda j: (j, 0)),
            pl.BlockSpec((128, 1), lambda j: (j, 0)),
        ],
        out_shape=[
            jax.ShapeDtypeStruct((npad, D), jnp.float32),
            jax.ShapeDtypeStruct((npad, 1), jnp.float32),
        ],
    )(deg_p, x_pad, W1)


def _mid_body(p_ref, dinv_ref, w_ref, out_ref):
    agg = p_ref[0] + p_ref[1]
    dinv = dinv_ref[...]
    h = jnp.maximum(dinv * agg, 0.0)
    out_ref[...] = dinv * jnp.dot(h, w_ref[...], preferred_element_type=jnp.float32,
                                  precision=lax.Precision.HIGHEST)


def _tc_mid(p, dinv, W2, npad):
    nb = npad // 128
    return pl.pallas_call(
        _mid_body,
        grid=(nb,),
        in_specs=[
            pl.BlockSpec((NC, 128, D), lambda j: (0, j, 0)),
            pl.BlockSpec((128, 1), lambda j: (j, 0)),
            pl.BlockSpec((D, D), lambda j: (0, 0)),
        ],
        out_specs=pl.BlockSpec((128, D), lambda j: (j, 0)),
        out_shape=jax.ShapeDtypeStruct((npad, D), jnp.float32),
    )(p, dinv, W2)


def _final_body(p_ref, dinv_ref, out_ref):
    out_ref[...] = dinv_ref[...] * (p_ref[0] + p_ref[1])


def _tc_final(p, dinv, npad):
    nb = npad // 128
    return pl.pallas_call(
        _final_body,
        grid=(nb,),
        in_specs=[
            pl.BlockSpec((NC, 128, D), lambda j: (0, j, 0)),
            pl.BlockSpec((128, 1), lambda j: (j, 0)),
        ],
        out_specs=pl.BlockSpec((128, D), lambda j: (j, 0)),
        out_shape=jax.ShapeDtypeStruct((npad, D), jnp.float32),
    )(p, dinv)


def kernel(x, edge_index, W1, W2):
    n = x.shape[0]
    e = edge_index.shape[1]
    npad = math.ceil((n + 1) / (NS * CHUNK)) * (NS * CHUNK)
    kch = 2 * math.ceil(e / (NW * CHUNK * 2))
    e_pad = NW * CHUNK * kch
    pad_region = npad - n
    pad_idx = (jnp.arange(e_pad - e, dtype=jnp.int32) % pad_region) + n
    src_p = jnp.concatenate([edge_index[0], pad_idx])
    dst_p = jnp.concatenate([edge_index[1], pad_idx])
    g_total = NW * kch
    order = jnp.argsort(dst_p)
    src_c = src_p[order].reshape(CHUNK, g_total).T
    dst_c = dst_p[order].reshape(CHUNK, g_total).T
    src_g = src_c.reshape(kch, NW, CHUNK).transpose(1, 0, 2)
    dst_g = dst_c.reshape(kch, NW, CHUNK).transpose(1, 0, 2)
    cmb = jnp.stack([src_g, dst_g], axis=2)
    zeros_stripe = jnp.zeros((CHUNK, DEGW), jnp.float32)
    ones_chunk = jnp.ones((CHUNK, DEGW), jnp.float32)
    zeros_chunk = jnp.zeros((CHUNK, D), jnp.float32)
    x_pad = jnp.pad(x, ((0, npad - n), (0, 0)))

    deg_p = _sc_degree(dst_g, zeros_stripe, ones_chunk, npad, kch)
    t1s, dinv = _tc_first(deg_p, x_pad, W1, npad)
    p1 = _sc_aggregate(cmb, t1s, zeros_chunk, npad, kch)
    t2s = _tc_mid(p1, dinv, W2, npad)
    p2 = _sc_aggregate(cmb, t2s, zeros_chunk, npad, kch)
    out = _tc_final(p2, dinv, npad)
    return out[:n]

# --- scband reference (transcript-rebuilt; emitter-appended) ---
"""Pipeline reference for scband-model-41042707480952 (READ-ONLY COPY).

The authoritative reference and input builder live on the scoring server;
editing this copy changes nothing except your own understanding.
"""

import jax, jax.numpy as jnp
import numpy as np

N_NODES = 10000
N_EDGES = 320000
D_IN = 128
D_HID = 128
D_OUT = 128


def setup_inputs(seed: int = 0) -> dict:
    key = jax.random.key(seed)
    k1, k2, k3, k4 = jax.random.split(key, 4)
    x = jax.random.normal(k1, (N_NODES, D_IN), dtype=jnp.float32)
    edge_index = jax.random.randint(k2, (2, N_EDGES), 0, N_NODES, dtype=jnp.int32)
    W1 = jax.random.normal(k3, (D_IN, D_HID), dtype=jnp.float32) * (1.0 / np.sqrt(D_IN))
    W2 = jax.random.normal(k4, (D_HID, D_OUT), dtype=jnp.float32) * (1.0 / np.sqrt(D_HID))
    return {"x": x, "edge_index": edge_index, "W1": W1, "W2": W2}


def _gcn_layer(x, edge_index, W):
    # OurModelLayer with GCN backbone, unbias=True, drop_rate=0 (inference / no drop)
    src = edge_index[0]
    dst = edge_index[1]
    n = x.shape[0]
    deg = jnp.zeros((n,), dtype=x.dtype).at[dst].add(1.0)
    deg_safe = jnp.where(deg > 0, deg, 1.0)
    dinv = jnp.where(deg > 0, 1.0 / jnp.sqrt(deg_safe), 0.0)
    norm = dinv[src] * dinv[dst]
    msg = x[src] * norm[:, None]
    agg = jnp.zeros_like(x).at[dst].add(msg)
    return agg @ W


def reference(x, edge_index, W1, W2):
    h = _gcn_layer(x, edge_index, W1)
    h = jax.nn.relu(h)
    out = _gcn_layer(h, edge_index, W2)
    return out

if __name__ == "__main__":
    import jax
    _d = setup_inputs()
    print(jax.jit(kernel)(*tuple(_d.values())))

</pallas_src>

<mosaic_0001>
#map = affine_map<(d0, d1) -> (0, 0, 0, 0)>
#map1 = affine_map<(d0, d1) -> (0, 0)>
#map2 = affine_map<(d0, d1) -> (0, 0, 0)>
module attributes {stable_mosaic.version = 14 : i64} {
  func.func @k(%arg0: i32, %arg1: i32, %arg2: memref<32x80x2x128xi32, #tpu.memory_space<hbm>>, %arg3: memref<10240x128xf32, #tpu.memory_space<hbm>>, %arg4: memref<128x128xf32, #tpu.memory_space<hbm>>, %arg5: memref<2x10240x128xf32, #tpu.memory_space<hbm>>, %arg6: memref<2x128xi32, #tpu.memory_space<vmem>>, %arg7: memref<2x128xi32, #tpu.memory_space<vmem>>, %arg8: memref<128x128xf32, #tpu.memory_space<vmem>>, %arg9: memref<128x128xf32, #tpu.memory_space<vmem>>, %arg10: memref<10240x128xf32, #tpu.memory_space<vmem_shared>>, %arg11: memref<!tpu.dma_semaphore, #tpu.memory_space<semaphore_mem>>, %arg12: memref<!tpu.dma_semaphore, #tpu.memory_space<semaphore_mem>>, %arg13: memref<!tpu.dma_semaphore, #tpu.memory_space<semaphore_mem>>) attributes {dimension_semantics = [#tpu.dimension_semantics<core_parallel>, #tpu.dimension_semantics<subcore_parallel>], iteration_bounds = array<i64: 2, 16>, scalar_prefetch = 0 : i64, scratch_operands = 8 : i64, tpu.core_type = #tpu.core_type<sc_vector_subcore>, window_params = [{transform_indices = #map}, {transform_indices = #map1}, {transform_indices = #map1}, {transform_indices = #map2}]} {
    %mul3A = arith.constant 16 : i32
    %mul3A_0 = arith.muli %arg0, %mul3A : i32
    %add3A = arith.addi %mul3A_0, %arg1 : i32
    "tpu.region"() ({
      %run_scoped3A_97 = tpu.sem_alloc : memref<!tpu.dma_semaphore, #tpu.memory_space<semaphore_mem>>
      tpu.enqueue_dma source(%arg4 : memref<128x128xf32, #tpu.memory_space<hbm>>) target(%arg8 : memref<128x128xf32, #tpu.memory_space<vmem>>) target_semaphore(%run_scoped3A_97 : memref<!tpu.dma_semaphore, #tpu.memory_space<semaphore_mem>>)
      tpu.wait_dma2 semaphore(%run_scoped3A_97 : memref<!tpu.dma_semaphore, #tpu.memory_space<semaphore_mem>>) src(%arg4 : memref<128x128xf32, #tpu.memory_space<hbm>>) dst(%arg8 : memref<128x128xf32, #tpu.memory_space<vmem>>)
      tpu.yield
    }) : () -> ()
    %mul3A_1 = arith.constant 640 : i32
    %mul3A_2 = arith.muli %arg1, %mul3A_1 : i32
    %add3A_3 = arith.constant 0 : i32
    %add3A_4 = arith.addi %mul3A_2, %add3A_3 : i32
    "tpu.region"() ({
      %run_scoped3A_97 = tpu.sem_alloc : memref<!tpu.dma_semaphore, #tpu.memory_space<semaphore_mem>>
      %dma_start3A_98 = arith.constant 0 : i32
      %dma_start3A_99 = tpu.memref_slice %arg10[%add3A_4, %dma_start3A_98] : memref<10240x128xf32, #tpu.memory_space<vmem_shared>> -> memref<128x128xf32, #tpu.memory_space<vmem_shared>>
      %dma_start3A_100 = arith.constant 0 : i32
      %dma_start3A_101 = tpu.memref_slice %arg10[%add3A_4, %dma_start3A_100] : memref<10240x128xf32, #tpu.memory_space<vmem_shared>> -> memref<128x128xf32, #tpu.memory_space<vmem_shared>>
      tpu.enqueue_dma source(%arg8 : memref<128x128xf32, #tpu.memory_space<vmem>>) target(%dma_start3A_101 : memref<128x128xf32, #tpu.memory_space<vmem_shared>>) target_semaphore(%run_scoped3A_97 : memref<!tpu.dma_semaphore, #tpu.memory_space<semaphore_mem>>)
      %dma_wait3A_102 = arith.constant 0 : i32
      %dma_wait3A_103 = tpu.memref_slice %arg10[%add3A_4, %dma_wait3A_102] : memref<10240x128xf32, #tpu.memory_space<vmem_shared>> -> memref<128x128xf32, #tpu.memory_space<vmem_shared>>
      %dma_wait3A_104 = arith.constant 0 : i32
      %dma_wait3A_105 = tpu.memref_slice %arg10[%add3A_4, %dma_wait3A_104] : memref<10240x128xf32, #tpu.memory_space<vmem_shared>> -> memref<128x128xf32, #tpu.memory_space<vmem_shared>>
      tpu.wait_dma2 semaphore(%run_scoped3A_97 : memref<!tpu.dma_semaphore, #tpu.memory_space<semaphore_mem>>) src(%arg8 : memref<128x128xf32, #tpu.memory_space<vmem>>) dst(%dma_wait3A_105 : memref<128x128xf32, #tpu.memory_space<vmem_shared>>)
      tpu.yield
    }) : () -> ()
    %mul3A_5 = arith.constant 640 : i32
    %mul3A_6 = arith.muli %arg1, %mul3A_5 : i32
    %add3A_7 = arith.constant 128 : i32
    %add3A_8 = arith.addi %mul3A_6, %add3A_7 : i32
    "tpu.region"() ({
      %run_scoped3A_97 = tpu.sem_alloc : memref<!tpu.dma_semaphore, #tpu.memory_space<semaphore_mem>>
      %dma_start3A_98 = arith.constant 0 : i32
      %dma_start3A_99 = tpu.memref_slice %arg10[%add3A_8, %dma_start3A_98] : memref<10240x128xf32, #tpu.memory_space<vmem_shared>> -> memref<128x128xf32, #tpu.memory_space<vmem_shared>>
      %dma_start3A_100 = arith.constant 0 : i32
      %dma_start3A_101 = tpu.memref_slice %arg10[%add3A_8, %dma_start3A_100] : memref<10240x128xf32, #tpu.memory_space<vmem_shared>> -> memref<128x128xf32, #tpu.memory_space<vmem_shared>>
      tpu.enqueue_dma source(%arg8 : memref<128x128xf32, #tpu.memory_space<vmem>>) target(%dma_start3A_101 : memref<128x128xf32, #tpu.memory_space<vmem_shared>>) target_semaphore(%run_scoped3A_97 : memref<!tpu.dma_semaphore, #tpu.memory_space<semaphore_mem>>)
      %dma_wait3A_102 = arith.constant 0 : i32
      %dma_wait3A_103 = tpu.memref_slice %arg10[%add3A_8, %dma_wait3A_102] : memref<10240x128xf32, #tpu.memory_space<vmem_shared>> -> memref<128x128xf32, #tpu.memory_space<vmem_shared>>
      %dma_wait3A_104 = arith.constant 0 : i32
      %dma_wait3A_105 = tpu.memref_slice %arg10[%add3A_8, %dma_wait3A_104] : memref<10240x128xf32, #tpu.memory_space<vmem_shared>> -> memref<128x128xf32, #tpu.memory_space<vmem_shared>>
      tpu.wait_dma2 semaphore(%run_scoped3A_97 : memref<!tpu.dma_semaphore, #tpu.memory_space<semaphore_mem>>) src(%arg8 : memref<128x128xf32, #tpu.memory_space<vmem>>) dst(%dma_wait3A_105 : memref<128x128xf32, #tpu.memory_space<vmem_shared>>)
      tpu.yield
    }) : () -> ()
    %mul3A_9 = arith.constant 640 : i32
    %mul3A_10 = arith.muli %arg1, %mul3A_9 : i32
    %add3A_11 = arith.constant 256 : i32
    %add3A_12 = arith.addi %mul3A_10, %add3A_11 : i32
    "tpu.region"() ({
      %run_scoped3A_97 = tpu.sem_alloc : memref<!tpu.dma_semaphore, #tpu.memory_space<semaphore_mem>>
      %dma_start3A_98 = arith.constant 0 : i32
      %dma_start3A_99 = tpu.memref_slice %arg10[%add3A_12, %dma_start3A_98] : memref<10240x128xf32, #tpu.memory_space<vmem_shared>> -> memref<128x128xf32, #tpu.memory_space<vmem_shared>>
      %dma_start3A_100 = arith.constant 0 : i32
      %dma_start3A_101 = tpu.memref_slice %arg10[%add3A_12, %dma_start3A_100] : memref<10240x128xf32, #tpu.memory_space<vmem_shared>> -> memref<128x128xf32, #tpu.memory_space<vmem_shared>>
      tpu.enqueue_dma source(%arg8 : memref<128x128xf32, #tpu.memory_space<vmem>>) target(%dma_start3A_101 : memref<128x128xf32, #tpu.memory_space<vmem_shared>>) target_semaphore(%run_scoped3A_97 : memref<!tpu.dma_semaphore, #tpu.memory_space<semaphore_mem>>)
      %dma_wait3A_102 = arith.constant 0 : i32
      %dma_wait3A_103 = tpu.memref_slice %arg10[%add3A_12, %dma_wait3A_102] : memref<10240x128xf32, #tpu.memory_space<vmem_shared>> -> memref<128x128xf32, #tpu.memory_space<vmem_shared>>
      %dma_wait3A_104 = arith.constant 0 : i32
      %dma_wait3A_105 = tpu.memref_slice %arg10[%add3A_12, %dma_wait3A_104] : memref<10240x128xf32, #tpu.memory_space<vmem_shared>> -> memref<128x128xf32, #tpu.memory_space<vmem_shared>>
      tpu.wait_dma2 semaphore(%run_scoped3A_97 : memref<!tpu.dma_semaphore, #tpu.memory_space<semaphore_mem>>) src(%arg8 : memref<128x128xf32, #tpu.memory_space<vmem>>) dst(%dma_wait3A_105 : memref<128x128xf32, #tpu.memory_space<vmem_shared>>)
      tpu.yield
    }) : () -> ()
    %mul3A_13 = arith.constant 640 : i32
    %mul3A_14 = arith.muli %arg1, %mul3A_13 : i32
    %add3A_15 = arith.constant 384 : i32
    %add3A_16 = arith.addi %mul3A_14, %add3A_15 : i32
    "tpu.region"() ({
      %run_scoped3A_97 = tpu.sem_alloc : memref<!tpu.dma_semaphore, #tpu.memory_space<semaphore_mem>>
      %dma_start3A_98 = arith.constant 0 : i32
      %dma_start3A_99 = tpu.memref_slice %arg10[%add3A_16, %dma_start3A_98] : memref<10240x128xf32, #tpu.memory_space<vmem_shared>> -> memref<128x128xf32, #tpu.memory_space<vmem_shared>>
      %dma_start3A_100 = arith.constant 0 : i32
      %dma_start3A_101 = tpu.memref_slice %arg10[%add3A_16, %dma_start3A_100] : memref<10240x128xf32, #tpu.memory_space<vmem_shared>> -> memref<128x128xf32, #tpu.memory_space<vmem_shared>>
      tpu.enqueue_dma source(%arg8 : memref<128x128xf32, #tpu.memory_space<vmem>>) target(%dma_start3A_101 : memref<128x128xf32, #tpu.memory_space<vmem_shared>>) target_semaphore(%run_scoped3A_97 : memref<!tpu.dma_semaphore, #tpu.memory_space<semaphore_mem>>)
      %dma_wait3A_102 = arith.constant 0 : i32
      %dma_wait3A_103 = tpu.memref_slice %arg10[%add3A_16, %dma_wait3A_102] : memref<10240x128xf32, #tpu.memory_space<vmem_shared>> -> memref<128x128xf32, #tpu.memory_space<vmem_shared>>
      %dma_wait3A_104 = arith.constant 0 : i32
      %dma_wait3A_105 = tpu.memref_slice %arg10[%add3A_16, %dma_wait3A_104] : memref<10240x128xf32, #tpu.memory_space<vmem_shared>> -> memref<128x128xf32, #tpu.memory_space<vmem_shared>>
      tpu.wait_dma2 semaphore(%run_scoped3A_97 : memref<!tpu.dma_semaphore, #tpu.memory_space<semaphore_mem>>) src(%arg8 : memref<128x128xf32, #tpu.memory_space<vmem>>) dst(%dma_wait3A_105 : memref<128x128xf32, #tpu.memory_space<vmem_shared>>)
      tpu.yield
    }) : () -> ()
    %mul3A_17 = arith.constant 640 : i32
    %mul3A_18 = arith.muli %arg1, %mul3A_17 : i32
    %add3A_19 = arith.constant 512 : i32
    %add3A_20 = arith.addi %mul3A_18, %add3A_19 : i32
    "tpu.region"() ({
      %run_scoped3A_97 = tpu.sem_alloc : memref<!tpu.dma_semaphore, #tpu.memory_space<semaphore_mem>>
      %dma_start3A_98 = arith.constant 0 : i32
      %dma_start3A_99 = tpu.memref_slice %arg10[%add3A_20, %dma_start3A_98] : memref<10240x128xf32, #tpu.memory_space<vmem_shared>> -> memref<128x128xf32, #tpu.memory_space<vmem_shared>>
      %dma_start3A_100 = arith.constant 0 : i32
      %dma_start3A_101 = tpu.memref_slice %arg10[%add3A_20, %dma_start3A_100] : memref<10240x128xf32, #tpu.memory_space<vmem_shared>> -> memref<128x128xf32, #tpu.memory_space<vmem_shared>>
      tpu.enqueue_dma source(%arg8 : memref<128x128xf32, #tpu.memory_space<vmem>>) target(%dma_start3A_101 : memref<128x128xf32, #tpu.memory_space<vmem_shared>>) target_semaphore(%run_scoped3A_97 : memref<!tpu.dma_semaphore, #tpu.memory_space<semaphore_mem>>)
      %dma_wait3A_102 = arith.constant 0 : i32
      %dma_wait3A_103 = tpu.memref_slice %arg10[%add3A_20, %dma_wait3A_102] : memref<10240x128xf32, #tpu.memory_space<vmem_shared>> -> memref<128x128xf32, #tpu.memory_space<vmem_shared>>
      %dma_wait3A_104 = arith.constant 0 : i32
      %dma_wait3A_105 = tpu.memref_slice %arg10[%add3A_20, %dma_wait3A_104] : memref<10240x128xf32, #tpu.memory_space<vmem_shared>> -> memref<128x128xf32, #tpu.memory_space<vmem_shared>>
      tpu.wait_dma2 semaphore(%run_scoped3A_97 : memref<!tpu.dma_semaphore, #tpu.memory_space<semaphore_mem>>) src(%arg8 : memref<128x128xf32, #tpu.memory_space<vmem>>) dst(%dma_wait3A_105 : memref<128x128xf32, #tpu.memory_space<vmem_shared>>)
      tpu.yield
    }) : () -> ()
    %barrier3A = arith.constant 0 : index
    tpu.barrier barrier_id(%barrier3A)
    %run_scoped3A = arith.constant 0 : i32
    "tpu.region"() ({
      %run_scoped3A_97 = tpu.sem_alloc : memref<!tpu.dma_semaphore, #tpu.memory_space<semaphore_mem>>
      %dma_start3A_98 = arith.constant 0 : i32
      %dma_start3A_99 = arith.constant 0 : i32
      %dma_start3A_100 = tpu.memref_slice %arg2[%add3A, %run_scoped3A, %dma_start3A_98, %dma_start3A_99] : memref<32x80x2x128xi32, #tpu.memory_space<hbm>> -> memref<1x1x2x128xi32, #tpu.memory_space<hbm>>
      %dma_start3A_101 = tpu.memref_squeeze %dma_start3A_100 : memref<1x1x2x128xi32, #tpu.memory_space<hbm>> -> memref<2x128xi32, #tpu.memory_space<hbm>>
      %dma_start3A_102 = arith.constant 0 : i32
      %dma_start3A_103 = arith.constant 0 : i32
      %dma_start3A_104 = tpu.memref_slice %arg2[%add3A, %run_scoped3A, %dma_start3A_102, %dma_start3A_103] : memref<32x80x2x128xi32, #tpu.memory_space<hbm>> -> memref<1x1x2x128xi32, #tpu.memory_space<hbm>>
      %dma_start3A_105 = tpu.memref_squeeze %dma_start3A_104 : memref<1x1x2x128xi32, #tpu.memory_space<hbm>> -> memref<2x128xi32, #tpu.memory_space<hbm>>
      tpu.enqueue_dma source(%dma_start3A_105 : memref<2x128xi32, #tpu.memory_space<hbm>>) target(%arg6 : memref<2x128xi32, #tpu.memory_space<vmem>>) target_semaphore(%run_scoped3A_97 : memref<!tpu.dma_semaphore, #tpu.memory_space<semaphore_mem>>)
      %dma_wait3A_106 = arith.constant 0 : i32
      %dma_wait3A_107 = arith.constant 0 : i32
      %dma_wait3A_108 = tpu.memref_slice %arg2[%add3A, %run_scoped3A, %dma_wait3A_106, %dma_wait3A_107] : memref<32x80x2x128xi32, #tpu.memory_space<hbm>> -> memref<1x1x2x128xi32, #tpu.memory_space<hbm>>
      %dma_wait3A_109 = tpu.memref_squeeze %dma_wait3A_108 : memref<1x1x2x128xi32, #tpu.memory_space<hbm>> -> memref<2x128xi32, #tpu.memory_space<hbm>>
      %dma_wait3A_110 = arith.constant 0 : i32
      %dma_wait3A_111 = arith.constant 0 : i32
      %dma_wait3A_112 = tpu.memref_slice %arg2[%add3A, %run_scoped3A, %dma_wait3A_110, %dma_wait3A_111] : memref<32x80x2x128xi32, #tpu.memory_space<hbm>> -> memref<1x1x2x128xi32, #tpu.memory_space<hbm>>
      %dma_wait3A_113 = tpu.memref_squeeze %dma_wait3A_112 : memref<1x1x2x128xi32, #tpu.memory_space<hbm>> -> memref<2x128xi32, #tpu.memory_space<hbm>>
      tpu.wait_dma2 semaphore(%run_scoped3A_97 : memref<!tpu.dma_semaphore, #tpu.memory_space<semaphore_mem>>) src(%dma_wait3A_113 : memref<2x128xi32, #tpu.memory_space<hbm>>) dst(%arg6 : memref<2x128xi32, #tpu.memory_space<vmem>>)
      tpu.yield
    }) : () -> ()
    %dma_start3A = arith.constant 0 : i32
    %dma_start3A_21 = arith.constant 0 : i32
    %dma_start3A_22 = tpu.memref_slice %arg6[%dma_start3A, %dma_start3A_21] : memref<2x128xi32, #tpu.memory_space<vmem>> -> memref<1x128xi32, #tpu.memory_space<vmem>>
    %dma_start3A_23 = tpu.memref_squeeze %dma_start3A_22 : memref<1x128xi32, #tpu.memory_space<vmem>> -> memref<128xi32, #tpu.memory_space<vmem>>
    %dma_start3A_24 = arith.constant 0 : i32
    %dma_start3A_25 = arith.constant 0 : i32
    %dma_start3A_26 = tpu.memref_slice %arg3[%dma_start3A_24, %dma_start3A_25] : memref<10240x128xf32, #tpu.memory_space<hbm>> -> memref<10240x128xf32, #tpu.memory_space<hbm>>
    tpu.enqueue_indirect_dma source(%dma_start3A_26 : memref<10240x128xf32, #tpu.memory_space<hbm>>) target(%arg8 : memref<128x128xf32, #tpu.memory_space<vmem>>) offsets(%dma_start3A_23 : memref<128xi32, #tpu.memory_space<vmem>>) semaphore(%arg11 : memref<!tpu.dma_semaphore, #tpu.memory_space<semaphore_mem>>)
    %dma_start3A_27 = arith.constant 1 : i32
    %dma_start3A_28 = arith.constant 0 : i32
    %dma_start3A_29 = arith.constant 0 : i32
    %dma_start3A_30 = tpu.memref_slice %arg2[%add3A, %dma_start3A_27, %dma_start3A_28, %dma_start3A_29] : memref<32x80x2x128xi32, #tpu.memory_space<hbm>> -> memref<1x1x2x128xi32, #tpu.memory_space<hbm>>
    %dma_start3A_31 = tpu.memref_squeeze %dma_start3A_30 : memref<1x1x2x128xi32, #tpu.memory_space<hbm>> -> memref<2x128xi32, #tpu.memory_space<hbm>>
    %dma_start3A_32 = arith.constant 0 : i32
    %dma_start3A_33 = arith.constant 0 : i32
    %dma_start3A_34 = tpu.memref_slice %arg2[%add3A, %dma_start3A_27, %dma_start3A_32, %dma_start3A_33] : memref<32x80x2x128xi32, #tpu.memory_space<hbm>> -> memref<1x1x2x128xi32, #tpu.memory_space<hbm>>
    %dma_start3A_35 = tpu.memref_squeeze %dma_start3A_34 : memref<1x1x2x128xi32, #tpu.memory_space<hbm>> -> memref<2x128xi32, #tpu.memory_space<hbm>>
    tpu.enqueue_dma source(%dma_start3A_35 : memref<2x128xi32, #tpu.memory_space<hbm>>) target(%arg7 : memref<2x128xi32, #tpu.memory_space<vmem>>) target_semaphore(%arg13 : memref<!tpu.dma_semaphore, #tpu.memory_space<semaphore_mem>>)
    %scan3A = arith.constant 0 : i32
    %scan3A_36 = arith.constant 0 : i32
    %scan3A_37 = arith.constant 40 : i32
    %scan3A_38 = arith.addi %scan3A_36, %scan3A_37 : i32
    %scan3A_39 = arith.constant 1 : i32
    scf.for %scan3A_97 = %scan3A_36 to %scan3A_38 step %scan3A_39  : i32 {
      %mul3A_98 = arith.constant 2 : i32
      %mul3A_99 = arith.muli %mul3A_98, %scan3A_97 : i32
      %add3A_100 = arith.constant 2 : i32
      %add3A_101 = arith.addi %mul3A_99, %add3A_100 : i32
      %min3A = arith.constant 79 : i32
      %min3A_102 = arith.minsi %add3A_101, %min3A : i32
      %mul3A_103 = arith.constant 2 : i32
      %mul3A_104 = arith.muli %mul3A_103, %scan3A_97 : i32
      %add3A_105 = arith.constant 3 : i32
      %add3A_106 = arith.addi %mul3A_104, %add3A_105 : i32
      %min3A_107 = arith.constant 79 : i32
      %min3A_108 = arith.minsi %add3A_106, %min3A_107 : i32
      %dma_wait3A_109 = arith.constant 0 : i32
      %dma_wait3A_110 = arith.constant 0 : i32
      %dma_wait3A_111 = tpu.memref_slice %arg2[%add3A, %min3A_108, %dma_wait3A_109, %dma_wait3A_110] : memref<32x80x2x128xi32, #tpu.memory_space<hbm>> -> memref<1x1x2x128xi32, #tpu.memory_space<hbm>>
      %dma_wait3A_112 = tpu.memref_squeeze %dma_wait3A_111 : memref<1x1x2x128xi32, #tpu.memory_space<hbm>> -> memref<2x128xi32, #tpu.memory_space<hbm>>
      %dma_wait3A_113 = arith.constant 0 : i32
      %dma_wait3A_114 = arith.constant 0 : i32
      %dma_wait3A_115 = tpu.memref_slice %arg2[%add3A, %min3A_108, %dma_wait3A_113, %dma_wait3A_114] : memref<32x80x2x128xi32, #tpu.memory_space<hbm>> -> memref<1x1x2x128xi32, #tpu.memory_space<hbm>>
      %dma_wait3A_116 = tpu.memref_squeeze %dma_wait3A_115 : memref<1x1x2x128xi32, #tpu.memory_space<hbm>> -> memref<2x128xi32, #tpu.memory_space<hbm>>
      tpu.wait_dma2 semaphore(%arg13 : memref<!tpu.dma_semaphore, #tpu.memory_space<semaphore_mem>>) src(%dma_wait3A_116 : memref<2x128xi32, #tpu.memory_space<hbm>>) dst(%arg7 : memref<2x128xi32, #tpu.memory_space<vmem>>)
      %dma_wait3A_117 = arith.constant 0 : i32
      %dma_wait3A_118 = arith.constant 0 : i32
      %dma_wait3A_119 = tpu.memref_slice %arg6[%dma_wait3A_117, %dma_wait3A_118] : memref<2x128xi32, #tpu.memory_space<vmem>> -> memref<1x128xi32, #tpu.memory_space<vmem>>
      %dma_wait3A_120 = tpu.memref_squeeze %dma_wait3A_119 : memref<1x128xi32, #tpu.memory_space<vmem>> -> memref<128xi32, #tpu.memory_space<vmem>>
      %dma_wait3A_121 = arith.constant 0 : i32
      %dma_wait3A_122 = arith.constant 0 : i32
      %dma_wait3A_123 = tpu.memref_slice %arg3[%dma_wait3A_121, %dma_wait3A_122] : memref<10240x128xf32, #tpu.memory_space<hbm>> -> memref<10240x128xf32, #tpu.memory_space<hbm>>
      tpu.wait_indirect_dma semaphore(%arg11 : memref<!tpu.dma_semaphore, #tpu.memory_space<semaphore_mem>>) src(%dma_wait3A_123 : memref<10240x128xf32, #tpu.memory_space<hbm>>) dst(%arg8 : memref<128x128xf32, #tpu.memory_space<vmem>>)
      %dma_start3A_124 = arith.constant 0 : i32
      %dma_start3A_125 = arith.constant 0 : i32
      %dma_start3A_126 = tpu.memref_slice %arg7[%dma_start3A_124, %dma_start3A_125] : memref<2x128xi32, #tpu.memory_space<vmem>> -> memref<1x128xi32, #tpu.memory_space<vmem>>
      %dma_start3A_127 = tpu.memref_squeeze %dma_start3A_126 : memref<1x128xi32, #tpu.memory_space<vmem>> -> memref<128xi32, #tpu.memory_space<vmem>>
      %dma_start3A_128 = arith.constant 0 : i32
      %dma_start3A_129 = arith.constant 0 : i32
      %dma_start3A_130 = tpu.memref_slice %arg3[%dma_start3A_128, %dma_start3A_129] : memref<10240x128xf32, #tpu.memory_space<hbm>> -> memref<10240x128xf32, #tpu.memory_space<hbm>>
      tpu.enqueue_indirect_dma source(%dma_start3A_130 : memref<10240x128xf32, #tpu.memory_space<hbm>>) target(%arg9 : memref<128x128xf32, #tpu.memory_space<vmem>>) offsets(%dma_start3A_127 : memref<128xi32, #tpu.memory_space<vmem>>) semaphore(%arg12 : memref<!tpu.dma_semaphore, #tpu.memory_space<semaphore_mem>>)
      %run_scoped3A_131 = arith.constant 1 : i32
      "tpu.region"() ({
        %run_scoped3A_155 = tpu.sem_alloc : memref<!tpu.dma_semaphore, #tpu.memory_space<semaphore_mem>>
        %dma_start3A_156 = arith.constant 0 : i32
        %dma_start3A_157 = tpu.memref_slice %arg6[%run_scoped3A_131, %dma_start3A_156] : memref<2x128xi32, #tpu.memory_space<vmem>> -> memref<1x128xi32, #tpu.memory_space<vmem>>
        %dma_start3A_158 = tpu.memref_squeeze %dma_start3A_157 : memref<1x128xi32, #tpu.memory_space<vmem>> -> memref<128xi32, #tpu.memory_space<vmem>>
        %dma_start3A_159 = arith.constant 0 : i32
        %dma_start3A_160 = arith.constant 0 : i32
        %dma_start3A_161 = tpu.memref_slice %arg10[%dma_start3A_159, %dma_start3A_160] : memref<10240x128xf32, #tpu.memory_space<vmem_shared>> -> memref<10240x128xf32, #tpu.memory_space<vmem_shared>>
        tpu.enqueue_indirect_dma source(%arg8 : memref<128x128xf32, #tpu.memory_space<vmem>>) target(%dma_start3A_161 : memref<10240x128xf32, #tpu.memory_space<vmem_shared>>) offsets(%dma_start3A_158 : memref<128xi32, #tpu.memory_space<vmem>>) semaphore(%run_scoped3A_155 : memref<!tpu.dma_semaphore, #tpu.memory_space<semaphore_mem>>) {add = true}
        %dma_wait3A_162 = arith.constant 0 : i32
        %dma_wait3A_163 = tpu.memref_slice %arg6[%run_scoped3A_131, %dma_wait3A_162] : memref<2x128xi32, #tpu.memory_space<vmem>> -> memref<1x128xi32, #tpu.memory_space<vmem>>
        %dma_wait3A_164 = tpu.memref_squeeze %dma_wait3A_163 : memref<1x128xi32, #tpu.memory_space<vmem>> -> memref<128xi32, #tpu.memory_space<vmem>>
        %dma_wait3A_165 = arith.constant 0 : i32
        %dma_wait3A_166 = arith.constant 0 : i32
        %dma_wait3A_167 = tpu.memref_slice %arg10[%dma_wait3A_165, %dma_wait3A_166] : memref<10240x128xf32, #tpu.memory_space<vmem_shared>> -> memref<10240x128xf32, #tpu.memory_space<vmem_shared>>
        tpu.wait_indirect_dma semaphore(%run_scoped3A_155 : memref<!tpu.dma_semaphore, #tpu.memory_space<semaphore_mem>>) src(%arg8 : memref<128x128xf32, #tpu.memory_space<vmem>>) dst(%dma_wait3A_167 : memref<10240x128xf32, #tpu.memory_space<vmem_shared>>)
        tpu.yield
      }) : () -> ()
      "tpu.region"() ({
        %run_scoped3A_155 = tpu.sem_alloc : memref<!tpu.dma_semaphore, #tpu.memory_space<semaphore_mem>>
        %dma_start3A_156 = arith.constant 0 : i32
        %dma_start3A_157 = arith.constant 0 : i32
        %dma_start3A_158 = tpu.memref_slice %arg2[%add3A, %min3A_102, %dma_start3A_156, %dma_start3A_157] : memref<32x80x2x128xi32, #tpu.memory_space<hbm>> -> memref<1x1x2x128xi32, #tpu.memory_space<hbm>>
        %dma_start3A_159 = tpu.memref_squeeze %dma_start3A_158 : memref<1x1x2x128xi32, #tpu.memory_space<hbm>> -> memref<2x128xi32, #tpu.memory_space<hbm>>
        %dma_start3A_160 = arith.constant 0 : i32
        %dma_start3A_161 = arith.constant 0 : i32
        %dma_start3A_162 = tpu.memref_slice %arg2[%add3A, %min3A_102, %dma_start3A_160, %dma_start3A_161] : memref<32x80x2x128xi32, #tpu.memory_space<hbm>> -> memref<1x1x2x128xi32, #tpu.memory_space<hbm>>
        %dma_start3A_163 = tpu.memref_squeeze %dma_start3A_162 : memref<1x1x2x128xi32, #tpu.memory_space<hbm>> -> memref<2x128xi32, #tpu.memory_space<hbm>>
        tpu.enqueue_dma source(%dma_start3A_163 : memref<2x128xi32, #tpu.memory_space<hbm>>) target(%arg6 : memref<2x128xi32, #tpu.memory_space<vmem>>) target_semaphore(%run_scoped3A_155 : memref<!tpu.dma_semaphore, #tpu.memory_space<semaphore_mem>>)
        %dma_wait3A_164 = arith.constant 0 : i32
        %dma_wait3A_165 = arith.constant 0 : i32
        %dma_wait3A_166 = tpu.memref_slice %arg2[%add3A, %min3A_102, %dma_wait3A_164, %dma_wait3A_165] : memref<32x80x2x128xi32, #tpu.memory_space<hbm>> -> memref<1x1x2x128xi32, #tpu.memory_space<hbm>>
        %dma_wait3A_167 = tpu.memref_squeeze %dma_wait3A_166 : memref<1x1x2x128xi32, #tpu.memory_space<hbm>> -> memref<2x128xi32, #tpu.memory_space<hbm>>
        %dma_wait3A_168 = arith.constant 0 : i32
        %dma_wait3A_169 = arith.constant 0 : i32
        %dma_wait3A_170 = tpu.memref_slice %arg2[%add3A, %min3A_102, %dma_wait3A_168, %dma_wait3A_169] : memref<32x80x2x128xi32, #tpu.memory_space<hbm>> -> memref<1x1x2x128xi32, #tpu.memory_space<hbm>>
        %dma_wait3A_171 = tpu.memref_squeeze %dma_wait3A_170 : memref<1x1x2x128xi32, #tpu.memory_space<hbm>> -> memref<2x128xi32, #tpu.memory_space<hbm>>
        tpu.wait_dma2 semaphore(%run_scoped3A_155 : memref<!tpu.dma_semaphore, #tpu.memory_space<semaphore_mem>>) src(%dma_wait3A_171 : memref<2x128xi32, #tpu.memory_space<hbm>>) dst(%arg6 : memref<2x128xi32, #tpu.memory_space<vmem>>)
        tpu.yield
      }) : () -> ()
      %dma_start3A_132 = arith.constant 0 : i32
      %dma_start3A_133 = arith.constant 0 : i32
      %dma_start3A_134 = tpu.memref_slice %arg6[%dma_start3A_132, %dma_start3A_133] : memref<2x128xi32, #tpu.memory_space<vmem>> -> memref<1x128xi32, #tpu.memory_space<vmem>>
      %dma_start3A_135 = tpu.memref_squeeze %dma_start3A_134 : memref<1x128xi32, #tpu.memory_space<vmem>> -> memref<128xi32, #tpu.memory_space<vmem>>
      %dma_start3A_136 = arith.constant 0 : i32
      %dma_start3A_137 = arith.constant 0 : i32
      %dma_start3A_138 = tpu.memref_slice %arg3[%dma_start3A_136, %dma_start3A_137] : memref<10240x128xf32, #tpu.memory_space<hbm>> -> memref<10240x128xf32, #tpu.memory_space<hbm>>
      tpu.enqueue_indirect_dma source(%dma_start3A_138 : memref<10240x128xf32, #tpu.memory_space<hbm>>) target(%arg8 : memref<128x128xf32, #tpu.memory_space<vmem>>) offsets(%dma_start3A_135 : memref<128xi32, #tpu.memory_space<vmem>>) semaphore(%arg11 : memref<!tpu.dma_semaphore, #tpu.memory_space<semaphore_mem>>)
      %dma_wait3A_139 = arith.constant 0 : i32
      %dma_wait3A_140 = arith.constant 0 : i32
      %dma_wait3A_141 = tpu.memref_slice %arg7[%dma_wait3A_139, %dma_wait3A_140] : memref<2x128xi32, #tpu.memory_space<vmem>> -> memref<1x128xi32, #tpu.memory_space<vmem>>
      %dma_wait3A_142 = tpu.memref_squeeze %dma_wait3A_141 : memref<1x128xi32, #tpu.memory_space<vmem>> -> memref<128xi32, #tpu.memory_space<vmem>>
      %dma_wait3A_143 = arith.constant 0 : i32
      %dma_wait3A_144 = arith.constant 0 : i32
      %dma_wait3A_145 = tpu.memref_slice %arg3[%dma_wait3A_143, %dma_wait3A_144] : memref<10240x128xf32, #tpu.memory_space<hbm>> -> memref<10240x128xf32, #tpu.memory_space<hbm>>
      tpu.wait_indirect_dma semaphore(%arg12 : memref<!tpu.dma_semaphore, #tpu.memory_space<semaphore_mem>>) src(%dma_wait3A_145 : memref<10240x128xf32, #tpu.memory_space<hbm>>) dst(%arg9 : memref<128x128xf32, #tpu.memory_space<vmem>>)
      %run_scoped3A_146 = arith.constant 1 : i32
      "tpu.region"() ({
        %run_scoped3A_155 = tpu.sem_alloc : memref<!tpu.dma_semaphore, #tpu.memory_space<semaphore_mem>>
        %dma_start3A_156 = arith.constant 0 : i32
        %dma_start3A_157 = tpu.memref_slice %arg7[%run_scoped3A_146, %dma_start3A_156] : memref<2x128xi32, #tpu.memory_space<vmem>> -> memref<1x128xi32, #tpu.memory_space<vmem>>
        %dma_start3A_158 = tpu.memref_squeeze %dma_start3A_157 : memref<1x128xi32, #tpu.memory_space<vmem>> -> memref<128xi32, #tpu.memory_space<vmem>>
        %dma_start3A_159 = arith.constant 0 : i32
        %dma_start3A_160 = arith.constant 0 : i32
        %dma_start3A_161 = tpu.memref_slice %arg10[%dma_start3A_159, %dma_start3A_160] : memref<10240x128xf32, #tpu.memory_space<vmem_shared>> -> memref<10240x128xf32, #tpu.memory_space<vmem_shared>>
        tpu.enqueue_indirect_dma source(%arg9 : memref<128x128xf32, #tpu.memory_space<vmem>>) target(%dma_start3A_161 : memref<10240x128xf32, #tpu.memory_space<vmem_shared>>) offsets(%dma_start3A_158 : memref<128xi32, #tpu.memory_space<vmem>>) semaphore(%run_scoped3A_155 : memref<!tpu.dma_semaphore, #tpu.memory_space<semaphore_mem>>) {add = true}
        %dma_wait3A_162 = arith.constant 0 : i32
        %dma_wait3A_163 = tpu.memref_slice %arg7[%run_scoped3A_146, %dma_wait3A_162] : memref<2x128xi32, #tpu.memory_space<vmem>> -> memref<1x128xi32, #tpu.memory_space<vmem>>
        %dma_wait3A_164 = tpu.memref_squeeze %dma_wait3A_163 : memref<1x128xi32, #tpu.memory_space<vmem>> -> memref<128xi32, #tpu.memory_space<vmem>>
        %dma_wait3A_165 = arith.constant 0 : i32
        %dma_wait3A_166 = arith.constant 0 : i32
        %dma_wait3A_167 = tpu.memref_slice %arg10[%dma_wait3A_165, %dma_wait3A_166] : memref<10240x128xf32, #tpu.memory_space<vmem_shared>> -> memref<10240x128xf32, #tpu.memory_space<vmem_shared>>
        tpu.wait_indirect_dma semaphore(%run_scoped3A_155 : memref<!tpu.dma_semaphore, #tpu.memory_space<semaphore_mem>>) src(%arg9 : memref<128x128xf32, #tpu.memory_space<vmem>>) dst(%dma_wait3A_167 : memref<10240x128xf32, #tpu.memory_space<vmem_shared>>)
        tpu.yield
      }) : () -> ()
      %dma_start3A_147 = arith.constant 0 : i32
      %dma_start3A_148 = arith.constant 0 : i32
      %dma_start3A_149 = tpu.memref_slice %arg2[%add3A, %min3A_108, %dma_start3A_147, %dma_start3A_148] : memref<32x80x2x128xi32, #tpu.memory_space<hbm>> -> memref<1x1x2x128xi32, #tpu.memory_space<hbm>>
      %dma_start3A_150 = tpu.memref_squeeze %dma_start3A_149 : memref<1x1x2x128xi32, #tpu.memory_space<hbm>> -> memref<2x128xi32, #tpu.memory_space<hbm>>
      %dma_start3A_151 = arith.constant 0 : i32
      %dma_start3A_152 = arith.constant 0 : i32
      %dma_start3A_153 = tpu.memref_slice %arg2[%add3A, %min3A_108, %dma_start3A_151, %dma_start3A_152] : memref<32x80x2x128xi32, #tpu.memory_space<hbm>> -> memref<1x1x2x128xi32, #tpu.memory_space<hbm>>
      %dma_start3A_154 = tpu.memref_squeeze %dma_start3A_153 : memref<1x1x2x128xi32, #tpu.memory_space<hbm>> -> memref<2x128xi32, #tpu.memory_space<hbm>>
      tpu.enqueue_dma source(%dma_start3A_154 : memref<2x128xi32, #tpu.memory_space<hbm>>) target(%arg7 : memref<2x128xi32, #tpu.memory_space<vmem>>) target_semaphore(%arg13 : memref<!tpu.dma_semaphore, #tpu.memory_space<semaphore_mem>>)
    }
    %scan3A_40 = arith.constant 40 : i32
    %dma_wait3A = arith.constant 0 : i32
    %dma_wait3A_41 = arith.constant 0 : i32
    %dma_wait3A_42 = tpu.memref_slice %arg6[%dma_wait3A, %dma_wait3A_41] : memref<2x128xi32, #tpu.memory_space<vmem>> -> memref<1x128xi32, #tpu.memory_space<vmem>>
    %dma_wait3A_43 = tpu.memref_squeeze %dma_wait3A_42 : memref<1x128xi32, #tpu.memory_space<vmem>> -> memref<128xi32, #tpu.memory_space<vmem>>
    %dma_wait3A_44 = arith.constant 0 : i32
    %dma_wait3A_45 = arith.constant 0 : i32
    %dma_wait3A_46 = tpu.memref_slice %arg3[%dma_wait3A_44, %dma_wait3A_45] : memref<10240x128xf32, #tpu.memory_space<hbm>> -> memref<10240x128xf32, #tpu.memory_space<hbm>>
    tpu.wait_indirect_dma semaphore(%arg11 : memref<!tpu.dma_semaphore, #tpu.memory_space<semaphore_mem>>) src(%dma_wait3A_46 : memref<10240x128xf32, #tpu.memory_space<hbm>>) dst(%arg8 : memref<128x128xf32, #tpu.memory_space<vmem>>)
    %dma_wait3A_47 = arith.constant 79 : i32
    %dma_wait3A_48 = arith.constant 0 : i32
    %dma_wait3A_49 = arith.constant 0 : i32
    %dma_wait3A_50 = tpu.memref_slice %arg2[%add3A, %dma_wait3A_47, %dma_wait3A_48, %dma_wait3A_49] : memref<32x80x2x128xi32, #tpu.memory_space<hbm>> -> memref<1x1x2x128xi32, #tpu.memory_space<hbm>>
    %dma_wait3A_51 = tpu.memref_squeeze %dma_wait3A_50 : memref<1x1x2x128xi32, #tpu.memory_space<hbm>> -> memref<2x128xi32, #tpu.memory_space<hbm>>
    %dma_wait3A_52 = arith.constant 0 : i32
    %dma_wait3A_53 = arith.constant 0 : i32
    %dma_wait3A_54 = tpu.memref_slice %arg2[%add3A, %dma_wait3A_47, %dma_wait3A_52, %dma_wait3A_53] : memref<32x80x2x128xi32, #tpu.memory_space<hbm>> -> memref<1x1x2x128xi32, #tpu.memory_space<hbm>>
    %dma_wait3A_55 = tpu.memref_squeeze %dma_wait3A_54 : memref<1x1x2x128xi32, #tpu.memory_space<hbm>> -> memref<2x128xi32, #tpu.memory_space<hbm>>
    tpu.wait_dma2 semaphore(%arg13 : memref<!tpu.dma_semaphore, #tpu.memory_space<semaphore_mem>>) src(%dma_wait3A_55 : memref<2x128xi32, #tpu.memory_space<hbm>>) dst(%arg7 : memref<2x128xi32, #tpu.memory_space<vmem>>)
    %barrier3A_56 = arith.constant 0 : index
    tpu.barrier barrier_id(%barrier3A_56)
    %mul3A_57 = arith.constant 640 : i32
    %mul3A_58 = arith.muli %arg1, %mul3A_57 : i32
    %add3A_59 = arith.constant 0 : i32
    %add3A_60 = arith.addi %mul3A_58, %add3A_59 : i32
    "tpu.region"() ({
      %run_scoped3A_97 = tpu.sem_alloc : memref<!tpu.dma_semaphore, #tpu.memory_space<semaphore_mem>>
      %dma_start3A_98 = arith.constant 0 : i32
      %dma_start3A_99 = tpu.memref_slice %arg10[%add3A_60, %dma_start3A_98] : memref<10240x128xf32, #tpu.memory_space<vmem_shared>> -> memref<128x128xf32, #tpu.memory_space<vmem_shared>>
      %dma_start3A_100 = arith.constant 0 : i32
      %dma_start3A_101 = tpu.memref_slice %arg10[%add3A_60, %dma_start3A_100] : memref<10240x128xf32, #tpu.memory_space<vmem_shared>> -> memref<128x128xf32, #tpu.memory_space<vmem_shared>>
      tpu.enqueue_dma source(%dma_start3A_101 : memref<128x128xf32, #tpu.memory_space<vmem_shared>>) target(%arg8 : memref<128x128xf32, #tpu.memory_space<vmem>>) target_semaphore(%run_scoped3A_97 : memref<!tpu.dma_semaphore, #tpu.memory_space<semaphore_mem>>)
      %dma_wait3A_102 = arith.constant 0 : i32
      %dma_wait3A_103 = tpu.memref_slice %arg10[%add3A_60, %dma_wait3A_102] : memref<10240x128xf32, #tpu.memory_space<vmem_shared>> -> memref<128x128xf32, #tpu.memory_space<vmem_shared>>
      %dma_wait3A_104 = arith.constant 0 : i32
      %dma_wait3A_105 = tpu.memref_slice %arg10[%add3A_60, %dma_wait3A_104] : memref<10240x128xf32, #tpu.memory_space<vmem_shared>> -> memref<128x128xf32, #tpu.memory_space<vmem_shared>>
      tpu.wait_dma2 semaphore(%run_scoped3A_97 : memref<!tpu.dma_semaphore, #tpu.memory_space<semaphore_mem>>) src(%dma_wait3A_105 : memref<128x128xf32, #tpu.memory_space<vmem_shared>>) dst(%arg8 : memref<128x128xf32, #tpu.memory_space<vmem>>)
      tpu.yield
    }) : () -> ()
    %mul3A_61 = arith.constant 640 : i32
    %mul3A_62 = arith.muli %arg1, %mul3A_61 : i32
    %add3A_63 = arith.constant 0 : i32
    %add3A_64 = arith.addi %mul3A_62, %add3A_63 : i32
    "tpu.region"() ({
      %run_scoped3A_97 = tpu.sem_alloc : memref<!tpu.dma_semaphore, #tpu.memory_space<semaphore_mem>>
      %dma_start3A_98 = arith.constant 0 : i32
      %dma_start3A_99 = tpu.memref_slice %arg5[%arg0, %add3A_64, %dma_start3A_98] : memref<2x10240x128xf32, #tpu.memory_space<hbm>> -> memref<1x128x128xf32, #tpu.memory_space<hbm>>
      %dma_start3A_100 = tpu.memref_squeeze %dma_start3A_99 : memref<1x128x128xf32, #tpu.memory_space<hbm>> -> memref<128x128xf32, #tpu.memory_space<hbm>>
      %dma_start3A_101 = arith.constant 0 : i32
      %dma_start3A_102 = tpu.memref_slice %arg5[%arg0, %add3A_64, %dma_start3A_101] : memref<2x10240x128xf32, #tpu.memory_space<hbm>> -> memref<1x128x128xf32, #tpu.memory_space<hbm>>
      %dma_start3A_103 = tpu.memref_squeeze %dma_start3A_102 : memref<1x128x128xf32, #tpu.memory_space<hbm>> -> memref<128x128xf32, #tpu.memory_space<hbm>>
      tpu.enqueue_dma source(%arg8 : memref<128x128xf32, #tpu.memory_space<vmem>>) target(%dma_start3A_103 : memref<128x128xf32, #tpu.memory_space<hbm>>) target_semaphore(%run_scoped3A_97 : memref<!tpu.dma_semaphore, #tpu.memory_space<semaphore_mem>>)
      %dma_wait3A_104 = arith.constant 0 : i32
      %dma_wait3A_105 = tpu.memref_slice %arg5[%arg0, %add3A_64, %dma_wait3A_104] : memref<2x10240x128xf32, #tpu.memory_space<hbm>> -> memref<1x128x128xf32, #tpu.memory_space<hbm>>
      %dma_wait3A_106 = tpu.memref_squeeze %dma_wait3A_105 : memref<1x128x128xf32, #tpu.memory_space<hbm>> -> memref<128x128xf32, #tpu.memory_space<hbm>>
      %dma_wait3A_107 = arith.constant 0 : i32
      %dma_wait3A_108 = tpu.memref_slice %arg5[%arg0, %add3A_64, %dma_wait3A_107] : memref<2x10240x128xf32, #tpu.memory_space<hbm>> -> memref<1x128x128xf32, #tpu.memory_space<hbm>>
      %dma_wait3A_109 = tpu.memref_squeeze %dma_wait3A_108 : memref<1x128x128xf32, #tpu.memory_space<hbm>> -> memref<128x128xf32, #tpu.memory_space<hbm>>
      tpu.wait_dma2 semaphore(%run_scoped3A_97 : memref<!tpu.dma_semaphore, #tpu.memory_space<semaphore_mem>>) src(%arg8 : memref<128x128xf32, #tpu.memory_space<vmem>>) dst(%dma_wait3A_109 : memref<128x128xf32, #tpu.memory_space<hbm>>)
      tpu.yield
    }) : () -> ()
    %mul3A_65 = arith.constant 640 : i32
    %mul3A_66 = arith.muli %arg1, %mul3A_65 : i32
    %add3A_67 = arith.constant 128 : i32
    %add3A_68 = arith.addi %mul3A_66, %add3A_67 : i32
    "tpu.region"() ({
      %run_scoped3A_97 = tpu.sem_alloc : memref<!tpu.dma_semaphore, #tpu.memory_space<semaphore_mem>>
      %dma_start3A_98 = arith.constant 0 : i32
      %dma_start3A_99 = tpu.memref_slice %arg10[%add3A_68, %dma_start3A_98] : memref<10240x128xf32, #tpu.memory_space<vmem_shared>> -> memref<128x128xf32, #tpu.memory_space<vmem_shared>>
      %dma_start3A_100 = arith.constant 0 : i32
      %dma_start3A_101 = tpu.memref_slice %arg10[%add3A_68, %dma_start3A_100] : memref<10240x128xf32, #tpu.memory_space<vmem_shared>> -> memref<128x128xf32, #tpu.memory_space<vmem_shared>>
      tpu.enqueue_dma source(%dma_start3A_101 : memref<128x128xf32, #tpu.memory_space<vmem_shared>>) target(%arg8 : memref<128x128xf32, #tpu.memory_space<vmem>>) target_semaphore(%run_scoped3A_97 : memref<!tpu.dma_semaphore, #tpu.memory_space<semaphore_mem>>)
      %dma_wait3A_102 = arith.constant 0 : i32
      %dma_wait3A_103 = tpu.memref_slice %arg10[%add3A_68, %dma_wait3A_102] : memref<10240x128xf32, #tpu.memory_space<vmem_shared>> -> memref<128x128xf32, #tpu.memory_space<vmem_shared>>
      %dma_wait3A_104 = arith.constant 0 : i32
      %dma_wait3A_105 = tpu.memref_slice %arg10[%add3A_68, %dma_wait3A_104] : memref<10240x128xf32, #tpu.memory_space<vmem_shared>> -> memref<128x128xf32, #tpu.memory_space<vmem_shared>>
      tpu.wait_dma2 semaphore(%run_scoped3A_97 : memref<!tpu.dma_semaphore, #tpu.memory_space<semaphore_mem>>) src(%dma_wait3A_105 : memref<128x128xf32, #tpu.memory_space<vmem_shared>>) dst(%arg8 : memref<128x128xf32, #tpu.memory_space<vmem>>)
      tpu.yield
    }) : () -> ()
    %mul3A_69 = arith.constant 640 : i32
    %mul3A_70 = arith.muli %arg1, %mul3A_69 : i32
    %add3A_71 = arith.constant 128 : i32
    %add3A_72 = arith.addi %mul3A_70, %add3A_71 : i32
    "tpu.region"() ({
      %run_scoped3A_97 = tpu.sem_alloc : memref<!tpu.dma_semaphore, #tpu.memory_space<semaphore_mem>>
      %dma_start3A_98 = arith.constant 0 : i32
      %dma_start3A_99 = tpu.memref_slice %arg5[%arg0, %add3A_72, %dma_start3A_98] : memref<2x10240x128xf32, #tpu.memory_space<hbm>> -> memref<1x128x128xf32, #tpu.memory_space<hbm>>
      %dma_start3A_100 = tpu.memref_squeeze %dma_start3A_99 : memref<1x128x128xf32, #tpu.memory_space<hbm>> -> memref<128x128xf32, #tpu.memory_space<hbm>>
      %dma_start3A_101 = arith.constant 0 : i32
      %dma_start3A_102 = tpu.memref_slice %arg5[%arg0, %add3A_72, %dma_start3A_101] : memref<2x10240x128xf32, #tpu.memory_space<hbm>> -> memref<1x128x128xf32, #tpu.memory_space<hbm>>
      %dma_start3A_103 = tpu.memref_squeeze %dma_start3A_102 : memref<1x128x128xf32, #tpu.memory_space<hbm>> -> memref<128x128xf32, #tpu.memory_space<hbm>>
      tpu.enqueue_dma source(%arg8 : memref<128x128xf32, #tpu.memory_space<vmem>>) target(%dma_start3A_103 : memref<128x128xf32, #tpu.memory_space<hbm>>) target_semaphore(%run_scoped3A_97 : memref<!tpu.dma_semaphore, #tpu.memory_space<semaphore_mem>>)
      %dma_wait3A_104 = arith.constant 0 : i32
      %dma_wait3A_105 = tpu.memref_slice %arg5[%arg0, %add3A_72, %dma_wait3A_104] : memref<2x10240x128xf32, #tpu.memory_space<hbm>> -> memref<1x128x128xf32, #tpu.memory_space<hbm>>
      %dma_wait3A_106 = tpu.memref_squeeze %dma_wait3A_105 : memref<1x128x128xf32, #tpu.memory_space<hbm>> -> memref<128x128xf32, #tpu.memory_space<hbm>>
      %dma_wait3A_107 = arith.constant 0 : i32
      %dma_wait3A_108 = tpu.memref_slice %arg5[%arg0, %add3A_72, %dma_wait3A_107] : memref<2x10240x128xf32, #tpu.memory_space<hbm>> -> memref<1x128x128xf32, #tpu.memory_space<hbm>>
      %dma_wait3A_109 = tpu.memref_squeeze %dma_wait3A_108 : memref<1x128x128xf32, #tpu.memory_space<hbm>> -> memref<128x128xf32, #tpu.memory_space<hbm>>
      tpu.wait_dma2 semaphore(%run_scoped3A_97 : memref<!tpu.dma_semaphore, #tpu.memory_space<semaphore_mem>>) src(%arg8 : memref<128x128xf32, #tpu.memory_space<vmem>>) dst(%dma_wait3A_109 : memref<128x128xf32, #tpu.memory_space<hbm>>)
      tpu.yield
    }) : () -> ()
    %mul3A_73 = arith.constant 640 : i32
    %mul3A_74 = arith.muli %arg1, %mul3A_73 : i32
    %add3A_75 = arith.constant 256 : i32
    %add3A_76 = arith.addi %mul3A_74, %add3A_75 : i32
    "tpu.region"() ({
      %run_scoped3A_97 = tpu.sem_alloc : memref<!tpu.dma_semaphore, #tpu.memory_space<semaphore_mem>>
      %dma_start3A_98 = arith.constant 0 : i32
      %dma_start3A_99 = tpu.memref_slice %arg10[%add3A_76, %dma_start3A_98] : memref<10240x128xf32, #tpu.memory_space<vmem_shared>> -> memref<128x128xf32, #tpu.memory_space<vmem_shared>>
      %dma_start3A_100 = arith.constant 0 : i32
      %dma_start3A_101 = tpu.memref_slice %arg10[%add3A_76, %dma_start3A_100] : memref<10240x128xf32, #tpu.memory_space<vmem_shared>> -> memref<128x128xf32, #tpu.memory_space<vmem_shared>>
      tpu.enqueue_dma source(%dma_start3A_101 : memref<128x128xf32, #tpu.memory_space<vmem_shared>>) target(%arg8 : memref<128x128xf32, #tpu.memory_space<vmem>>) target_semaphore(%run_scoped3A_97 : memref<!tpu.dma_semaphore, #tpu.memory_space<semaphore_mem>>)
      %dma_wait3A_102 = arith.constant 0 : i32
      %dma_wait3A_103 = tpu.memref_slice %arg10[%add3A_76, %dma_wait3A_102] : memref<10240x128xf32, #tpu.memory_space<vmem_shared>> -> memref<128x128xf32, #tpu.memory_space<vmem_shared>>
      %dma_wait3A_104 = arith.constant 0 : i32
      %dma_wait3A_105 = tpu.memref_slice %arg10[%add3A_76, %dma_wait3A_104] : memref<10240x128xf32, #tpu.memory_space<vmem_shared>> -> memref<128x128xf32, #tpu.memory_space<vmem_shared>>
      tpu.wait_dma2 semaphore(%run_scoped3A_97 : memref<!tpu.dma_semaphore, #tpu.memory_space<semaphore_mem>>) src(%dma_wait3A_105 : memref<128x128xf32, #tpu.memory_space<vmem_shared>>) dst(%arg8 : memref<128x128xf32, #tpu.memory_space<vmem>>)
      tpu.yield
    }) : () -> ()
    %mul3A_77 = arith.constant 640 : i32
    %mul3A_78 = arith.muli %arg1, %mul3A_77 : i32
    %add3A_79 = arith.constant 256 : i32
    %add3A_80 = arith.addi %mul3A_78, %add3A_79 : i32
    "tpu.region"() ({
      %run_scoped3A_97 = tpu.sem_alloc : memref<!tpu.dma_semaphore, #tpu.memory_space<semaphore_mem>>
      %dma_start3A_98 = arith.constant 0 : i32
      %dma_start3A_99 = tpu.memref_slice %arg5[%arg0, %add3A_80, %dma_start3A_98] : memref<2x10240x128xf32, #tpu.memory_space<hbm>> -> memref<1x128x128xf32, #tpu.memory_space<hbm>>
      %dma_start3A_100 = tpu.memref_squeeze %dma_start3A_99 : memref<1x128x128xf32, #tpu.memory_space<hbm>> -> memref<128x128xf32, #tpu.memory_space<hbm>>
      %dma_start3A_101 = arith.constant 0 : i32
      %dma_start3A_102 = tpu.memref_slice %arg5[%arg0, %add3A_80, %dma_start3A_101] : memref<2x10240x128xf32, #tpu.memory_space<hbm>> -> memref<1x128x128xf32, #tpu.memory_space<hbm>>
      %dma_start3A_103 = tpu.memref_squeeze %dma_start3A_102 : memref<1x128x128xf32, #tpu.memory_space<hbm>> -> memref<128x128xf32, #tpu.memory_space<hbm>>
      tpu.enqueue_dma source(%arg8 : memref<128x128xf32, #tpu.memory_space<vmem>>) target(%dma_start3A_103 : memref<128x128xf32, #tpu.memory_space<hbm>>) target_semaphore(%run_scoped3A_97 : memref<!tpu.dma_semaphore, #tpu.memory_space<semaphore_mem>>)
      %dma_wait3A_104 = arith.constant 0 : i32
      %dma_wait3A_105 = tpu.memref_slice %arg5[%arg0, %add3A_80, %dma_wait3A_104] : memref<2x10240x128xf32, #tpu.memory_space<hbm>> -> memref<1x128x128xf32, #tpu.memory_space<hbm>>
      %dma_wait3A_106 = tpu.memref_squeeze %dma_wait3A_105 : memref<1x128x128xf32, #tpu.memory_space<hbm>> -> memref<128x128xf32, #tpu.memory_space<hbm>>
      %dma_wait3A_107 = arith.constant 0 : i32
      %dma_wait3A_108 = tpu.memref_slice %arg5[%arg0, %add3A_80, %dma_wait3A_107] : memref<2x10240x128xf32, #tpu.memory_space<hbm>> -> memref<1x128x128xf32, #tpu.memory_space<hbm>>
      %dma_wait3A_109 = tpu.memref_squeeze %dma_wait3A_108 : memref<1x128x128xf32, #tpu.memory_space<hbm>> -> memref<128x128xf32, #tpu.memory_space<hbm>>
      tpu.wait_dma2 semaphore(%run_scoped3A_97 : memref<!tpu.dma_semaphore, #tpu.memory_space<semaphore_mem>>) src(%arg8 : memref<128x128xf32, #tpu.memory_space<vmem>>) dst(%dma_wait3A_109 : memref<128x128xf32, #tpu.memory_space<hbm>>)
      tpu.yield
    }) : () -> ()
    %mul3A_81 = arith.constant 640 : i32
    %mul3A_82 = arith.muli %arg1, %mul3A_81 : i32
    %add3A_83 = arith.constant 384 : i32
    %add3A_84 = arith.addi %mul3A_82, %add3A_83 : i32
    "tpu.region"() ({
      %run_scoped3A_97 = tpu.sem_alloc : memref<!tpu.dma_semaphore, #tpu.memory_space<semaphore_mem>>
      %dma_start3A_98 = arith.constant 0 : i32
      %dma_start3A_99 = tpu.memref_slice %arg10[%add3A_84, %dma_start3A_98] : memref<10240x128xf32, #tpu.memory_space<vmem_shared>> -> memref<128x128xf32, #tpu.memory_space<vmem_shared>>
      %dma_start3A_100 = arith.constant 0 : i32
      %dma_start3A_101 = tpu.memref_slice %arg10[%add3A_84, %dma_start3A_100] : memref<10240x128xf32, #tpu.memory_space<vmem_shared>> -> memref<128x128xf32, #tpu.memory_space<vmem_shared>>
      tpu.enqueue_dma source(%dma_start3A_101 : memref<128x128xf32, #tpu.memory_space<vmem_shared>>) target(%arg8 : memref<128x128xf32, #tpu.memory_space<vmem>>) target_semaphore(%run_scoped3A_97 : memref<!tpu.dma_semaphore, #tpu.memory_space<semaphore_mem>>)
      %dma_wait3A_102 = arith.constant 0 : i32
      %dma_wait3A_103 = tpu.memref_slice %arg10[%add3A_84, %dma_wait3A_102] : memref<10240x128xf32, #tpu.memory_space<vmem_shared>> -> memref<128x128xf32, #tpu.memory_space<vmem_shared>>
      %dma_wait3A_104 = arith.constant 0 : i32
      %dma_wait3A_105 = tpu.memref_slice %arg10[%add3A_84, %dma_wait3A_104] : memref<10240x128xf32, #tpu.memory_space<vmem_shared>> -> memref<128x128xf32, #tpu.memory_space<vmem_shared>>
      tpu.wait_dma2 semaphore(%run_scoped3A_97 : memref<!tpu.dma_semaphore, #tpu.memory_space<semaphore_mem>>) src(%dma_wait3A_105 : memref<128x128xf32, #tpu.memory_space<vmem_shared>>) dst(%arg8 : memref<128x128xf32, #tpu.memory_space<vmem>>)
      tpu.yield
    }) : () -> ()
    %mul3A_85 = arith.constant 640 : i32
    %mul3A_86 = arith.muli %arg1, %mul3A_85 : i32
    %add3A_87 = arith.constant 384 : i32
    %add3A_88 = arith.addi %mul3A_86, %add3A_87 : i32
    "tpu.region"() ({
      %run_scoped3A_97 = tpu.sem_alloc : memref<!tpu.dma_semaphore, #tpu.memory_space<semaphore_mem>>
      %dma_start3A_98 = arith.constant 0 : i32
      %dma_start3A_99 = tpu.memref_slice %arg5[%arg0, %add3A_88, %dma_start3A_98] : memref<2x10240x128xf32, #tpu.memory_space<hbm>> -> memref<1x128x128xf32, #tpu.memory_space<hbm>>
      %dma_start3A_100 = tpu.memref_squeeze %dma_start3A_99 : memref<1x128x128xf32, #tpu.memory_space<hbm>> -> memref<128x128xf32, #tpu.memory_space<hbm>>
      %dma_start3A_101 = arith.constant 0 : i32
      %dma_start3A_102 = tpu.memref_slice %arg5[%arg0, %add3A_88, %dma_start3A_101] : memref<2x10240x128xf32, #tpu.memory_space<hbm>> -> memref<1x128x128xf32, #tpu.memory_space<hbm>>
      %dma_start3A_103 = tpu.memref_squeeze %dma_start3A_102 : memref<1x128x128xf32, #tpu.memory_space<hbm>> -> memref<128x128xf32, #tpu.memory_space<hbm>>
      tpu.enqueue_dma source(%arg8 : memref<128x128xf32, #tpu.memory_space<vmem>>) target(%dma_start3A_103 : memref<128x128xf32, #tpu.memory_space<hbm>>) target_semaphore(%run_scoped3A_97 : memref<!tpu.dma_semaphore, #tpu.memory_space<semaphore_mem>>)
      %dma_wait3A_104 = arith.constant 0 : i32
      %dma_wait3A_105 = tpu.memref_slice %arg5[%arg0, %add3A_88, %dma_wait3A_104] : memref<2x10240x128xf32, #tpu.memory_space<hbm>> -> memref<1x128x128xf32, #tpu.memory_space<hbm>>
      %dma_wait3A_106 = tpu.memref_squeeze %dma_wait3A_105 : memref<1x128x128xf32, #tpu.memory_space<hbm>> -> memref<128x128xf32, #tpu.memory_space<hbm>>
      %dma_wait3A_107 = arith.constant 0 : i32
      %dma_wait3A_108 = tpu.memref_slice %arg5[%arg0, %add3A_88, %dma_wait3A_107] : memref<2x10240x128xf32, #tpu.memory_space<hbm>> -> memref<1x128x128xf32, #tpu.memory_space<hbm>>
      %dma_wait3A_109 = tpu.memref_squeeze %dma_wait3A_108 : memref<1x128x128xf32, #tpu.memory_space<hbm>> -> memref<128x128xf32, #tpu.memory_space<hbm>>
      tpu.wait_dma2 semaphore(%run_scoped3A_97 : memref<!tpu.dma_semaphore, #tpu.memory_space<semaphore_mem>>) src(%arg8 : memref<128x128xf32, #tpu.memory_space<vmem>>) dst(%dma_wait3A_109 : memref<128x128xf32, #tpu.memory_space<hbm>>)
      tpu.yield
    }) : () -> ()
    %mul3A_89 = arith.constant 640 : i32
    %mul3A_90 = arith.muli %arg1, %mul3A_89 : i32
    %add3A_91 = arith.constant 512 : i32
    %add3A_92 = arith.addi %mul3A_90, %add3A_91 : i32
    "tpu.region"() ({
      %run_scoped3A_97 = tpu.sem_alloc : memref<!tpu.dma_semaphore, #tpu.memory_space<semaphore_mem>>
      %dma_start3A_98 = arith.constant 0 : i32
      %dma_start3A_99 = tpu.memref_slice %arg10[%add3A_92, %dma_start3A_98] : memref<10240x128xf32, #tpu.memory_space<vmem_shared>> -> memref<128x128xf32, #tpu.memory_space<vmem_shared>>
      %dma_start3A_100 = arith.constant 0 : i32
      %dma_start3A_101 = tpu.memref_slice %arg10[%add3A_92, %dma_start3A_100] : memref<10240x128xf32, #tpu.memory_space<vmem_shared>> -> memref<128x128xf32, #tpu.memory_space<vmem_shared>>
      tpu.enqueue_dma source(%dma_start3A_101 : memref<128x128xf32, #tpu.memory_space<vmem_shared>>) target(%arg8 : memref<128x128xf32, #tpu.memory_space<vmem>>) target_semaphore(%run_scoped3A_97 : memref<!tpu.dma_semaphore, #tpu.memory_space<semaphore_mem>>)
      %dma_wait3A_102 = arith.constant 0 : i32
      %dma_wait3A_103 = tpu.memref_slice %arg10[%add3A_92, %dma_wait3A_102] : memref<10240x128xf32, #tpu.memory_space<vmem_shared>> -> memref<128x128xf32, #tpu.memory_space<vmem_shared>>
      %dma_wait3A_104 = arith.constant 0 : i32
      %dma_wait3A_105 = tpu.memref_slice %arg10[%add3A_92, %dma_wait3A_104] : memref<10240x128xf32, #tpu.memory_space<vmem_shared>> -> memref<128x128xf32, #tpu.memory_space<vmem_shared>>
      tpu.wait_dma2 semaphore(%run_scoped3A_97 : memref<!tpu.dma_semaphore, #tpu.memory_space<semaphore_mem>>) src(%dma_wait3A_105 : memref<128x128xf32, #tpu.memory_space<vmem_shared>>) dst(%arg8 : memref<128x128xf32, #tpu.memory_space<vmem>>)
      tpu.yield
    }) : () -> ()
    %mul3A_93 = arith.constant 640 : i32
    %mul3A_94 = arith.muli %arg1, %mul3A_93 : i32
    %add3A_95 = arith.constant 512 : i32
    %add3A_96 = arith.addi %mul3A_94, %add3A_95 : i32
    "tpu.region"() ({
      %run_scoped3A_97 = tpu.sem_alloc : memref<!tpu.dma_semaphore, #tpu.memory_space<semaphore_mem>>
      %dma_start3A_98 = arith.constant 0 : i32
      %dma_start3A_99 = tpu.memref_slice %arg5[%arg0, %add3A_96, %dma_start3A_98] : memref<2x10240x128xf32, #tpu.memory_space<hbm>> -> memref<1x128x128xf32, #tpu.memory_space<hbm>>
      %dma_start3A_100 = tpu.memref_squeeze %dma_start3A_99 : memref<1x128x128xf32, #tpu.memory_space<hbm>> -> memref<128x128xf32, #tpu.memory_space<hbm>>
      %dma_start3A_101 = arith.constant 0 : i32
      %dma_start3A_102 = tpu.memref_slice %arg5[%arg0, %add3A_96, %dma_start3A_101] : memref<2x10240x128xf32, #tpu.memory_space<hbm>> -> memref<1x128x128xf32, #tpu.memory_space<hbm>>
      %dma_start3A_103 = tpu.memref_squeeze %dma_start3A_102 : memref<1x128x128xf32, #tpu.memory_space<hbm>> -> memref<128x128xf32, #tpu.memory_space<hbm>>
      tpu.enqueue_dma source(%arg8 : memref<128x128xf32, #tpu.memory_space<vmem>>) target(%dma_start3A_103 : memref<128x128xf32, #tpu.memory_space<hbm>>) target_semaphore(%run_scoped3A_97 : memref<!tpu.dma_semaphore, #tpu.memory_space<semaphore_mem>>)
      %dma_wait3A_104 = arith.constant 0 : i32
      %dma_wait3A_105 = tpu.memref_slice %arg5[%arg0, %add3A_96, %dma_wait3A_104] : memref<2x10240x128xf32, #tpu.memory_space<hbm>> -> memref<1x128x128xf32, #tpu.memory_space<hbm>>
      %dma_wait3A_106 = tpu.memref_squeeze %dma_wait3A_105 : memref<1x128x128xf32, #tpu.memory_space<hbm>> -> memref<128x128xf32, #tpu.memory_space<hbm>>
      %dma_wait3A_107 = arith.constant 0 : i32
      %dma_wait3A_108 = tpu.memref_slice %arg5[%arg0, %add3A_96, %dma_wait3A_107] : memref<2x10240x128xf32, #tpu.memory_space<hbm>> -> memref<1x128x128xf32, #tpu.memory_space<hbm>>
      %dma_wait3A_109 = tpu.memref_squeeze %dma_wait3A_108 : memref<1x128x128xf32, #tpu.memory_space<hbm>> -> memref<128x128xf32, #tpu.memory_space<hbm>>
      tpu.wait_dma2 semaphore(%run_scoped3A_97 : memref<!tpu.dma_semaphore, #tpu.memory_space<semaphore_mem>>) src(%arg8 : memref<128x128xf32, #tpu.memory_space<vmem>>) dst(%dma_wait3A_109 : memref<128x128xf32, #tpu.memory_space<hbm>>)
      tpu.yield
    }) : () -> ()
    return
  }
}

#map = affine_map<(d0, d1) -> (0, 0, 0)>
#map1 = affine_map<(d0, d1) -> (0, 0)>
module attributes {stable_mosaic.version = 14 : i64} {
  func.func @k(%arg0: i32, %arg1: i32, %arg2: memref<32x80x128xi32, #tpu.memory_space<hbm>>, %arg3: memref<128x128xf32, #tpu.memory_space<hbm>>, %arg4: memref<128x128xf32, #tpu.memory_space<hbm>>, %arg5: memref<2x10240x128xf32, #tpu.memory_space<hbm>>, %arg6: memref<1x128xi32, #tpu.memory_space<vmem>>, %arg7: memref<1x128xi32, #tpu.memory_space<vmem>>, %arg8: memref<128x128xf32, #tpu.memory_space<vmem>>, %arg9: memref<128x128xf32, #tpu.memory_space<vmem>>, %arg10: memref<10240x128xf32, #tpu.memory_space<vmem_shared>>, %arg11: memref<!tpu.dma_semaphore, #tpu.memory_space<semaphore_mem>>, %arg12: memref<!tpu.dma_semaphore, #tpu.memory_space<semaphore_mem>>) attributes {dimension_semantics = [#tpu.dimension_semantics<core_parallel>, #tpu.dimension_semantics<subcore_parallel>], iteration_bounds = array<i64: 2, 16>, scalar_prefetch = 0 : i64, scratch_operands = 7 : i64, tpu.core_type = #tpu.core_type<sc_vector_subcore>, window_params = [{transform_indices = #map}, {transform_indices = #map1}, {transform_indices = #map1}, {transform_indices = #map}]} {
    %mul3A = arith.constant 16 : i32
    %mul3A_0 = arith.muli %arg0, %mul3A : i32
    %add3A = arith.addi %mul3A_0, %arg1 : i32
    "tpu.region"() ({
      %run_scoped3A = tpu.sem_alloc : memref<!tpu.dma_semaphore, #tpu.memory_space<semaphore_mem>>
      tpu.enqueue_dma source(%arg4 : memref<128x128xf32, #tpu.memory_space<hbm>>) target(%arg8 : memref<128x128xf32, #tpu.memory_space<vmem>>) target_semaphore(%run_scoped3A : memref<!tpu.dma_semaphore, #tpu.memory_space<semaphore_mem>>)
      tpu.wait_dma2 semaphore(%run_scoped3A : memref<!tpu.dma_semaphore, #tpu.memory_space<semaphore_mem>>) src(%arg4 : memref<128x128xf32, #tpu.memory_space<hbm>>) dst(%arg8 : memref<128x128xf32, #tpu.memory_space<vmem>>)
      tpu.yield
    }) : () -> ()
    "tpu.region"() ({
      %run_scoped3A = tpu.sem_alloc : memref<!tpu.dma_semaphore, #tpu.memory_space<semaphore_mem>>
      tpu.enqueue_dma source(%arg3 : memref<128x128xf32, #tpu.memory_space<hbm>>) target(%arg9 : memref<128x128xf32, #tpu.memory_space<vmem>>) target_semaphore(%run_scoped3A : memref<!tpu.dma_semaphore, #tpu.memory_space<semaphore_mem>>)
      tpu.wait_dma2 semaphore(%run_scoped3A : memref<!tpu.dma_semaphore, #tpu.memory_space<semaphore_mem>>) src(%arg3 : memref<128x128xf32, #tpu.memory_space<hbm>>) dst(%arg9 : memref<128x128xf32, #tpu.memory_space<vmem>>)
      tpu.yield
    }) : () -> ()
    %mul3A_1 = arith.constant 640 : i32
    %mul3A_2 = arith.muli %arg1, %mul3A_1 : i32
    %add3A_3 = arith.constant 0 : i32
    %add3A_4 = arith.addi %mul3A_2, %add3A_3 : i32
    "tpu.region"() ({
      %run_scoped3A = tpu.sem_alloc : memref<!tpu.dma_semaphore, #tpu.memory_space<semaphore_mem>>
      %dma_start3A_81 = arith.constant 0 : i32
      %dma_start3A_82 = tpu.memref_slice %arg10[%add3A_4, %dma_start3A_81] : memref<10240x128xf32, #tpu.memory_space<vmem_shared>> -> memref<128x128xf32, #tpu.memory_space<vmem_shared>>
      %dma_start3A_83 = arith.constant 0 : i32
      %dma_start3A_84 = tpu.memref_slice %arg10[%add3A_4, %dma_start3A_83] : memref<10240x128xf32, #tpu.memory_space<vmem_shared>> -> memref<128x128xf32, #tpu.memory_space<vmem_shared>>
      tpu.enqueue_dma source(%arg9 : memref<128x128xf32, #tpu.memory_space<vmem>>) target(%dma_start3A_84 : memref<128x128xf32, #tpu.memory_space<vmem_shared>>) target_semaphore(%run_scoped3A : memref<!tpu.dma_semaphore, #tpu.memory_space<semaphore_mem>>)
      %dma_wait3A_85 = arith.constant 0 : i32
      %dma_wait3A_86 = tpu.memref_slice %arg10[%add3A_4, %dma_wait3A_85] : memref<10240x128xf32, #tpu.memory_space<vmem_shared>> -> memref<128x128xf32, #tpu.memory_space<vmem_shared>>
      %dma_wait3A_87 = arith.constant 0 : i32
      %dma_wait3A_88 = tpu.memref_slice %arg10[%add3A_4, %dma_wait3A_87] : memref<10240x128xf32, #tpu.memory_space<vmem_shared>> -> memref<128x128xf32, #tpu.memory_space<vmem_shared>>
      tpu.wait_dma2 semaphore(%run_scoped3A : memref<!tpu.dma_semaphore, #tpu.memory_space<semaphore_mem>>) src(%arg9 : memref<128x128xf32, #tpu.memory_space<vmem>>) dst(%dma_wait3A_88 : memref<128x128xf32, #tpu.memory_space<vmem_shared>>)
      tpu.yield
    }) : () -> ()
    %mul3A_5 = arith.constant 640 : i32
    %mul3A_6 = arith.muli %arg1, %mul3A_5 : i32
    %add3A_7 = arith.constant 128 : i32
    %add3A_8 = arith.addi %mul3A_6, %add3A_7 : i32
    "tpu.region"() ({
      %run_scoped3A = tpu.sem_alloc : memref<!tpu.dma_semaphore, #tpu.memory_space<semaphore_mem>>
      %dma_start3A_81 = arith.constant 0 : i32
      %dma_start3A_82 = tpu.memref_slice %arg10[%add3A_8, %dma_start3A_81] : memref<10240x128xf32, #tpu.memory_space<vmem_shared>> -> memref<128x128xf32, #tpu.memory_space<vmem_shared>>
      %dma_start3A_83 = arith.constant 0 : i32
      %dma_start3A_84 = tpu.memref_slice %arg10[%add3A_8, %dma_start3A_83] : memref<10240x128xf32, #tpu.memory_space<vmem_shared>> -> memref<128x128xf32, #tpu.memory_space<vmem_shared>>
      tpu.enqueue_dma source(%arg9 : memref<128x128xf32, #tpu.memory_space<vmem>>) target(%dma_start3A_84 : memref<128x128xf32, #tpu.memory_space<vmem_shared>>) target_semaphore(%run_scoped3A : memref<!tpu.dma_semaphore, #tpu.memory_space<semaphore_mem>>)
      %dma_wait3A_85 = arith.constant 0 : i32
      %dma_wait3A_86 = tpu.memref_slice %arg10[%add3A_8, %dma_wait3A_85] : memref<10240x128xf32, #tpu.memory_space<vmem_shared>> -> memref<128x128xf32, #tpu.memory_space<vmem_shared>>
      %dma_wait3A_87 = arith.constant 0 : i32
      %dma_wait3A_88 = tpu.memref_slice %arg10[%add3A_8, %dma_wait3A_87] : memref<10240x128xf32, #tpu.memory_space<vmem_shared>> -> memref<128x128xf32, #tpu.memory_space<vmem_shared>>
      tpu.wait_dma2 semaphore(%run_scoped3A : memref<!tpu.dma_semaphore, #tpu.memory_space<semaphore_mem>>) src(%arg9 : memref<128x128xf32, #tpu.memory_space<vmem>>) dst(%dma_wait3A_88 : memref<128x128xf32, #tpu.memory_space<vmem_shared>>)
      tpu.yield
    }) : () -> ()
    %mul3A_9 = arith.constant 640 : i32
    %mul3A_10 = arith.muli %arg1, %mul3A_9 : i32
    %add3A_11 = arith.constant 256 : i32
    %add3A_12 = arith.addi %mul3A_10, %add3A_11 : i32
    "tpu.region"() ({
      %run_scoped3A = tpu.sem_alloc : memref<!tpu.dma_semaphore, #tpu.memory_space<semaphore_mem>>
      %dma_start3A_81 = arith.constant 0 : i32
      %dma_start3A_82 = tpu.memref_slice %arg10[%add3A_12, %dma_start3A_81] : memref<10240x128xf32, #tpu.memory_space<vmem_shared>> -> memref<128x128xf32, #tpu.memory_space<vmem_shared>>
      %dma_start3A_83 = arith.constant 0 : i32
      %dma_start3A_84 = tpu.memref_slice %arg10[%add3A_12, %dma_start3A_83] : memref<10240x128xf32, #tpu.memory_space<vmem_shared>> -> memref<128x128xf32, #tpu.memory_space<vmem_shared>>
      tpu.enqueue_dma source(%arg9 : memref<128x128xf32, #tpu.memory_space<vmem>>) target(%dma_start3A_84 : memref<128x128xf32, #tpu.memory_space<vmem_shared>>) target_semaphore(%run_scoped3A : memref<!tpu.dma_semaphore, #tpu.memory_space<semaphore_mem>>)
      %dma_wait3A_85 = arith.constant 0 : i32
      %dma_wait3A_86 = tpu.memref_slice %arg10[%add3A_12, %dma_wait3A_85] : memref<10240x128xf32, #tpu.memory_space<vmem_shared>> -> memref<128x128xf32, #tpu.memory_space<vmem_shared>>
      %dma_wait3A_87 = arith.constant 0 : i32
      %dma_wait3A_88 = tpu.memref_slice %arg10[%add3A_12, %dma_wait3A_87] : memref<10240x128xf32, #tpu.memory_space<vmem_shared>> -> memref<128x128xf32, #tpu.memory_space<vmem_shared>>
      tpu.wait_dma2 semaphore(%run_scoped3A : memref<!tpu.dma_semaphore, #tpu.memory_space<semaphore_mem>>) src(%arg9 : memref<128x128xf32, #tpu.memory_space<vmem>>) dst(%dma_wait3A_88 : memref<128x128xf32, #tpu.memory_space<vmem_shared>>)
      tpu.yield
    }) : () -> ()
    %mul3A_13 = arith.constant 640 : i32
    %mul3A_14 = arith.muli %arg1, %mul3A_13 : i32
    %add3A_15 = arith.constant 384 : i32
    %add3A_16 = arith.addi %mul3A_14, %add3A_15 : i32
    "tpu.region"() ({
      %run_scoped3A = tpu.sem_alloc : memref<!tpu.dma_semaphore, #tpu.memory_space<semaphore_mem>>
      %dma_start3A_81 = arith.constant 0 : i32
      %dma_start3A_82 = tpu.memref_slice %arg10[%add3A_16, %dma_start3A_81] : memref<10240x128xf32, #tpu.memory_space<vmem_shared>> -> memref<128x128xf32, #tpu.memory_space<vmem_shared>>
      %dma_start3A_83 = arith.constant 0 : i32
      %dma_start3A_84 = tpu.memref_slice %arg10[%add3A_16, %dma_start3A_83] : memref<10240x128xf32, #tpu.memory_space<vmem_shared>> -> memref<128x128xf32, #tpu.memory_space<vmem_shared>>
      tpu.enqueue_dma source(%arg9 : memref<128x128xf32, #tpu.memory_space<vmem>>) target(%dma_start3A_84 : memref<128x128xf32, #tpu.memory_space<vmem_shared>>) target_semaphore(%run_scoped3A : memref<!tpu.dma_semaphore, #tpu.memory_space<semaphore_mem>>)
      %dma_wait3A_85 = arith.constant 0 : i32
      %dma_wait3A_86 = tpu.memref_slice %arg10[%add3A_16, %dma_wait3A_85] : memref<10240x128xf32, #tpu.memory_space<vmem_shared>> -> memref<128x128xf32, #tpu.memory_space<vmem_shared>>
      %dma_wait3A_87 = arith.constant 0 : i32
      %dma_wait3A_88 = tpu.memref_slice %arg10[%add3A_16, %dma_wait3A_87] : memref<10240x128xf32, #tpu.memory_space<vmem_shared>> -> memref<128x128xf32, #tpu.memory_space<vmem_shared>>
      tpu.wait_dma2 semaphore(%run_scoped3A : memref<!tpu.dma_semaphore, #tpu.memory_space<semaphore_mem>>) src(%arg9 : memref<128x128xf32, #tpu.memory_space<vmem>>) dst(%dma_wait3A_88 : memref<128x128xf32, #tpu.memory_space<vmem_shared>>)
      tpu.yield
    }) : () -> ()
    %mul3A_17 = arith.constant 640 : i32
    %mul3A_18 = arith.muli %arg1, %mul3A_17 : i32
    %add3A_19 = arith.constant 512 : i32
    %add3A_20 = arith.addi %mul3A_18, %add3A_19 : i32
    "tpu.region"() ({
      %run_scoped3A = tpu.sem_alloc : memref<!tpu.dma_semaphore, #tpu.memory_space<semaphore_mem>>
      %dma_start3A_81 = arith.constant 0 : i32
      %dma_start3A_82 = tpu.memref_slice %arg10[%add3A_20, %dma_start3A_81] : memref<10240x128xf32, #tpu.memory_space<vmem_shared>> -> memref<128x128xf32, #tpu.memory_space<vmem_shared>>
      %dma_start3A_83 = arith.constant 0 : i32
      %dma_start3A_84 = tpu.memref_slice %arg10[%add3A_20, %dma_start3A_83] : memref<10240x128xf32, #tpu.memory_space<vmem_shared>> -> memref<128x128xf32, #tpu.memory_space<vmem_shared>>
      tpu.enqueue_dma source(%arg9 : memref<128x128xf32, #tpu.memory_space<vmem>>) target(%dma_start3A_84 : memref<128x128xf32, #tpu.memory_space<vmem_shared>>) target_semaphore(%run_scoped3A : memref<!tpu.dma_semaphore, #tpu.memory_space<semaphore_mem>>)
      %dma_wait3A_85 = arith.constant 0 : i32
      %dma_wait3A_86 = tpu.memref_slice %arg10[%add3A_20, %dma_wait3A_85] : memref<10240x128xf32, #tpu.memory_space<vmem_shared>> -> memref<128x128xf32, #tpu.memory_space<vmem_shared>>
      %dma_wait3A_87 = arith.constant 0 : i32
      %dma_wait3A_88 = tpu.memref_slice %arg10[%add3A_20, %dma_wait3A_87] : memref<10240x128xf32, #tpu.memory_space<vmem_shared>> -> memref<128x128xf32, #tpu.memory_space<vmem_shared>>
      tpu.wait_dma2 semaphore(%run_scoped3A : memref<!tpu.dma_semaphore, #tpu.memory_space<semaphore_mem>>) src(%arg9 : memref<128x128xf32, #tpu.memory_space<vmem>>) dst(%dma_wait3A_88 : memref<128x128xf32, #tpu.memory_space<vmem_shared>>)
      tpu.yield
    }) : () -> ()
    %barrier3A = arith.constant 0 : index
    tpu.barrier barrier_id(%barrier3A)
    "tpu.region"() ({
      %run_scoped3A = tpu.sem_alloc : memref<!tpu.dma_semaphore, #tpu.memory_space<semaphore_mem>>
      %dma_start3A_81 = arith.constant 0 : i32
      %dma_start3A_82 = arith.constant 0 : i32
      %dma_start3A_83 = tpu.memref_slice %arg2[%add3A, %dma_start3A_81, %dma_start3A_82] : memref<32x80x128xi32, #tpu.memory_space<hbm>> -> memref<1x1x128xi32, #tpu.memory_space<hbm>>
      %dma_start3A_84 = tpu.memref_squeeze %dma_start3A_83 : memref<1x1x128xi32, #tpu.memory_space<hbm>> -> memref<1x128xi32, #tpu.memory_space<hbm>>
      %dma_start3A_85 = arith.constant 0 : i32
      %dma_start3A_86 = arith.constant 0 : i32
      %dma_start3A_87 = tpu.memref_slice %arg2[%add3A, %dma_start3A_85, %dma_start3A_86] : memref<32x80x128xi32, #tpu.memory_space<hbm>> -> memref<1x1x128xi32, #tpu.memory_space<hbm>>
      %dma_start3A_88 = tpu.memref_squeeze %dma_start3A_87 : memref<1x1x128xi32, #tpu.memory_space<hbm>> -> memref<1x128xi32, #tpu.memory_space<hbm>>
      tpu.enqueue_dma source(%dma_start3A_88 : memref<1x128xi32, #tpu.memory_space<hbm>>) target(%arg6 : memref<1x128xi32, #tpu.memory_space<vmem>>) target_semaphore(%run_scoped3A : memref<!tpu.dma_semaphore, #tpu.memory_space<semaphore_mem>>)
      %dma_wait3A_89 = arith.constant 0 : i32
      %dma_wait3A_90 = arith.constant 0 : i32
      %dma_wait3A_91 = tpu.memref_slice %arg2[%add3A, %dma_wait3A_89, %dma_wait3A_90] : memref<32x80x128xi32, #tpu.memory_space<hbm>> -> memref<1x1x128xi32, #tpu.memory_space<hbm>>
      %dma_wait3A_92 = tpu.memref_squeeze %dma_wait3A_91 : memref<1x1x128xi32, #tpu.memory_space<hbm>> -> memref<1x128xi32, #tpu.memory_space<hbm>>
      %dma_wait3A_93 = arith.constant 0 : i32
      %dma_wait3A_94 = arith.constant 0 : i32
      %dma_wait3A_95 = tpu.memref_slice %arg2[%add3A, %dma_wait3A_93, %dma_wait3A_94] : memref<32x80x128xi32, #tpu.memory_space<hbm>> -> memref<1x1x128xi32, #tpu.memory_space<hbm>>
      %dma_wait3A_96 = tpu.memref_squeeze %dma_wait3A_95 : memref<1x1x128xi32, #tpu.memory_space<hbm>> -> memref<1x128xi32, #tpu.memory_space<hbm>>
      tpu.wait_dma2 semaphore(%run_scoped3A : memref<!tpu.dma_semaphore, #tpu.memory_space<semaphore_mem>>) src(%dma_wait3A_96 : memref<1x128xi32, #tpu.memory_space<hbm>>) dst(%arg6 : memref<1x128xi32, #tpu.memory_space<vmem>>)
      tpu.yield
    }) : () -> ()
    %dma_start3A = arith.constant 1 : i32
    %dma_start3A_21 = arith.constant 0 : i32
    %dma_start3A_22 = tpu.memref_slice %arg2[%add3A, %dma_start3A, %dma_start3A_21] : memref<32x80x128xi32, #tpu.memory_space<hbm>> -> memref<1x1x128xi32, #tpu.memory_space<hbm>>
    %dma_start3A_23 = tpu.memref_squeeze %dma_start3A_22 : memref<1x1x128xi32, #tpu.memory_space<hbm>> -> memref<1x128xi32, #tpu.memory_space<hbm>>
    %dma_start3A_24 = arith.constant 1 : i32
    %dma_start3A_25 = arith.constant 0 : i32
    %dma_start3A_26 = tpu.memref_slice %arg2[%add3A, %dma_start3A_24, %dma_start3A_25] : memref<32x80x128xi32, #tpu.memory_space<hbm>> -> memref<1x1x128xi32, #tpu.memory_space<hbm>>
    %dma_start3A_27 = tpu.memref_squeeze %dma_start3A_26 : memref<1x1x128xi32, #tpu.memory_space<hbm>> -> memref<1x128xi32, #tpu.memory_space<hbm>>
    tpu.enqueue_dma source(%dma_start3A_27 : memref<1x128xi32, #tpu.memory_space<hbm>>) target(%arg7 : memref<1x128xi32, #tpu.memory_space<vmem>>) target_semaphore(%arg12 : memref<!tpu.dma_semaphore, #tpu.memory_space<semaphore_mem>>)
    %scan3A = arith.constant 0 : i32
    %scan3A_28 = arith.constant 0 : i32
    %scan3A_29 = arith.constant 40 : i32
    %scan3A_30 = arith.addi %scan3A_28, %scan3A_29 : i32
    %scan3A_31 = arith.constant 1 : i32
    scf.for %scan3A_81 = %scan3A_28 to %scan3A_30 step %scan3A_31  : i32 {
      %mul3A_82 = arith.constant 2 : i32
      %mul3A_83 = arith.muli %mul3A_82, %scan3A_81 : i32
      %add3A_84 = arith.constant 2 : i32
      %add3A_85 = arith.addi %mul3A_83, %add3A_84 : i32
      %min3A = arith.constant 79 : i32
      %min3A_86 = arith.minsi %add3A_85, %min3A : i32
      %mul3A_87 = arith.constant 2 : i32
      %mul3A_88 = arith.muli %mul3A_87, %scan3A_81 : i32
      %add3A_89 = arith.constant 3 : i32
      %add3A_90 = arith.addi %mul3A_88, %add3A_89 : i32
      %min3A_91 = arith.constant 79 : i32
      %min3A_92 = arith.minsi %add3A_90, %min3A_91 : i32
      %run_scoped3A = arith.constant 0 : i32
      "tpu.region"() ({
        %run_scoped3A_118 = tpu.sem_alloc : memref<!tpu.dma_semaphore, #tpu.memory_space<semaphore_mem>>
        %dma_start3A_119 = arith.constant 0 : i32
        %dma_start3A_120 = tpu.memref_slice %arg6[%run_scoped3A, %dma_start3A_119] : memref<1x128xi32, #tpu.memory_space<vmem>> -> memref<1x128xi32, #tpu.memory_space<vmem>>
        %dma_start3A_121 = tpu.memref_squeeze %dma_start3A_120 : memref<1x128xi32, #tpu.memory_space<vmem>> -> memref<128xi32, #tpu.memory_space<vmem>>
        %dma_start3A_122 = arith.constant 0 : i32
        %dma_start3A_123 = arith.constant 0 : i32
        %dma_start3A_124 = tpu.memref_slice %arg10[%dma_start3A_122, %dma_start3A_123] : memref<10240x128xf32, #tpu.memory_space<vmem_shared>> -> memref<10240x128xf32, #tpu.memory_space<vmem_shared>>
        tpu.enqueue_indirect_dma source(%arg8 : memref<128x128xf32, #tpu.memory_space<vmem>>) target(%dma_start3A_124 : memref<10240x128xf32, #tpu.memory_space<vmem_shared>>) offsets(%dma_start3A_121 : memref<128xi32, #tpu.memory_space<vmem>>) semaphore(%run_scoped3A_118 : memref<!tpu.dma_semaphore, #tpu.memory_space<semaphore_mem>>) {add = true}
        %dma_wait3A_125 = arith.constant 0 : i32
        %dma_wait3A_126 = tpu.memref_slice %arg6[%run_scoped3A, %dma_wait3A_125] : memref<1x128xi32, #tpu.memory_space<vmem>> -> memref<1x128xi32, #tpu.memory_space<vmem>>
        %dma_wait3A_127 = tpu.memref_squeeze %dma_wait3A_126 : memref<1x128xi32, #tpu.memory_space<vmem>> -> memref<128xi32, #tpu.memory_space<vmem>>
        %dma_wait3A_128 = arith.constant 0 : i32
        %dma_wait3A_129 = arith.constant 0 : i32
        %dma_wait3A_130 = tpu.memref_slice %arg10[%dma_wait3A_128, %dma_wait3A_129] : memref<10240x128xf32, #tpu.memory_space<vmem_shared>> -> memref<10240x128xf32, #tpu.memory_space<vmem_shared>>
        tpu.wait_indirect_dma semaphore(%run_scoped3A_118 : memref<!tpu.dma_semaphore, #tpu.memory_space<semaphore_mem>>) src(%arg8 : memref<128x128xf32, #tpu.memory_space<vmem>>) dst(%dma_wait3A_130 : memref<10240x128xf32, #tpu.memory_space<vmem_shared>>)
        tpu.yield
      }) : () -> ()
      %dma_wait3A_93 = arith.constant 0 : i32
      %dma_wait3A_94 = tpu.memref_slice %arg2[%add3A, %min3A_92, %dma_wait3A_93] : memref<32x80x128xi32, #tpu.memory_space<hbm>> -> memref<1x1x128xi32, #tpu.memory_space<hbm>>
      %dma_wait3A_95 = tpu.memref_squeeze %dma_wait3A_94 : memref<1x1x128xi32, #tpu.memory_space<hbm>> -> memref<1x128xi32, #tpu.memory_space<hbm>>
      %dma_wait3A_96 = arith.constant 0 : i32
      %dma_wait3A_97 = tpu.memref_slice %arg2[%add3A, %min3A_92, %dma_wait3A_96] : memref<32x80x128xi32, #tpu.memory_space<hbm>> -> memref<1x1x128xi32, #tpu.memory_space<hbm>>
      %dma_wait3A_98 = tpu.memref_squeeze %dma_wait3A_97 : memref<1x1x128xi32, #tpu.memory_space<hbm>> -> memref<1x128xi32, #tpu.memory_space<hbm>>
      tpu.wait_dma2 semaphore(%arg12 : memref<!tpu.dma_semaphore, #tpu.memory_space<semaphore_mem>>) src(%dma_wait3A_98 : memref<1x128xi32, #tpu.memory_space<hbm>>) dst(%arg7 : memref<1x128xi32, #tpu.memory_space<vmem>>)
      %dma_start3A_99 = arith.constant 0 : i32
      %dma_start3A_100 = tpu.memref_slice %arg2[%add3A, %min3A_86, %dma_start3A_99] : memref<32x80x128xi32, #tpu.memory_space<hbm>> -> memref<1x1x128xi32, #tpu.memory_space<hbm>>
      %dma_start3A_101 = tpu.memref_squeeze %dma_start3A_100 : memref<1x1x128xi32, #tpu.memory_space<hbm>> -> memref<1x128xi32, #tpu.memory_space<hbm>>
      %dma_start3A_102 = arith.constant 0 : i32
      %dma_start3A_103 = tpu.memref_slice %arg2[%add3A, %min3A_86, %dma_start3A_102] : memref<32x80x128xi32, #tpu.memory_space<hbm>> -> memref<1x1x128xi32, #tpu.memory_space<hbm>>
      %dma_start3A_104 = tpu.memref_squeeze %dma_start3A_103 : memref<1x1x128xi32, #tpu.memory_space<hbm>> -> memref<1x128xi32, #tpu.memory_space<hbm>>
      tpu.enqueue_dma source(%dma_start3A_104 : memref<1x128xi32, #tpu.memory_space<hbm>>) target(%arg6 : memref<1x128xi32, #tpu.memory_space<vmem>>) target_semaphore(%arg11 : memref<!tpu.dma_semaphore, #tpu.memory_space<semaphore_mem>>)
      %run_scoped3A_105 = arith.constant 0 : i32
      "tpu.region"() ({
        %run_scoped3A_118 = tpu.sem_alloc : memref<!tpu.dma_semaphore, #tpu.memory_space<semaphore_mem>>
        %dma_start3A_119 = arith.constant 0 : i32
        %dma_start3A_120 = tpu.memref_slice %arg7[%run_scoped3A_105, %dma_start3A_119] : memref<1x128xi32, #tpu.memory_space<vmem>> -> memref<1x128xi32, #tpu.memory_space<vmem>>
        %dma_start3A_121 = tpu.memref_squeeze %dma_start3A_120 : memref<1x128xi32, #tpu.memory_space<vmem>> -> memref<128xi32, #tpu.memory_space<vmem>>
        %dma_start3A_122 = arith.constant 0 : i32
        %dma_start3A_123 = arith.constant 0 : i32
        %dma_start3A_124 = tpu.memref_slice %arg10[%dma_start3A_122, %dma_start3A_123] : memref<10240x128xf32, #tpu.memory_space<vmem_shared>> -> memref<10240x128xf32, #tpu.memory_space<vmem_shared>>
        tpu.enqueue_indirect_dma source(%arg8 : memref<128x128xf32, #tpu.memory_space<vmem>>) target(%dma_start3A_124 : memref<10240x128xf32, #tpu.memory_space<vmem_shared>>) offsets(%dma_start3A_121 : memref<128xi32, #tpu.memory_space<vmem>>) semaphore(%run_scoped3A_118 : memref<!tpu.dma_semaphore, #tpu.memory_space<semaphore_mem>>) {add = true}
        %dma_wait3A_125 = arith.constant 0 : i32
        %dma_wait3A_126 = tpu.memref_slice %arg7[%run_scoped3A_105, %dma_wait3A_125] : memref<1x128xi32, #tpu.memory_space<vmem>> -> memref<1x128xi32, #tpu.memory_space<vmem>>
        %dma_wait3A_127 = tpu.memref_squeeze %dma_wait3A_126 : memref<1x128xi32, #tpu.memory_space<vmem>> -> memref<128xi32, #tpu.memory_space<vmem>>
        %dma_wait3A_128 = arith.constant 0 : i32
        %dma_wait3A_129 = arith.constant 0 : i32
        %dma_wait3A_130 = tpu.memref_slice %arg10[%dma_wait3A_128, %dma_wait3A_129] : memref<10240x128xf32, #tpu.memory_space<vmem_shared>> -> memref<10240x128xf32, #tpu.memory_space<vmem_shared>>
        tpu.wait_indirect_dma semaphore(%run_scoped3A_118 : memref<!tpu.dma_semaphore, #tpu.memory_space<semaphore_mem>>) src(%arg8 : memref<128x128xf32, #tpu.memory_space<vmem>>) dst(%dma_wait3A_130 : memref<10240x128xf32, #tpu.memory_space<vmem_shared>>)
        tpu.yield
      }) : () -> ()
      %dma_wait3A_106 = arith.constant 0 : i32
      %dma_wait3A_107 = tpu.memref_slice %arg2[%add3A, %min3A_86, %dma_wait3A_106] : memref<32x80x128xi32, #tpu.memory_space<hbm>> -> memref<1x1x128xi32, #tpu.memory_space<hbm>>
      %dma_wait3A_108 = tpu.memref_squeeze %dma_wait3A_107 : memref<1x1x128xi32, #tpu.memory_space<hbm>> -> memref<1x128xi32, #tpu.memory_space<hbm>>
      %dma_wait3A_109 = arith.constant 0 : i32
      %dma_wait3A_110 = tpu.memref_slice %arg2[%add3A, %min3A_86, %dma_wait3A_109] : memref<32x80x128xi32, #tpu.memory_space<hbm>> -> memref<1x1x128xi32, #tpu.memory_space<hbm>>
      %dma_wait3A_111 = tpu.memref_squeeze %dma_wait3A_110 : memref<1x1x128xi32, #tpu.memory_space<hbm>> -> memref<1x128xi32, #tpu.memory_space<hbm>>
      tpu.wait_dma2 semaphore(%arg11 : memref<!tpu.dma_semaphore, #tpu.memory_space<semaphore_mem>>) src(%dma_wait3A_111 : memref<1x128xi32, #tpu.memory_space<hbm>>) dst(%arg6 : memref<1x128xi32, #tpu.memory_space<vmem>>)
      %dma_start3A_112 = arith.constant 0 : i32
      %dma_start3A_113 = tpu.memref_slice %arg2[%add3A, %min3A_92, %dma_start3A_112] : memref<32x80x128xi32, #tpu.memory_space<hbm>> -> memref<1x1x128xi32, #tpu.memory_space<hbm>>
      %dma_start3A_114 = tpu.memref_squeeze %dma_start3A_113 : memref<1x1x128xi32, #tpu.memory_space<hbm>> -> memref<1x128xi32, #tpu.memory_space<hbm>>
      %dma_start3A_115 = arith.constant 0 : i32
      %dma_start3A_116 = tpu.memref_slice %arg2[%add3A, %min3A_92, %dma_start3A_115] : memref<32x80x128xi32, #tpu.memory_space<hbm>> -> memref<1x1x128xi32, #tpu.memory_space<hbm>>
      %dma_start3A_117 = tpu.memref_squeeze %dma_start3A_116 : memref<1x1x128xi32, #tpu.memory_space<hbm>> -> memref<1x128xi32, #tpu.memory_space<hbm>>
      tpu.enqueue_dma source(%dma_start3A_117 : memref<1x128xi32, #tpu.memory_space<hbm>>) target(%arg7 : memref<1x128xi32, #tpu.memory_space<vmem>>) target_semaphore(%arg12 : memref<!tpu.dma_semaphore, #tpu.memory_space<semaphore_mem>>)
    }
    %scan3A_32 = arith.constant 40 : i32
    %dma_wait3A = arith.constant 79 : i32
    %dma_wait3A_33 = arith.constant 0 : i32
    %dma_wait3A_34 = tpu.memref_slice %arg2[%add3A, %dma_wait3A, %dma_wait3A_33] : memref<32x80x128xi32, #tpu.memory_space<hbm>> -> memref<1x1x128xi32, #tpu.memory_space<hbm>>
    %dma_wait3A_35 = tpu.memref_squeeze %dma_wait3A_34 : memref<1x1x128xi32, #tpu.memory_space<hbm>> -> memref<1x128xi32, #tpu.memory_space<hbm>>
    %dma_wait3A_36 = arith.constant 79 : i32
    %dma_wait3A_37 = arith.constant 0 : i32
    %dma_wait3A_38 = tpu.memref_slice %arg2[%add3A, %dma_wait3A_36, %dma_wait3A_37] : memref<32x80x128xi32, #tpu.memory_space<hbm>> -> memref<1x1x128xi32, #tpu.memory_space<hbm>>
    %dma_wait3A_39 = tpu.memref_squeeze %dma_wait3A_38 : memref<1x1x128xi32, #tpu.memory_space<hbm>> -> memref<1x128xi32, #tpu.memory_space<hbm>>
    tpu.wait_dma2 semaphore(%arg12 : memref<!tpu.dma_semaphore, #tpu.memory_space<semaphore_mem>>) src(%dma_wait3A_39 : memref<1x128xi32, #tpu.memory_space<hbm>>) dst(%arg7 : memref<1x128xi32, #tpu.memory_space<vmem>>)
    %barrier3A_40 = arith.constant 0 : index
    tpu.barrier barrier_id(%barrier3A_40)
    %mul3A_41 = arith.constant 640 : i32
    %mul3A_42 = arith.muli %arg1, %mul3A_41 : i32
    %add3A_43 = arith.constant 0 : i32
    %add3A_44 = arith.addi %mul3A_42, %add3A_43 : i32
    "tpu.region"() ({
      %run_scoped3A = tpu.sem_alloc : memref<!tpu.dma_semaphore, #tpu.memory_space<semaphore_mem>>
      %dma_start3A_81 = arith.constant 0 : i32
      %dma_start3A_82 = tpu.memref_slice %arg10[%add3A_44, %dma_start3A_81] : memref<10240x128xf32, #tpu.memory_space<vmem_shared>> -> memref<128x128xf32, #tpu.memory_space<vmem_shared>>
      %dma_start3A_83 = arith.constant 0 : i32
      %dma_start3A_84 = tpu.memref_slice %arg10[%add3A_44, %dma_start3A_83] : memref<10240x128xf32, #tpu.memory_space<vmem_shared>> -> memref<128x128xf32, #tpu.memory_space<vmem_shared>>
      tpu.enqueue_dma source(%dma_start3A_84 : memref<128x128xf32, #tpu.memory_space<vmem_shared>>) target(%arg9 : memref<128x128xf32, #tpu.memory_space<vmem>>) target_semaphore(%run_scoped3A : memref<!tpu.dma_semaphore, #tpu.memory_space<semaphore_mem>>)
      %dma_wait3A_85 = arith.constant 0 : i32
      %dma_wait3A_86 = tpu.memref_slice %arg10[%add3A_44, %dma_wait3A_85] : memref<10240x128xf32, #tpu.memory_space<vmem_shared>> -> memref<128x128xf32, #tpu.memory_space<vmem_shared>>
      %dma_wait3A_87 = arith.constant 0 : i32
      %dma_wait3A_88 = tpu.memref_slice %arg10[%add3A_44, %dma_wait3A_87] : memref<10240x128xf32, #tpu.memory_space<vmem_shared>> -> memref<128x128xf32, #tpu.memory_space<vmem_shared>>
      tpu.wait_dma2 semaphore(%run_scoped3A : memref<!tpu.dma_semaphore, #tpu.memory_space<semaphore_mem>>) src(%dma_wait3A_88 : memref<128x128xf32, #tpu.memory_space<vmem_shared>>) dst(%arg9 : memref<128x128xf32, #tpu.memory_space<vmem>>)
      tpu.yield
    }) : () -> ()
    %mul3A_45 = arith.constant 640 : i32
    %mul3A_46 = arith.muli %arg1, %mul3A_45 : i32
    %add3A_47 = arith.constant 0 : i32
    %add3A_48 = arith.addi %mul3A_46, %add3A_47 : i32
    "tpu.region"() ({
      %run_scoped3A = tpu.sem_alloc : memref<!tpu.dma_semaphore, #tpu.memory_space<semaphore_mem>>
      %dma_start3A_81 = arith.constant 0 : i32
      %dma_start3A_82 = tpu.memref_slice %arg5[%arg0, %add3A_48, %dma_start3A_81] : memref<2x10240x128xf32, #tpu.memory_space<hbm>> -> memref<1x128x128xf32, #tpu.memory_space<hbm>>
      %dma_start3A_83 = tpu.memref_squeeze %dma_start3A_82 : memref<1x128x128xf32, #tpu.memory_space<hbm>> -> memref<128x128xf32, #tpu.memory_space<hbm>>
      %dma_start3A_84 = arith.constant 0 : i32
      %dma_start3A_85 = tpu.memref_slice %arg5[%arg0, %add3A_48, %dma_start3A_84] : memref<2x10240x128xf32, #tpu.memory_space<hbm>> -> memref<1x128x128xf32, #tpu.memory_space<hbm>>
      %dma_start3A_86 = tpu.memref_squeeze %dma_start3A_85 : memref<1x128x128xf32, #tpu.memory_space<hbm>> -> memref<128x128xf32, #tpu.memory_space<hbm>>
      tpu.enqueue_dma source(%arg9 : memref<128x128xf32, #tpu.memory_space<vmem>>) target(%dma_start3A_86 : memref<128x128xf32, #tpu.memory_space<hbm>>) target_semaphore(%run_scoped3A : memref<!tpu.dma_semaphore, #tpu.memory_space<semaphore_mem>>)
      %dma_wait3A_87 = arith.constant 0 : i32
      %dma_wait3A_88 = tpu.memref_slice %arg5[%arg0, %add3A_48, %dma_wait3A_87] : memref<2x10240x128xf32, #tpu.memory_space<hbm>> -> memref<1x128x128xf32, #tpu.memory_space<hbm>>
      %dma_wait3A_89 = tpu.memref_squeeze %dma_wait3A_88 : memref<1x128x128xf32, #tpu.memory_space<hbm>> -> memref<128x128xf32, #tpu.memory_space<hbm>>
      %dma_wait3A_90 = arith.constant 0 : i32
      %dma_wait3A_91 = tpu.memref_slice %arg5[%arg0, %add3A_48, %dma_wait3A_90] : memref<2x10240x128xf32, #tpu.memory_space<hbm>> -> memref<1x128x128xf32, #tpu.memory_space<hbm>>
      %dma_wait3A_92 = tpu.memref_squeeze %dma_wait3A_91 : memref<1x128x128xf32, #tpu.memory_space<hbm>> -> memref<128x128xf32, #tpu.memory_space<hbm>>
      tpu.wait_dma2 semaphore(%run_scoped3A : memref<!tpu.dma_semaphore, #tpu.memory_space<semaphore_mem>>) src(%arg9 : memref<128x128xf32, #tpu.memory_space<vmem>>) dst(%dma_wait3A_92 : memref<128x128xf32, #tpu.memory_space<hbm>>)
      tpu.yield
    }) : () -> ()
    %mul3A_49 = arith.constant 640 : i32
    %mul3A_50 = arith.muli %arg1, %mul3A_49 : i32
    %add3A_51 = arith.constant 128 : i32
    %add3A_52 = arith.addi %mul3A_50, %add3A_51 : i32
    "tpu.region"() ({
      %run_scoped3A = tpu.sem_alloc : memref<!tpu.dma_semaphore, #tpu.memory_space<semaphore_mem>>
      %dma_start3A_81 = arith.constant 0 : i32
      %dma_start3A_82 = tpu.memref_slice %arg10[%add3A_52, %dma_start3A_81] : memref<10240x128xf32, #tpu.memory_space<vmem_shared>> -> memref<128x128xf32, #tpu.memory_space<vmem_shared>>
      %dma_start3A_83 = arith.constant 0 : i32
      %dma_start3A_84 = tpu.memref_slice %arg10[%add3A_52, %dma_start3A_83] : memref<10240x128xf32, #tpu.memory_space<vmem_shared>> -> memref<128x128xf32, #tpu.memory_space<vmem_shared>>
      tpu.enqueue_dma source(%dma_start3A_84 : memref<128x128xf32, #tpu.memory_space<vmem_shared>>) target(%arg9 : memref<128x128xf32, #tpu.memory_space<vmem>>) target_semaphore(%run_scoped3A : memref<!tpu.dma_semaphore, #tpu.memory_space<semaphore_mem>>)
      %dma_wait3A_85 = arith.constant 0 : i32
      %dma_wait3A_86 = tpu.memref_slice %arg10[%add3A_52, %dma_wait3A_85] : memref<10240x128xf32, #tpu.memory_space<vmem_shared>> -> memref<128x128xf32, #tpu.memory_space<vmem_shared>>
      %dma_wait3A_87 = arith.constant 0 : i32
      %dma_wait3A_88 = tpu.memref_slice %arg10[%add3A_52, %dma_wait3A_87] : memref<10240x128xf32, #tpu.memory_space<vmem_shared>> -> memref<128x128xf32, #tpu.memory_space<vmem_shared>>
      tpu.wait_dma2 semaphore(%run_scoped3A : memref<!tpu.dma_semaphore, #tpu.memory_space<semaphore_mem>>) src(%dma_wait3A_88 : memref<128x128xf32, #tpu.memory_space<vmem_shared>>) dst(%arg9 : memref<128x128xf32, #tpu.memory_space<vmem>>)
      tpu.yield
    }) : () -> ()
    %mul3A_53 = arith.constant 640 : i32
    %mul3A_54 = arith.muli %arg1, %mul3A_53 : i32
    %add3A_55 = arith.constant 128 : i32
    %add3A_56 = arith.addi %mul3A_54, %add3A_55 : i32
    "tpu.region"() ({
      %run_scoped3A = tpu.sem_alloc : memref<!tpu.dma_semaphore, #tpu.memory_space<semaphore_mem>>
      %dma_start3A_81 = arith.constant 0 : i32
      %dma_start3A_82 = tpu.memref_slice %arg5[%arg0, %add3A_56, %dma_start3A_81] : memref<2x10240x128xf32, #tpu.memory_space<hbm>> -> memref<1x128x128xf32, #tpu.memory_space<hbm>>
      %dma_start3A_83 = tpu.memref_squeeze %dma_start3A_82 : memref<1x128x128xf32, #tpu.memory_space<hbm>> -> memref<128x128xf32, #tpu.memory_space<hbm>>
      %dma_start3A_84 = arith.constant 0 : i32
      %dma_start3A_85 = tpu.memref_slice %arg5[%arg0, %add3A_56, %dma_start3A_84] : memref<2x10240x128xf32, #tpu.memory_space<hbm>> -> memref<1x128x128xf32, #tpu.memory_space<hbm>>
      %dma_start3A_86 = tpu.memref_squeeze %dma_start3A_85 : memref<1x128x128xf32, #tpu.memory_space<hbm>> -> memref<128x128xf32, #tpu.memory_space<hbm>>
      tpu.enqueue_dma source(%arg9 : memref<128x128xf32, #tpu.memory_space<vmem>>) target(%dma_start3A_86 : memref<128x128xf32, #tpu.memory_space<hbm>>) target_semaphore(%run_scoped3A : memref<!tpu.dma_semaphore, #tpu.memory_space<semaphore_mem>>)
      %dma_wait3A_87 = arith.constant 0 : i32
      %dma_wait3A_88 = tpu.memref_slice %arg5[%arg0, %add3A_56, %dma_wait3A_87] : memref<2x10240x128xf32, #tpu.memory_space<hbm>> -> memref<1x128x128xf32, #tpu.memory_space<hbm>>
      %dma_wait3A_89 = tpu.memref_squeeze %dma_wait3A_88 : memref<1x128x128xf32, #tpu.memory_space<hbm>> -> memref<128x128xf32, #tpu.memory_space<hbm>>
      %dma_wait3A_90 = arith.constant 0 : i32
      %dma_wait3A_91 = tpu.memref_slice %arg5[%arg0, %add3A_56, %dma_wait3A_90] : memref<2x10240x128xf32, #tpu.memory_space<hbm>> -> memref<1x128x128xf32, #tpu.memory_space<hbm>>
      %dma_wait3A_92 = tpu.memref_squeeze %dma_wait3A_91 : memref<1x128x128xf32, #tpu.memory_space<hbm>> -> memref<128x128xf32, #tpu.memory_space<hbm>>
      tpu.wait_dma2 semaphore(%run_scoped3A : memref<!tpu.dma_semaphore, #tpu.memory_space<semaphore_mem>>) src(%arg9 : memref<128x128xf32, #tpu.memory_space<vmem>>) dst(%dma_wait3A_92 : memref<128x128xf32, #tpu.memory_space<hbm>>)
      tpu.yield
    }) : () -> ()
    %mul3A_57 = arith.constant 640 : i32
    %mul3A_58 = arith.muli %arg1, %mul3A_57 : i32
    %add3A_59 = arith.constant 256 : i32
    %add3A_60 = arith.addi %mul3A_58, %add3A_59 : i32
    "tpu.region"() ({
      %run_scoped3A = tpu.sem_alloc : memref<!tpu.dma_semaphore, #tpu.memory_space<semaphore_mem>>
      %dma_start3A_81 = arith.constant 0 : i32
      %dma_start3A_82 = tpu.memref_slice %arg10[%add3A_60, %dma_start3A_81] : memref<10240x128xf32, #tpu.memory_space<vmem_shared>> -> memref<128x128xf32, #tpu.memory_space<vmem_shared>>
      %dma_start3A_83 = arith.constant 0 : i32
      %dma_start3A_84 = tpu.memref_slice %arg10[%add3A_60, %dma_start3A_83] : memref<10240x128xf32, #tpu.memory_space<vmem_shared>> -> memref<128x128xf32, #tpu.memory_space<vmem_shared>>
      tpu.enqueue_dma source(%dma_start3A_84 : memref<128x128xf32, #tpu.memory_space<vmem_shared>>) target(%arg9 : memref<128x128xf32, #tpu.memory_space<vmem>>) target_semaphore(%run_scoped3A : memref<!tpu.dma_semaphore, #tpu.memory_space<semaphore_mem>>)
      %dma_wait3A_85 = arith.constant 0 : i32
      %dma_wait3A_86 = tpu.memref_slice %arg10[%add3A_60, %dma_wait3A_85] : memref<10240x128xf32, #tpu.memory_space<vmem_shared>> -> memref<128x128xf32, #tpu.memory_space<vmem_shared>>
      %dma_wait3A_87 = arith.constant 0 : i32
      %dma_wait3A_88 = tpu.memref_slice %arg10[%add3A_60, %dma_wait3A_87] : memref<10240x128xf32, #tpu.memory_space<vmem_shared>> -> memref<128x128xf32, #tpu.memory_space<vmem_shared>>
      tpu.wait_dma2 semaphore(%run_scoped3A : memref<!tpu.dma_semaphore, #tpu.memory_space<semaphore_mem>>) src(%dma_wait3A_88 : memref<128x128xf32, #tpu.memory_space<vmem_shared>>) dst(%arg9 : memref<128x128xf32, #tpu.memory_space<vmem>>)
      tpu.yield
    }) : () -> ()
    %mul3A_61 = arith.constant 640 : i32
    %mul3A_62 = arith.muli %arg1, %mul3A_61 : i32
    %add3A_63 = arith.constant 256 : i32
    %add3A_64 = arith.addi %mul3A_62, %add3A_63 : i32
    "tpu.region"() ({
      %run_scoped3A = tpu.sem_alloc : memref<!tpu.dma_semaphore, #tpu.memory_space<semaphore_mem>>
      %dma_start3A_81 = arith.constant 0 : i32
      %dma_start3A_82 = tpu.memref_slice %arg5[%arg0, %add3A_64, %dma_start3A_81] : memref<2x10240x128xf32, #tpu.memory_space<hbm>> -> memref<1x128x128xf32, #tpu.memory_space<hbm>>
      %dma_start3A_83 = tpu.memref_squeeze %dma_start3A_82 : memref<1x128x128xf32, #tpu.memory_space<hbm>> -> memref<128x128xf32, #tpu.memory_space<hbm>>
      %dma_start3A_84 = arith.constant 0 : i32
      %dma_start3A_85 = tpu.memref_slice %arg5[%arg0, %add3A_64, %dma_start3A_84] : memref<2x10240x128xf32, #tpu.memory_space<hbm>> -> memref<1x128x128xf32, #tpu.memory_space<hbm>>
      %dma_start3A_86 = tpu.memref_squeeze %dma_start3A_85 : memref<1x128x128xf32, #tpu.memory_space<hbm>> -> memref<128x128xf32, #tpu.memory_space<hbm>>
      tpu.enqueue_dma source(%arg9 : memref<128x128xf32, #tpu.memory_space<vmem>>) target(%dma_start3A_86 : memref<128x128xf32, #tpu.memory_space<hbm>>) target_semaphore(%run_scoped3A : memref<!tpu.dma_semaphore, #tpu.memory_space<semaphore_mem>>)
      %dma_wait3A_87 = arith.constant 0 : i32
      %dma_wait3A_88 = tpu.memref_slice %arg5[%arg0, %add3A_64, %dma_wait3A_87] : memref<2x10240x128xf32, #tpu.memory_space<hbm>> -> memref<1x128x128xf32, #tpu.memory_space<hbm>>
      %dma_wait3A_89 = tpu.memref_squeeze %dma_wait3A_88 : memref<1x128x128xf32, #tpu.memory_space<hbm>> -> memref<128x128xf32, #tpu.memory_space<hbm>>
      %dma_wait3A_90 = arith.constant 0 : i32
      %dma_wait3A_91 = tpu.memref_slice %arg5[%arg0, %add3A_64, %dma_wait3A_90] : memref<2x10240x128xf32, #tpu.memory_space<hbm>> -> memref<1x128x128xf32, #tpu.memory_space<hbm>>
      %dma_wait3A_92 = tpu.memref_squeeze %dma_wait3A_91 : memref<1x128x128xf32, #tpu.memory_space<hbm>> -> memref<128x128xf32, #tpu.memory_space<hbm>>
      tpu.wait_dma2 semaphore(%run_scoped3A : memref<!tpu.dma_semaphore, #tpu.memory_space<semaphore_mem>>) src(%arg9 : memref<128x128xf32, #tpu.memory_space<vmem>>) dst(%dma_wait3A_92 : memref<128x128xf32, #tpu.memory_space<hbm>>)
      tpu.yield
    }) : () -> ()
    %mul3A_65 = arith.constant 640 : i32
    %mul3A_66 = arith.muli %arg1, %mul3A_65 : i32
    %add3A_67 = arith.constant 384 : i32
    %add3A_68 = arith.addi %mul3A_66, %add3A_67 : i32
    "tpu.region"() ({
      %run_scoped3A = tpu.sem_alloc : memref<!tpu.dma_semaphore, #tpu.memory_space<semaphore_mem>>
      %dma_start3A_81 = arith.constant 0 : i32
      %dma_start3A_82 = tpu.memref_slice %arg10[%add3A_68, %dma_start3A_81] : memref<10240x128xf32, #tpu.memory_space<vmem_shared>> -> memref<128x128xf32, #tpu.memory_space<vmem_shared>>
      %dma_start3A_83 = arith.constant 0 : i32
      %dma_start3A_84 = tpu.memref_slice %arg10[%add3A_68, %dma_start3A_83] : memref<10240x128xf32, #tpu.memory_space<vmem_shared>> -> memref<128x128xf32, #tpu.memory_space<vmem_shared>>
      tpu.enqueue_dma source(%dma_start3A_84 : memref<128x128xf32, #tpu.memory_space<vmem_shared>>) target(%arg9 : memref<128x128xf32, #tpu.memory_space<vmem>>) target_semaphore(%run_scoped3A : memref<!tpu.dma_semaphore, #tpu.memory_space<semaphore_mem>>)
      %dma_wait3A_85 = arith.constant 0 : i32
      %dma_wait3A_86 = tpu.memref_slice %arg10[%add3A_68, %dma_wait3A_85] : memref<10240x128xf32, #tpu.memory_space<vmem_shared>> -> memref<128x128xf32, #tpu.memory_space<vmem_shared>>
      %dma_wait3A_87 = arith.constant 0 : i32
      %dma_wait3A_88 = tpu.memref_slice %arg10[%add3A_68, %dma_wait3A_87] : memref<10240x128xf32, #tpu.memory_space<vmem_shared>> -> memref<128x128xf32, #tpu.memory_space<vmem_shared>>
      tpu.wait_dma2 semaphore(%run_scoped3A : memref<!tpu.dma_semaphore, #tpu.memory_space<semaphore_mem>>) src(%dma_wait3A_88 : memref<128x128xf32, #tpu.memory_space<vmem_shared>>) dst(%arg9 : memref<128x128xf32, #tpu.memory_space<vmem>>)
      tpu.yield
    }) : () -> ()
    %mul3A_69 = arith.constant 640 : i32
    %mul3A_70 = arith.muli %arg1, %mul3A_69 : i32
    %add3A_71 = arith.constant 384 : i32
    %add3A_72 = arith.addi %mul3A_70, %add3A_71 : i32
    "tpu.region"() ({
      %run_scoped3A = tpu.sem_alloc : memref<!tpu.dma_semaphore, #tpu.memory_space<semaphore_mem>>
      %dma_start3A_81 = arith.constant 0 : i32
      %dma_start3A_82 = tpu.memref_slice %arg5[%arg0, %add3A_72, %dma_start3A_81] : memref<2x10240x128xf32, #tpu.memory_space<hbm>> -> memref<1x128x128xf32, #tpu.memory_space<hbm>>
      %dma_start3A_83 = tpu.memref_squeeze %dma_start3A_82 : memref<1x128x128xf32, #tpu.memory_space<hbm>> -> memref<128x128xf32, #tpu.memory_space<hbm>>
      %dma_start3A_84 = arith.constant 0 : i32
      %dma_start3A_85 = tpu.memref_slice %arg5[%arg0, %add3A_72, %dma_start3A_84] : memref<2x10240x128xf32, #tpu.memory_space<hbm>> -> memref<1x128x128xf32, #tpu.memory_space<hbm>>
      %dma_start3A_86 = tpu.memref_squeeze %dma_start3A_85 : memref<1x128x128xf32, #tpu.memory_space<hbm>> -> memref<128x128xf32, #tpu.memory_space<hbm>>
      tpu.enqueue_dma source(%arg9 : memref<128x128xf32, #tpu.memory_space<vmem>>) target(%dma_start3A_86 : memref<128x128xf32, #tpu.memory_space<hbm>>) target_semaphore(%run_scoped3A : memref<!tpu.dma_semaphore, #tpu.memory_space<semaphore_mem>>)
      %dma_wait3A_87 = arith.constant 0 : i32
      %dma_wait3A_88 = tpu.memref_slice %arg5[%arg0, %add3A_72, %dma_wait3A_87] : memref<2x10240x128xf32, #tpu.memory_space<hbm>> -> memref<1x128x128xf32, #tpu.memory_space<hbm>>
      %dma_wait3A_89 = tpu.memref_squeeze %dma_wait3A_88 : memref<1x128x128xf32, #tpu.memory_space<hbm>> -> memref<128x128xf32, #tpu.memory_space<hbm>>
      %dma_wait3A_90 = arith.constant 0 : i32
      %dma_wait3A_91 = tpu.memref_slice %arg5[%arg0, %add3A_72, %dma_wait3A_90] : memref<2x10240x128xf32, #tpu.memory_space<hbm>> -> memref<1x128x128xf32, #tpu.memory_space<hbm>>
      %dma_wait3A_92 = tpu.memref_squeeze %dma_wait3A_91 : memref<1x128x128xf32, #tpu.memory_space<hbm>> -> memref<128x128xf32, #tpu.memory_space<hbm>>
      tpu.wait_dma2 semaphore(%run_scoped3A : memref<!tpu.dma_semaphore, #tpu.memory_space<semaphore_mem>>) src(%arg9 : memref<128x128xf32, #tpu.memory_space<vmem>>) dst(%dma_wait3A_92 : memref<128x128xf32, #tpu.memory_space<hbm>>)
      tpu.yield
    }) : () -> ()
    %mul3A_73 = arith.constant 640 : i32
    %mul3A_74 = arith.muli %arg1, %mul3A_73 : i32
    %add3A_75 = arith.constant 512 : i32
    %add3A_76 = arith.addi %mul3A_74, %add3A_75 : i32
    "tpu.region"() ({
      %run_scoped3A = tpu.sem_alloc : memref<!tpu.dma_semaphore, #tpu.memory_space<semaphore_mem>>
      %dma_start3A_81 = arith.constant 0 : i32
      %dma_start3A_82 = tpu.memref_slice %arg10[%add3A_76, %dma_start3A_81] : memref<10240x128xf32, #tpu.memory_space<vmem_shared>> -> memref<128x128xf32, #tpu.memory_space<vmem_shared>>
      %dma_start3A_83 = arith.constant 0 : i32
      %dma_start3A_84 = tpu.memref_slice %arg10[%add3A_76, %dma_start3A_83] : memref<10240x128xf32, #tpu.memory_space<vmem_shared>> -> memref<128x128xf32, #tpu.memory_space<vmem_shared>>
      tpu.enqueue_dma source(%dma_start3A_84 : memref<128x128xf32, #tpu.memory_space<vmem_shared>>) target(%arg9 : memref<128x128xf32, #tpu.memory_space<vmem>>) target_semaphore(%run_scoped3A : memref<!tpu.dma_semaphore, #tpu.memory_space<semaphore_mem>>)
      %dma_wait3A_85 = arith.constant 0 : i32
      %dma_wait3A_86 = tpu.memref_slice %arg10[%add3A_76, %dma_wait3A_85] : memref<10240x128xf32, #tpu.memory_space<vmem_shared>> -> memref<128x128xf32, #tpu.memory_space<vmem_shared>>
      %dma_wait3A_87 = arith.constant 0 : i32
      %dma_wait3A_88 = tpu.memref_slice %arg10[%add3A_76, %dma_wait3A_87] : memref<10240x128xf32, #tpu.memory_space<vmem_shared>> -> memref<128x128xf32, #tpu.memory_space<vmem_shared>>
      tpu.wait_dma2 semaphore(%run_scoped3A : memref<!tpu.dma_semaphore, #tpu.memory_space<semaphore_mem>>) src(%dma_wait3A_88 : memref<128x128xf32, #tpu.memory_space<vmem_shared>>) dst(%arg9 : memref<128x128xf32, #tpu.memory_space<vmem>>)
      tpu.yield
    }) : () -> ()
    %mul3A_77 = arith.constant 640 : i32
    %mul3A_78 = arith.muli %arg1, %mul3A_77 : i32
    %add3A_79 = arith.constant 512 : i32
    %add3A_80 = arith.addi %mul3A_78, %add3A_79 : i32
    "tpu.region"() ({
      %run_scoped3A = tpu.sem_alloc : memref<!tpu.dma_semaphore, #tpu.memory_space<semaphore_mem>>
      %dma_start3A_81 = arith.constant 0 : i32
      %dma_start3A_82 = tpu.memref_slice %arg5[%arg0, %add3A_80, %dma_start3A_81] : memref<2x10240x128xf32, #tpu.memory_space<hbm>> -> memref<1x128x128xf32, #tpu.memory_space<hbm>>
      %dma_start3A_83 = tpu.memref_squeeze %dma_start3A_82 : memref<1x128x128xf32, #tpu.memory_space<hbm>> -> memref<128x128xf32, #tpu.memory_space<hbm>>
      %dma_start3A_84 = arith.constant 0 : i32
      %dma_start3A_85 = tpu.memref_slice %arg5[%arg0, %add3A_80, %dma_start3A_84] : memref<2x10240x128xf32, #tpu.memory_space<hbm>> -> memref<1x128x128xf32, #tpu.memory_space<hbm>>
      %dma_start3A_86 = tpu.memref_squeeze %dma_start3A_85 : memref<1x128x128xf32, #tpu.memory_space<hbm>> -> memref<128x128xf32, #tpu.memory_space<hbm>>
      tpu.enqueue_dma source(%arg9 : memref<128x128xf32, #tpu.memory_space<vmem>>) target(%dma_start3A_86 : memref<128x128xf32, #tpu.memory_space<hbm>>) target_semaphore(%run_scoped3A : memref<!tpu.dma_semaphore, #tpu.memory_space<semaphore_mem>>)
      %dma_wait3A_87 = arith.constant 0 : i32
      %dma_wait3A_88 = tpu.memref_slice %arg5[%arg0, %add3A_80, %dma_wait3A_87] : memref<2x10240x128xf32, #tpu.memory_space<hbm>> -> memref<1x128x128xf32, #tpu.memory_space<hbm>>
      %dma_wait3A_89 = tpu.memref_squeeze %dma_wait3A_88 : memref<1x128x128xf32, #tpu.memory_space<hbm>> -> memref<128x128xf32, #tpu.memory_space<hbm>>
      %dma_wait3A_90 = arith.constant 0 : i32
      %dma_wait3A_91 = tpu.memref_slice %arg5[%arg0, %add3A_80, %dma_wait3A_90] : memref<2x10240x128xf32, #tpu.memory_space<hbm>> -> memref<1x128x128xf32, #tpu.memory_space<hbm>>
      %dma_wait3A_92 = tpu.memref_squeeze %dma_wait3A_91 : memref<1x128x128xf32, #tpu.memory_space<hbm>> -> memref<128x128xf32, #tpu.memory_space<hbm>>
      tpu.wait_dma2 semaphore(%run_scoped3A : memref<!tpu.dma_semaphore, #tpu.memory_space<semaphore_mem>>) src(%arg9 : memref<128x128xf32, #tpu.memory_space<vmem>>) dst(%dma_wait3A_92 : memref<128x128xf32, #tpu.memory_space<hbm>>)
      tpu.yield
    }) : () -> ()
    return
  }
}

#map = affine_map<(d0, d1) -> (0, 0, 0, 0)>
#map1 = affine_map<(d0, d1) -> (0, 0)>
#map2 = affine_map<(d0, d1) -> (0, 0, 0)>
module attributes {stable_mosaic.version = 14 : i64} {
  func.func @k(%arg0: i32, %arg1: i32, %arg2: memref<32x80x2x128xi32, #tpu.memory_space<hbm>>, %arg3: memref<10240x128xf32, #tpu.memory_space<hbm>>, %arg4: memref<128x128xf32, #tpu.memory_space<hbm>>, %arg5: memref<2x10240x128xf32, #tpu.memory_space<hbm>>, %arg6: memref<2x128xi32, #tpu.memory_space<vmem>>, %arg7: memref<2x128xi32, #tpu.memory_space<vmem>>, %arg8: memref<128x128xf32, #tpu.memory_space<vmem>>, %arg9: memref<128x128xf32, #tpu.memory_space<vmem>>, %arg10: memref<10240x128xf32, #tpu.memory_space<vmem_shared>>, %arg11: memref<!tpu.dma_semaphore, #tpu.memory_space<semaphore_mem>>, %arg12: memref<!tpu.dma_semaphore, #tpu.memory_space<semaphore_mem>>, %arg13: memref<!tpu.dma_semaphore, #tpu.memory_space<semaphore_mem>>) attributes {dimension_semantics = [#tpu.dimension_semantics<core_parallel>, #tpu.dimension_semantics<subcore_parallel>], iteration_bounds = array<i64: 2, 16>, scalar_prefetch = 0 : i64, scratch_operands = 8 : i64, tpu.core_type = #tpu.core_type<sc_vector_subcore>, window_params = [{transform_indices = #map}, {transform_indices = #map1}, {transform_indices = #map1}, {transform_indices = #map2}]} {
    %mul3A = arith.constant 16 : i32
    %mul3A_0 = arith.muli %arg0, %mul3A : i32
    %add3A = arith.addi %mul3A_0, %arg1 : i32
    "tpu.region"() ({
      %run_scoped3A_97 = tpu.sem_alloc : memref<!tpu.dma_semaphore, #tpu.memory_space<semaphore_mem>>
      tpu.enqueue_dma source(%arg4 : memref<128x128xf32, #tpu.memory_space<hbm>>) target(%arg8 : memref<128x128xf32, #tpu.memory_space<vmem>>) target_semaphore(%run_scoped3A_97 : memref<!tpu.dma_semaphore, #tpu.memory_space<semaphore_mem>>)
      tpu.wait_dma2 semaphore(%run_scoped3A_97 : memref<!tpu.dma_semaphore, #tpu.memory_space<semaphore_mem>>) src(%arg4 : memref<128x128xf32, #tpu.memory_space<hbm>>) dst(%arg8 : memref<128x128xf32, #tpu.memory_space<vmem>>)
      tpu.yield
    }) : () -> ()
    %mul3A_1 = arith.constant 640 : i32
    %mul3A_2 = arith.muli %arg1, %mul3A_1 : i32
    %add3A_3 = arith.constant 0 : i32
    %add3A_4 = arith.addi %mul3A_2, %add3A_3 : i32
    "tpu.region"() ({
      %run_scoped3A_97 = tpu.sem_alloc : memref<!tpu.dma_semaphore, #tpu.memory_space<semaphore_mem>>
      %dma_start3A_98 = arith.constant 0 : i32
      %dma_start3A_99 = tpu.memref_slice %arg10[%add3A_4, %dma_start3A_98] : memref<10240x128xf32, #tpu.memory_space<vmem_shared>> -> memref<128x128xf32, #tpu.memory_space<vmem_shared>>
      %dma_start3A_100 = arith.constant 0 : i32
      %dma_start3A_101 = tpu.memref_slice %arg10[%add3A_4, %dma_start3A_100] : memref<10240x128xf32, #tpu.memory_space<vmem_shared>> -> memref<128x128xf32, #tpu.memory_space<vmem_shared>>
      tpu.enqueue_dma source(%arg8 : memref<128x128xf32, #tpu.memory_space<vmem>>) target(%dma_start3A_101 : memref<128x128xf32, #tpu.memory_space<vmem_shared>>) target_semaphore(%run_scoped3A_97 : memref<!tpu.dma_semaphore, #tpu.memory_space<semaphore_mem>>)
      %dma_wait3A_102 = arith.constant 0 : i32
      %dma_wait3A_103 = tpu.memref_slice %arg10[%add3A_4, %dma_wait3A_102] : memref<10240x128xf32, #tpu.memory_space<vmem_shared>> -> memref<128x128xf32, #tpu.memory_space<vmem_shared>>
      %dma_wait3A_104 = arith.constant 0 : i32
      %dma_wait3A_105 = tpu.memref_slice %arg10[%add3A_4, %dma_wait3A_104] : memref<10240x128xf32, #tpu.memory_space<vmem_shared>> -> memref<128x128xf32, #tpu.memory_space<vmem_shared>>
      tpu.wait_dma2 semaphore(%run_scoped3A_97 : memref<!tpu.dma_semaphore, #tpu.memory_space<semaphore_mem>>) src(%arg8 : memref<128x128xf32, #tpu.memory_space<vmem>>) dst(%dma_wait3A_105 : memref<128x128xf32, #tpu.memory_space<vmem_shared>>)
      tpu.yield
    }) : () -> ()
    %mul3A_5 = arith.constant 640 : i32
    %mul3A_6 = arith.muli %arg1, %mul3A_5 : i32
    %add3A_7 = arith.constant 128 : i32
    %add3A_8 = arith.addi %mul3A_6, %add3A_7 : i32
    "tpu.region"() ({
      %run_scoped3A_97 = tpu.sem_alloc : memref<!tpu.dma_semaphore, #tpu.memory_space<semaphore_mem>>
      %dma_start3A_98 = arith.constant 0 : i32
      %dma_start3A_99 = tpu.memref_slice %arg10[%add3A_8, %dma_start3A_98] : memref<10240x128xf32, #tpu.memory_space<vmem_shared>> -> memref<128x128xf32, #tpu.memory_space<vmem_shared>>
      %dma_start3A_100 = arith.constant 0 : i32
      %dma_start3A_101 = tpu.memref_slice %arg10[%add3A_8, %dma_start3A_100] : memref<10240x128xf32, #tpu.memory_space<vmem_shared>> -> memref<128x128xf32, #tpu.memory_space<vmem_shared>>
      tpu.enqueue_dma source(%arg8 : memref<128x128xf32, #tpu.memory_space<vmem>>) target(%dma_start3A_101 : memref<128x128xf32, #tpu.memory_space<vmem_shared>>) target_semaphore(%run_scoped3A_97 : memref<!tpu.dma_semaphore, #tpu.memory_space<semaphore_mem>>)
      %dma_wait3A_102 = arith.constant 0 : i32
      %dma_wait3A_103 = tpu.memref_slice %arg10[%add3A_8, %dma_wait3A_102] : memref<10240x128xf32, #tpu.memory_space<vmem_shared>> -> memref<128x128xf32, #tpu.memory_space<vmem_shared>>
      %dma_wait3A_104 = arith.constant 0 : i32
      %dma_wait3A_105 = tpu.memref_slice %arg10[%add3A_8, %dma_wait3A_104] : memref<10240x128xf32, #tpu.memory_space<vmem_shared>> -> memref<128x128xf32, #tpu.memory_space<vmem_shared>>
      tpu.wait_dma2 semaphore(%run_scoped3A_97 : memref<!tpu.dma_semaphore, #tpu.memory_space<semaphore_mem>>) src(%arg8 : memref<128x128xf32, #tpu.memory_space<vmem>>) dst(%dma_wait3A_105 : memref<128x128xf32, #tpu.memory_space<vmem_shared>>)
      tpu.yield
    }) : () -> ()
    %mul3A_9 = arith.constant 640 : i32
    %mul3A_10 = arith.muli %arg1, %mul3A_9 : i32
    %add3A_11 = arith.constant 256 : i32
    %add3A_12 = arith.addi %mul3A_10, %add3A_11 : i32
    "tpu.region"() ({
      %run_scoped3A_97 = tpu.sem_alloc : memref<!tpu.dma_semaphore, #tpu.memory_space<semaphore_mem>>
      %dma_start3A_98 = arith.constant 0 : i32
      %dma_start3A_99 = tpu.memref_slice %arg10[%add3A_12, %dma_start3A_98] : memref<10240x128xf32, #tpu.memory_space<vmem_shared>> -> memref<128x128xf32, #tpu.memory_space<vmem_shared>>
      %dma_start3A_100 = arith.constant 0 : i32
      %dma_start3A_101 = tpu.memref_slice %arg10[%add3A_12, %dma_start3A_100] : memref<10240x128xf32, #tpu.memory_space<vmem_shared>> -> memref<128x128xf32, #tpu.memory_space<vmem_shared>>
      tpu.enqueue_dma source(%arg8 : memref<128x128xf32, #tpu.memory_space<vmem>>) target(%dma_start3A_101 : memref<128x128xf32, #tpu.memory_space<vmem_shared>>) target_semaphore(%run_scoped3A_97 : memref<!tpu.dma_semaphore, #tpu.memory_space<semaphore_mem>>)
      %dma_wait3A_102 = arith.constant 0 : i32
      %dma_wait3A_103 = tpu.memref_slice %arg10[%add3A_12, %dma_wait3A_102] : memref<10240x128xf32, #tpu.memory_space<vmem_shared>> -> memref<128x128xf32, #tpu.memory_space<vmem_shared>>
      %dma_wait3A_104 = arith.constant 0 : i32
      %dma_wait3A_105 = tpu.memref_slice %arg10[%add3A_12, %dma_wait3A_104] : memref<10240x128xf32, #tpu.memory_space<vmem_shared>> -> memref<128x128xf32, #tpu.memory_space<vmem_shared>>
      tpu.wait_dma2 semaphore(%run_scoped3A_97 : memref<!tpu.dma_semaphore, #tpu.memory_space<semaphore_mem>>) src(%arg8 : memref<128x128xf32, #tpu.memory_space<vmem>>) dst(%dma_wait3A_105 : memref<128x128xf32, #tpu.memory_space<vmem_shared>>)
      tpu.yield
    }) : () -> ()
    %mul3A_13 = arith.constant 640 : i32
    %mul3A_14 = arith.muli %arg1, %mul3A_13 : i32
    %add3A_15 = arith.constant 384 : i32
    %add3A_16 = arith.addi %mul3A_14, %add3A_15 : i32
    "tpu.region"() ({
      %run_scoped3A_97 = tpu.sem_alloc : memref<!tpu.dma_semaphore, #tpu.memory_space<semaphore_mem>>
      %dma_start3A_98 = arith.constant 0 : i32
      %dma_start3A_99 = tpu.memref_slice %arg10[%add3A_16, %dma_start3A_98] : memref<10240x128xf32, #tpu.memory_space<vmem_shared>> -> memref<128x128xf32, #tpu.memory_space<vmem_shared>>
      %dma_start3A_100 = arith.constant 0 : i32
      %dma_start3A_101 = tpu.memref_slice %arg10[%add3A_16, %dma_start3A_100] : memref<10240x128xf32, #tpu.memory_space<vmem_shared>> -> memref<128x128xf32, #tpu.memory_space<vmem_shared>>
      tpu.enqueue_dma source(%arg8 : memref<128x128xf32, #tpu.memory_space<vmem>>) target(%dma_start3A_101 : memref<128x128xf32, #tpu.memory_space<vmem_shared>>) target_semaphore(%run_scoped3A_97 : memref<!tpu.dma_semaphore, #tpu.memory_space<semaphore_mem>>)
      %dma_wait3A_102 = arith.constant 0 : i32
      %dma_wait3A_103 = tpu.memref_slice %arg10[%add3A_16, %dma_wait3A_102] : memref<10240x128xf32, #tpu.memory_space<vmem_shared>> -> memref<128x128xf32, #tpu.memory_space<vmem_shared>>
      %dma_wait3A_104 = arith.constant 0 : i32
      %dma_wait3A_105 = tpu.memref_slice %arg10[%add3A_16, %dma_wait3A_104] : memref<10240x128xf32, #tpu.memory_space<vmem_shared>> -> memref<128x128xf32, #tpu.memory_space<vmem_shared>>
      tpu.wait_dma2 semaphore(%run_scoped3A_97 : memref<!tpu.dma_semaphore, #tpu.memory_space<semaphore_mem>>) src(%arg8 : memref<128x128xf32, #tpu.memory_space<vmem>>) dst(%dma_wait3A_105 : memref<128x128xf32, #tpu.memory_space<vmem_shared>>)
      tpu.yield
    }) : () -> ()
    %mul3A_17 = arith.constant 640 : i32
    %mul3A_18 = arith.muli %arg1, %mul3A_17 : i32
    %add3A_19 = arith.constant 512 : i32
    %add3A_20 = arith.addi %mul3A_18, %add3A_19 : i32
    "tpu.region"() ({
      %run_scoped3A_97 = tpu.sem_alloc : memref<!tpu.dma_semaphore, #tpu.memory_space<semaphore_mem>>
      %dma_start3A_98 = arith.constant 0 : i32
      %dma_start3A_99 = tpu.memref_slice %arg10[%add3A_20, %dma_start3A_98] : memref<10240x128xf32, #tpu.memory_space<vmem_shared>> -> memref<128x128xf32, #tpu.memory_space<vmem_shared>>
      %dma_start3A_100 = arith.constant 0 : i32
      %dma_start3A_101 = tpu.memref_slice %arg10[%add3A_20, %dma_start3A_100] : memref<10240x128xf32, #tpu.memory_space<vmem_shared>> -> memref<128x128xf32, #tpu.memory_space<vmem_shared>>
      tpu.enqueue_dma source(%arg8 : memref<128x128xf32, #tpu.memory_space<vmem>>) target(%dma_start3A_101 : memref<128x128xf32, #tpu.memory_space<vmem_shared>>) target_semaphore(%run_scoped3A_97 : memref<!tpu.dma_semaphore, #tpu.memory_space<semaphore_mem>>)
      %dma_wait3A_102 = arith.constant 0 : i32
      %dma_wait3A_103 = tpu.memref_slice %arg10[%add3A_20, %dma_wait3A_102] : memref<10240x128xf32, #tpu.memory_space<vmem_shared>> -> memref<128x128xf32, #tpu.memory_space<vmem_shared>>
      %dma_wait3A_104 = arith.constant 0 : i32
      %dma_wait3A_105 = tpu.memref_slice %arg10[%add3A_20, %dma_wait3A_104] : memref<10240x128xf32, #tpu.memory_space<vmem_shared>> -> memref<128x128xf32, #tpu.memory_space<vmem_shared>>
      tpu.wait_dma2 semaphore(%run_scoped3A_97 : memref<!tpu.dma_semaphore, #tpu.memory_space<semaphore_mem>>) src(%arg8 : memref<128x128xf32, #tpu.memory_space<vmem>>) dst(%dma_wait3A_105 : memref<128x128xf32, #tpu.memory_space<vmem_shared>>)
      tpu.yield
    }) : () -> ()
    %barrier3A = arith.constant 0 : index
    tpu.barrier barrier_id(%barrier3A)
    %run_scoped3A = arith.constant 0 : i32
    "tpu.region"() ({
      %run_scoped3A_97 = tpu.sem_alloc : memref<!tpu.dma_semaphore, #tpu.memory_space<semaphore_mem>>
      %dma_start3A_98 = arith.constant 0 : i32
      %dma_start3A_99 = arith.constant 0 : i32
      %dma_start3A_100 = tpu.memref_slice %arg2[%add3A, %run_scoped3A, %dma_start3A_98, %dma_start3A_99] : memref<32x80x2x128xi32, #tpu.memory_space<hbm>> -> memref<1x1x2x128xi32, #tpu.memory_space<hbm>>
      %dma_start3A_101 = tpu.memref_squeeze %dma_start3A_100 : memref<1x1x2x128xi32, #tpu.memory_space<hbm>> -> memref<2x128xi32, #tpu.memory_space<hbm>>
      %dma_start3A_102 = arith.constant 0 : i32
      %dma_start3A_103 = arith.constant 0 : i32
      %dma_start3A_104 = tpu.memref_slice %arg2[%add3A, %run_scoped3A, %dma_start3A_102, %dma_start3A_103] : memref<32x80x2x128xi32, #tpu.memory_space<hbm>> -> memref<1x1x2x128xi32, #tpu.memory_space<hbm>>
      %dma_start3A_105 = tpu.memref_squeeze %dma_start3A_104 : memref<1x1x2x128xi32, #tpu.memory_space<hbm>> -> memref<2x128xi32, #tpu.memory_space<hbm>>
      tpu.enqueue_dma source(%dma_start3A_105 : memref<2x128xi32, #tpu.memory_space<hbm>>) target(%arg6 : memref<2x128xi32, #tpu.memory_space<vmem>>) target_semaphore(%run_scoped3A_97 : memref<!tpu.dma_semaphore, #tpu.memory_space<semaphore_mem>>)
      %dma_wait3A_106 = arith.constant 0 : i32
      %dma_wait3A_107 = arith.constant 0 : i32
      %dma_wait3A_108 = tpu.memref_slice %arg2[%add3A, %run_scoped3A, %dma_wait3A_106, %dma_wait3A_107] : memref<32x80x2x128xi32, #tpu.memory_space<hbm>> -> memref<1x1x2x128xi32, #tpu.memory_space<hbm>>
      %dma_wait3A_109 = tpu.memref_squeeze %dma_wait3A_108 : memref<1x1x2x128xi32, #tpu.memory_space<hbm>> -> memref<2x128xi32, #tpu.memory_space<hbm>>
      %dma_wait3A_110 = arith.constant 0 : i32
      %dma_wait3A_111 = arith.constant 0 : i32
      %dma_wait3A_112 = tpu.memref_slice %arg2[%add3A, %run_scoped3A, %dma_wait3A_110, %dma_wait3A_111] : memref<32x80x2x128xi32, #tpu.memory_space<hbm>> -> memref<1x1x2x128xi32, #tpu.memory_space<hbm>>
      %dma_wait3A_113 = tpu.memref_squeeze %dma_wait3A_112 : memref<1x1x2x128xi32, #tpu.memory_space<hbm>> -> memref<2x128xi32, #tpu.memory_space<hbm>>
      tpu.wait_dma2 semaphore(%run_scoped3A_97 : memref<!tpu.dma_semaphore, #tpu.memory_space<semaphore_mem>>) src(%dma_wait3A_113 : memref<2x128xi32, #tpu.memory_space<hbm>>) dst(%arg6 : memref<2x128xi32, #tpu.memory_space<vmem>>)
      tpu.yield
    }) : () -> ()
    %dma_start3A = arith.constant 0 : i32
    %dma_start3A_21 = arith.constant 0 : i32
    %dma_start3A_22 = tpu.memref_slice %arg6[%dma_start3A, %dma_start3A_21] : memref<2x128xi32, #tpu.memory_space<vmem>> -> memref<1x128xi32, #tpu.memory_space<vmem>>
    %dma_start3A_23 = tpu.memref_squeeze %dma_start3A_22 : memref<1x128xi32, #tpu.memory_space<vmem>> -> memref<128xi32, #tpu.memory_space<vmem>>
    %dma_start3A_24 = arith.constant 0 : i32
    %dma_start3A_25 = arith.constant 0 : i32
    %dma_start3A_26 = tpu.memref_slice %arg3[%dma_start3A_24, %dma_start3A_25] : memref<10240x128xf32, #tpu.memory_space<hbm>> -> memref<10240x128xf32, #tpu.memory_space<hbm>>
    tpu.enqueue_indirect_dma source(%dma_start3A_26 : memref<10240x128xf32, #tpu.memory_space<hbm>>) target(%arg8 : memref<128x128xf32, #tpu.memory_space<vmem>>) offsets(%dma_start3A_23 : memref<128xi32, #tpu.memory_space<vmem>>) semaphore(%arg11 : memref<!tpu.dma_semaphore, #tpu.memory_space<semaphore_mem>>)
    %dma_start3A_27 = arith.constant 1 : i32
    %dma_start3A_28 = arith.constant 0 : i32
    %dma_start3A_29 = arith.constant 0 : i32
    %dma_start3A_30 = tpu.memref_slice %arg2[%add3A, %dma_start3A_27, %dma_start3A_28, %dma_start3A_29] : memref<32x80x2x128xi32, #tpu.memory_space<hbm>> -> memref<1x1x2x128xi32, #tpu.memory_space<hbm>>
    %dma_start3A_31 = tpu.memref_squeeze %dma_start3A_30 : memref<1x1x2x128xi32, #tpu.memory_space<hbm>> -> memref<2x128xi32, #tpu.memory_space<hbm>>
    %dma_start3A_32 = arith.constant 0 : i32
    %dma_start3A_33 = arith.constant 0 : i32
    %dma_start3A_34 = tpu.memref_slice %arg2[%add3A, %dma_start3A_27, %dma_start3A_32, %dma_start3A_33] : memref<32x80x2x128xi32, #tpu.memory_space<hbm>> -> memref<1x1x2x128xi32, #tpu.memory_space<hbm>>
    %dma_start3A_35 = tpu.memref_squeeze %dma_start3A_34 : memref<1x1x2x128xi32, #tpu.memory_space<hbm>> -> memref<2x128xi32, #tpu.memory_space<hbm>>
    tpu.enqueue_dma source(%dma_start3A_35 : memref<2x128xi32, #tpu.memory_space<hbm>>) target(%arg7 : memref<2x128xi32, #tpu.memory_space<vmem>>) target_semaphore(%arg13 : memref<!tpu.dma_semaphore, #tpu.memory_space<semaphore_mem>>)
    %scan3A = arith.constant 0 : i32
    %scan3A_36 = arith.constant 0 : i32
    %scan3A_37 = arith.constant 40 : i32
    %scan3A_38 = arith.addi %scan3A_36, %scan3A_37 : i32
    %scan3A_39 = arith.constant 1 : i32
    scf.for %scan3A_97 = %scan3A_36 to %scan3A_38 step %scan3A_39  : i32 {
      %mul3A_98 = arith.constant 2 : i32
      %mul3A_99 = arith.muli %mul3A_98, %scan3A_97 : i32
      %add3A_100 = arith.constant 2 : i32
      %add3A_101 = arith.addi %mul3A_99, %add3A_100 : i32
      %min3A = arith.constant 79 : i32
      %min3A_102 = arith.minsi %add3A_101, %min3A : i32
      %mul3A_103 = arith.constant 2 : i32
      %mul3A_104 = arith.muli %mul3A_103, %scan3A_97 : i32
      %add3A_105 = arith.constant 3 : i32
      %add3A_106 = arith.addi %mul3A_104, %add3A_105 : i32
      %min3A_107 = arith.constant 79 : i32
      %min3A_108 = arith.minsi %add3A_106, %min3A_107 : i32
      %dma_wait3A_109 = arith.constant 0 : i32
      %dma_wait3A_110 = arith.constant 0 : i32
      %dma_wait3A_111 = tpu.memref_slice %arg2[%add3A, %min3A_108, %dma_wait3A_109, %dma_wait3A_110] : memref<32x80x2x128xi32, #tpu.memory_space<hbm>> -> memref<1x1x2x128xi32, #tpu.memory_space<hbm>>
      %dma_wait3A_112 = tpu.memref_squeeze %dma_wait3A_111 : memref<1x1x2x128xi32, #tpu.memory_space<hbm>> -> memref<2x128xi32, #tpu.memory_space<hbm>>
      %dma_wait3A_113 = arith.constant 0 : i32
      %dma_wait3A_114 = arith.constant 0 : i32
      %dma_wait3A_115 = tpu.memref_slice %arg2[%add3A, %min3A_108, %dma_wait3A_113, %dma_wait3A_114] : memref<32x80x2x128xi32, #tpu.memory_space<hbm>> -> memref<1x1x2x128xi32, #tpu.memory_space<hbm>>
      %dma_wait3A_116 = tpu.memref_squeeze %dma_wait3A_115 : memref<1x1x2x128xi32, #tpu.memory_space<hbm>> -> memref<2x128xi32, #tpu.memory_space<hbm>>
      tpu.wait_dma2 semaphore(%arg13 : memref<!tpu.dma_semaphore, #tpu.memory_space<semaphore_mem>>) src(%dma_wait3A_116 : memref<2x128xi32, #tpu.memory_space<hbm>>) dst(%arg7 : memref<2x128xi32, #tpu.memory_space<vmem>>)
      %dma_wait3A_117 = arith.constant 0 : i32
      %dma_wait3A_118 = arith.constant 0 : i32
      %dma_wait3A_119 = tpu.memref_slice %arg6[%dma_wait3A_117, %dma_wait3A_118] : memref<2x128xi32, #tpu.memory_space<vmem>> -> memref<1x128xi32, #tpu.memory_space<vmem>>
      %dma_wait3A_120 = tpu.memref_squeeze %dma_wait3A_119 : memref<1x128xi32, #tpu.memory_space<vmem>> -> memref<128xi32, #tpu.memory_space<vmem>>
      %dma_wait3A_121 = arith.constant 0 : i32
      %dma_wait3A_122 = arith.constant 0 : i32
      %dma_wait3A_123 = tpu.memref_slice %arg3[%dma_wait3A_121, %dma_wait3A_122] : memref<10240x128xf32, #tpu.memory_space<hbm>> -> memref<10240x128xf32, #tpu.memory_space<hbm>>
      tpu.wait_indirect_dma semaphore(%arg11 : memref<!tpu.dma_semaphore, #tpu.memory_space<semaphore_mem>>) src(%dma_wait3A_123 : memref<10240x128xf32, #tpu.memory_space<hbm>>) dst(%arg8 : memref<128x128xf32, #tpu.memory_space<vmem>>)
      %dma_start3A_124 = arith.constant 0 : i32
      %dma_start3A_125 = arith.constant 0 : i32
      %dma_start3A_126 = tpu.memref_slice %arg7[%dma_start3A_124, %dma_start3A_125] : memref<2x128xi32, #tpu.memory_space<vmem>> -> memref<1x128xi32, #tpu.memory_space<vmem>>
      %dma_start3A_127 = tpu.memref_squeeze %dma_start3A_126 : memref<1x128xi32, #tpu.memory_space<vmem>> -> memref<128xi32, #tpu.memory_space<vmem>>
      %dma_start3A_128 = arith.constant 0 : i32
      %dma_start3A_129 = arith.constant 0 : i32
      %dma_start3A_130 = tpu.memref_slice %arg3[%dma_start3A_128, %dma_start3A_129] : memref<10240x128xf32, #tpu.memory_space<hbm>> -> memref<10240x128xf32, #tpu.memory_space<hbm>>
      tpu.enqueue_indirect_dma source(%dma_start3A_130 : memref<10240x128xf32, #tpu.memory_space<hbm>>) target(%arg9 : memref<128x128xf32, #tpu.memory_space<vmem>>) offsets(%dma_start3A_127 : memref<128xi32, #tpu.memory_space<vmem>>) semaphore(%arg12 : memref<!tpu.dma_semaphore, #tpu.memory_space<semaphore_mem>>)
      %run_scoped3A_131 = arith.constant 1 : i32
      "tpu.region"() ({
        %run_scoped3A_155 = tpu.sem_alloc : memref<!tpu.dma_semaphore, #tpu.memory_space<semaphore_mem>>
        %dma_start3A_156 = arith.constant 0 : i32
        %dma_start3A_157 = tpu.memref_slice %arg6[%run_scoped3A_131, %dma_start3A_156] : memref<2x128xi32, #tpu.memory_space<vmem>> -> memref<1x128xi32, #tpu.memory_space<vmem>>
        %dma_start3A_158 = tpu.memref_squeeze %dma_start3A_157 : memref<1x128xi32, #tpu.memory_space<vmem>> -> memref<128xi32, #tpu.memory_space<vmem>>
        %dma_start3A_159 = arith.constant 0 : i32
        %dma_start3A_160 = arith.constant 0 : i32
        %dma_start3A_161 = tpu.memref_slice %arg10[%dma_start3A_159, %dma_start3A_160] : memref<10240x128xf32, #tpu.memory_space<vmem_shared>> -> memref<10240x128xf32, #tpu.memory_space<vmem_shared>>
        tpu.enqueue_indirect_dma source(%arg8 : memref<128x128xf32, #tpu.memory_space<vmem>>) target(%dma_start3A_161 : memref<10240x128xf32, #tpu.memory_space<vmem_shared>>) offsets(%dma_start3A_158 : memref<128xi32, #tpu.memory_space<vmem>>) semaphore(%run_scoped3A_155 : memref<!tpu.dma_semaphore, #tpu.memory_space<semaphore_mem>>) {add = true}
        %dma_wait3A_162 = arith.constant 0 : i32
        %dma_wait3A_163 = tpu.memref_slice %arg6[%run_scoped3A_131, %dma_wait3A_162] : memref<2x128xi32, #tpu.memory_space<vmem>> -> memref<1x128xi32, #tpu.memory_space<vmem>>
        %dma_wait3A_164 = tpu.memref_squeeze %dma_wait3A_163 : memref<1x128xi32, #tpu.memory_space<vmem>> -> memref<128xi32, #tpu.memory_space<vmem>>
        %dma_wait3A_165 = arith.constant 0 : i32
        %dma_wait3A_166 = arith.constant 0 : i32
        %dma_wait3A_167 = tpu.memref_slice %arg10[%dma_wait3A_165, %dma_wait3A_166] : memref<10240x128xf32, #tpu.memory_space<vmem_shared>> -> memref<10240x128xf32, #tpu.memory_space<vmem_shared>>
        tpu.wait_indirect_dma semaphore(%run_scoped3A_155 : memref<!tpu.dma_semaphore, #tpu.memory_space<semaphore_mem>>) src(%arg8 : memref<128x128xf32, #tpu.memory_space<vmem>>) dst(%dma_wait3A_167 : memref<10240x128xf32, #tpu.memory_space<vmem_shared>>)
        tpu.yield
      }) : () -> ()
      "tpu.region"() ({
        %run_scoped3A_155 = tpu.sem_alloc : memref<!tpu.dma_semaphore, #tpu.memory_space<semaphore_mem>>
        %dma_start3A_156 = arith.constant 0 : i32
        %dma_start3A_157 = arith.constant 0 : i32
        %dma_start3A_158 = tpu.memref_slice %arg2[%add3A, %min3A_102, %dma_start3A_156, %dma_start3A_157] : memref<32x80x2x128xi32, #tpu.memory_space<hbm>> -> memref<1x1x2x128xi32, #tpu.memory_space<hbm>>
        %dma_start3A_159 = tpu.memref_squeeze %dma_start3A_158 : memref<1x1x2x128xi32, #tpu.memory_space<hbm>> -> memref<2x128xi32, #tpu.memory_space<hbm>>
        %dma_start3A_160 = arith.constant 0 : i32
        %dma_start3A_161 = arith.constant 0 : i32
        %dma_start3A_162 = tpu.memref_slice %arg2[%add3A, %min3A_102, %dma_start3A_160, %dma_start3A_161] : memref<32x80x2x128xi32, #tpu.memory_space<hbm>> -> memref<1x1x2x128xi32, #tpu.memory_space<hbm>>
        %dma_start3A_163 = tpu.memref_squeeze %dma_start3A_162 : memref<1x1x2x128xi32, #tpu.memory_space<hbm>> -> memref<2x128xi32, #tpu.memory_space<hbm>>
        tpu.enqueue_dma source(%dma_start3A_163 : memref<2x128xi32, #tpu.memory_space<hbm>>) target(%arg6 : memref<2x128xi32, #tpu.memory_space<vmem>>) target_semaphore(%run_scoped3A_155 : memref<!tpu.dma_semaphore, #tpu.memory_space<semaphore_mem>>)
        %dma_wait3A_164 = arith.constant 0 : i32
        %dma_wait3A_165 = arith.constant 0 : i32
        %dma_wait3A_166 = tpu.memref_slice %arg2[%add3A, %min3A_102, %dma_wait3A_164, %dma_wait3A_165] : memref<32x80x2x128xi32, #tpu.memory_space<hbm>> -> memref<1x1x2x128xi32, #tpu.memory_space<hbm>>
        %dma_wait3A_167 = tpu.memref_squeeze %dma_wait3A_166 : memref<1x1x2x128xi32, #tpu.memory_space<hbm>> -> memref<2x128xi32, #tpu.memory_space<hbm>>
        %dma_wait3A_168 = arith.constant 0 : i32
        %dma_wait3A_169 = arith.constant 0 : i32
        %dma_wait3A_170 = tpu.memref_slice %arg2[%add3A, %min3A_102, %dma_wait3A_168, %dma_wait3A_169] : memref<32x80x2x128xi32, #tpu.memory_space<hbm>> -> memref<1x1x2x128xi32, #tpu.memory_space<hbm>>
        %dma_wait3A_171 = tpu.memref_squeeze %dma_wait3A_170 : memref<1x1x2x128xi32, #tpu.memory_space<hbm>> -> memref<2x128xi32, #tpu.memory_space<hbm>>
        tpu.wait_dma2 semaphore(%run_scoped3A_155 : memref<!tpu.dma_semaphore, #tpu.memory_space<semaphore_mem>>) src(%dma_wait3A_171 : memref<2x128xi32, #tpu.memory_space<hbm>>) dst(%arg6 : memref<2x128xi32, #tpu.memory_space<vmem>>)
        tpu.yield
      }) : () -> ()
      %dma_start3A_132 = arith.constant 0 : i32
      %dma_start3A_133 = arith.constant 0 : i32
      %dma_start3A_134 = tpu.memref_slice %arg6[%dma_start3A_132, %dma_start3A_133] : memref<2x128xi32, #tpu.memory_space<vmem>> -> memref<1x128xi32, #tpu.memory_space<vmem>>
      %dma_start3A_135 = tpu.memref_squeeze %dma_start3A_134 : memref<1x128xi32, #tpu.memory_space<vmem>> -> memref<128xi32, #tpu.memory_space<vmem>>
      %dma_start3A_136 = arith.constant 0 : i32
      %dma_start3A_137 = arith.constant 0 : i32
      %dma_start3A_138 = tpu.memref_slice %arg3[%dma_start3A_136, %dma_start3A_137] : memref<10240x128xf32, #tpu.memory_space<hbm>> -> memref<10240x128xf32, #tpu.memory_space<hbm>>
      tpu.enqueue_indirect_dma source(%dma_start3A_138 : memref<10240x128xf32, #tpu.memory_space<hbm>>) target(%arg8 : memref<128x128xf32, #tpu.memory_space<vmem>>) offsets(%dma_start3A_135 : memref<128xi32, #tpu.memory_space<vmem>>) semaphore(%arg11 : memref<!tpu.dma_semaphore, #tpu.memory_space<semaphore_mem>>)
      %dma_wait3A_139 = arith.constant 0 : i32
      %dma_wait3A_140 = arith.constant 0 : i32
      %dma_wait3A_141 = tpu.memref_slice %arg7[%dma_wait3A_139, %dma_wait3A_140] : memref<2x128xi32, #tpu.memory_space<vmem>> -> memref<1x128xi32, #tpu.memory_space<vmem>>
      %dma_wait3A_142 = tpu.memref_squeeze %dma_wait3A_141 : memref<1x128xi32, #tpu.memory_space<vmem>> -> memref<128xi32, #tpu.memory_space<vmem>>
      %dma_wait3A_143 = arith.constant 0 : i32
      %dma_wait3A_144 = arith.constant 0 : i32
      %dma_wait3A_145 = tpu.memref_slice %arg3[%dma_wait3A_143, %dma_wait3A_144] : memref<10240x128xf32, #tpu.memory_space<hbm>> -> memref<10240x128xf32, #tpu.memory_space<hbm>>
      tpu.wait_indirect_dma semaphore(%arg12 : memref<!tpu.dma_semaphore, #tpu.memory_space<semaphore_mem>>) src(%dma_wait3A_145 : memref<10240x128xf32, #tpu.memory_space<hbm>>) dst(%arg9 : memref<128x128xf32, #tpu.memory_space<vmem>>)
      %run_scoped3A_146 = arith.constant 1 : i32
      "tpu.region"() ({
        %run_scoped3A_155 = tpu.sem_alloc : memref<!tpu.dma_semaphore, #tpu.memory_space<semaphore_mem>>
        %dma_start3A_156 = arith.constant 0 : i32
        %dma_start3A_157 = tpu.memref_slice %arg7[%run_scoped3A_146, %dma_start3A_156] : memref<2x128xi32, #tpu.memory_space<vmem>> -> memref<1x128xi32, #tpu.memory_space<vmem>>
        %dma_start3A_158 = tpu.memref_squeeze %dma_start3A_157 : memref<1x128xi32, #tpu.memory_space<vmem>> -> memref<128xi32, #tpu.memory_space<vmem>>
        %dma_start3A_159 = arith.constant 0 : i32
        %dma_start3A_160 = arith.constant 0 : i32
        %dma_start3A_161 = tpu.memref_slice %arg10[%dma_start3A_159, %dma_start3A_160] : memref<10240x128xf32, #tpu.memory_space<vmem_shared>> -> memref<10240x128xf32, #tpu.memory_space<vmem_shared>>
        tpu.enqueue_indirect_dma source(%arg9 : memref<128x128xf32, #tpu.memory_space<vmem>>) target(%dma_start3A_161 : memref<10240x128xf32, #tpu.memory_space<vmem_shared>>) offsets(%dma_start3A_158 : memref<128xi32, #tpu.memory_space<vmem>>) semaphore(%run_scoped3A_155 : memref<!tpu.dma_semaphore, #tpu.memory_space<semaphore_mem>>) {add = true}
        %dma_wait3A_162 = arith.constant 0 : i32
        %dma_wait3A_163 = tpu.memref_slice %arg7[%run_scoped3A_146, %dma_wait3A_162] : memref<2x128xi32, #tpu.memory_space<vmem>> -> memref<1x128xi32, #tpu.memory_space<vmem>>
        %dma_wait3A_164 = tpu.memref_squeeze %dma_wait3A_163 : memref<1x128xi32, #tpu.memory_space<vmem>> -> memref<128xi32, #tpu.memory_space<vmem>>
        %dma_wait3A_165 = arith.constant 0 : i32
        %dma_wait3A_166 = arith.constant 0 : i32
        %dma_wait3A_167 = tpu.memref_slice %arg10[%dma_wait3A_165, %dma_wait3A_166] : memref<10240x128xf32, #tpu.memory_space<vmem_shared>> -> memref<10240x128xf32, #tpu.memory_space<vmem_shared>>
        tpu.wait_indirect_dma semaphore(%run_scoped3A_155 : memref<!tpu.dma_semaphore, #tpu.memory_space<semaphore_mem>>) src(%arg9 : memref<128x128xf32, #tpu.memory_space<vmem>>) dst(%dma_wait3A_167 : memref<10240x128xf32, #tpu.memory_space<vmem_shared>>)
        tpu.yield
      }) : () -> ()
      %dma_start3A_147 = arith.constant 0 : i32
      %dma_start3A_148 = arith.constant 0 : i32
      %dma_start3A_149 = tpu.memref_slice %arg2[%add3A, %min3A_108, %dma_start3A_147, %dma_start3A_148] : memref<32x80x2x128xi32, #tpu.memory_space<hbm>> -> memref<1x1x2x128xi32, #tpu.memory_space<hbm>>
      %dma_start3A_150 = tpu.memref_squeeze %dma_start3A_149 : memref<1x1x2x128xi32, #tpu.memory_space<hbm>> -> memref<2x128xi32, #tpu.memory_space<hbm>>
      %dma_start3A_151 = arith.constant 0 : i32
      %dma_start3A_152 = arith.constant 0 : i32
      %dma_start3A_153 = tpu.memref_slice %arg2[%add3A, %min3A_108, %dma_start3A_151, %dma_start3A_152] : memref<32x80x2x128xi32, #tpu.memory_space<hbm>> -> memref<1x1x2x128xi32, #tpu.memory_space<hbm>>
      %dma_start3A_154 = tpu.memref_squeeze %dma_start3A_153 : memref<1x1x2x128xi32, #tpu.memory_space<hbm>> -> memref<2x128xi32, #tpu.memory_space<hbm>>
      tpu.enqueue_dma source(%dma_start3A_154 : memref<2x128xi32, #tpu.memory_space<hbm>>) target(%arg7 : memref<2x128xi32, #tpu.memory_space<vmem>>) target_semaphore(%arg13 : memref<!tpu.dma_semaphore, #tpu.memory_space<semaphore_mem>>)
    }
    %scan3A_40 = arith.constant 40 : i32
    %dma_wait3A = arith.constant 0 : i32
    %dma_wait3A_41 = arith.constant 0 : i32
    %dma_wait3A_42 = tpu.memref_slice %arg6[%dma_wait3A, %dma_wait3A_41] : memref<2x128xi32, #tpu.memory_space<vmem>> -> memref<1x128xi32, #tpu.memory_space<vmem>>
    %dma_wait3A_43 = tpu.memref_squeeze %dma_wait3A_42 : memref<1x128xi32, #tpu.memory_space<vmem>> -> memref<128xi32, #tpu.memory_space<vmem>>
    %dma_wait3A_44 = arith.constant 0 : i32
    %dma_wait3A_45 = arith.constant 0 : i32
    %dma_wait3A_46 = tpu.memref_slice %arg3[%dma_wait3A_44, %dma_wait3A_45] : memref<10240x128xf32, #tpu.memory_space<hbm>> -> memref<10240x128xf32, #tpu.memory_space<hbm>>
    tpu.wait_indirect_dma semaphore(%arg11 : memref<!tpu.dma_semaphore, #tpu.memory_space<semaphore_mem>>) src(%dma_wait3A_46 : memref<10240x128xf32, #tpu.memory_space<hbm>>) dst(%arg8 : memref<128x128xf32, #tpu.memory_space<vmem>>)
    %dma_wait3A_47 = arith.constant 79 : i32
    %dma_wait3A_48 = arith.constant 0 : i32
    %dma_wait3A_49 = arith.constant 0 : i32
    %dma_wait3A_50 = tpu.memref_slice %arg2[%add3A, %dma_wait3A_47, %dma_wait3A_48, %dma_wait3A_49] : memref<32x80x2x128xi32, #tpu.memory_space<hbm>> -> memref<1x1x2x128xi32, #tpu.memory_space<hbm>>
    %dma_wait3A_51 = tpu.memref_squeeze %dma_wait3A_50 : memref<1x1x2x128xi32, #tpu.memory_space<hbm>> -> memref<2x128xi32, #tpu.memory_space<hbm>>
    %dma_wait3A_52 = arith.constant 0 : i32
    %dma_wait3A_53 = arith.constant 0 : i32
    %dma_wait3A_54 = tpu.memref_slice %arg2[%add3A, %dma_wait3A_47, %dma_wait3A_52, %dma_wait3A_53] : memref<32x80x2x128xi32, #tpu.memory_space<hbm>> -> memref<1x1x2x128xi32, #tpu.memory_space<hbm>>
    %dma_wait3A_55 = tpu.memref_squeeze %dma_wait3A_54 : memref<1x1x2x128xi32, #tpu.memory_space<hbm>> -> memref<2x128xi32, #tpu.memory_space<hbm>>
    tpu.wait_dma2 semaphore(%arg13 : memref<!tpu.dma_semaphore, #tpu.memory_space<semaphore_mem>>) src(%dma_wait3A_55 : memref<2x128xi32, #tpu.memory_space<hbm>>) dst(%arg7 : memref<2x128xi32, #tpu.memory_space<vmem>>)
    %barrier3A_56 = arith.constant 0 : index
    tpu.barrier barrier_id(%barrier3A_56)
    %mul3A_57 = arith.constant 640 : i32
    %mul3A_58 = arith.muli %arg1, %mul3A_57 : i32
    %add3A_59 = arith.constant 0 : i32
    %add3A_60 = arith.addi %mul3A_58, %add3A_59 : i32
    "tpu.region"() ({
      %run_scoped3A_97 = tpu.sem_alloc : memref<!tpu.dma_semaphore, #tpu.memory_space<semaphore_mem>>
      %dma_start3A_98 = arith.constant 0 : i32
      %dma_start3A_99 = tpu.memref_slice %arg10[%add3A_60, %dma_start3A_98] : memref<10240x128xf32, #tpu.memory_space<vmem_shared>> -> memref<128x128xf32, #tpu.memory_space<vmem_shared>>
      %dma_start3A_100 = arith.constant 0 : i32
      %dma_start3A_101 = tpu.memref_slice %arg10[%add3A_60, %dma_start3A_100] : memref<10240x128xf32, #tpu.memory_space<vmem_shared>> -> memref<128x128xf32, #tpu.memory_space<vmem_shared>>
      tpu.enqueue_dma source(%dma_start3A_101 : memref<128x128xf32, #tpu.memory_space<vmem_shared>>) target(%arg8 : memref<128x128xf32, #tpu.memory_space<vmem>>) target_semaphore(%run_scoped3A_97 : memref<!tpu.dma_semaphore, #tpu.memory_space<semaphore_mem>>)
      %dma_wait3A_102 = arith.constant 0 : i32
      %dma_wait3A_103 = tpu.memref_slice %arg10[%add3A_60, %dma_wait3A_102] : memref<10240x128xf32, #tpu.memory_space<vmem_shared>> -> memref<128x128xf32, #tpu.memory_space<vmem_shared>>
      %dma_wait3A_104 = arith.constant 0 : i32
      %dma_wait3A_105 = tpu.memref_slice %arg10[%add3A_60, %dma_wait3A_104] : memref<10240x128xf32, #tpu.memory_space<vmem_shared>> -> memref<128x128xf32, #tpu.memory_space<vmem_shared>>
      tpu.wait_dma2 semaphore(%run_scoped3A_97 : memref<!tpu.dma_semaphore, #tpu.memory_space<semaphore_mem>>) src(%dma_wait3A_105 : memref<128x128xf32, #tpu.memory_space<vmem_shared>>) dst(%arg8 : memref<128x128xf32, #tpu.memory_space<vmem>>)
      tpu.yield
    }) : () -> ()
    %mul3A_61 = arith.constant 640 : i32
    %mul3A_62 = arith.muli %arg1, %mul3A_61 : i32
    %add3A_63 = arith.constant 0 : i32
    %add3A_64 = arith.addi %mul3A_62, %add3A_63 : i32
    "tpu.region"() ({
      %run_scoped3A_97 = tpu.sem_alloc : memref<!tpu.dma_semaphore, #tpu.memory_space<semaphore_mem>>
      %dma_start3A_98 = arith.constant 0 : i32
      %dma_start3A_99 = tpu.memref_slice %arg5[%arg0, %add3A_64, %dma_start3A_98] : memref<2x10240x128xf32, #tpu.memory_space<hbm>> -> memref<1x128x128xf32, #tpu.memory_space<hbm>>
      %dma_start3A_100 = tpu.memref_squeeze %dma_start3A_99 : memref<1x128x128xf32, #tpu.memory_space<hbm>> -> memref<128x128xf32, #tpu.memory_space<hbm>>
      %dma_start3A_101 = arith.constant 0 : i32
      %dma_start3A_102 = tpu.memref_slice %arg5[%arg0, %add3A_64, %dma_start3A_101] : memref<2x10240x128xf32, #tpu.memory_space<hbm>> -> memref<1x128x128xf32, #tpu.memory_space<hbm>>
      %dma_start3A_103 = tpu.memref_squeeze %dma_start3A_102 : memref<1x128x128xf32, #tpu.memory_space<hbm>> -> memref<128x128xf32, #tpu.memory_space<hbm>>
      tpu.enqueue_dma source(%arg8 : memref<128x128xf32, #tpu.memory_space<vmem>>) target(%dma_start3A_103 : memref<128x128xf32, #tpu.memory_space<hbm>>) target_semaphore(%run_scoped3A_97 : memref<!tpu.dma_semaphore, #tpu.memory_space<semaphore_mem>>)
      %dma_wait3A_104 = arith.constant 0 : i32
      %dma_wait3A_105 = tpu.memref_slice %arg5[%arg0, %add3A_64, %dma_wait3A_104] : memref<2x10240x128xf32, #tpu.memory_space<hbm>> -> memref<1x128x128xf32, #tpu.memory_space<hbm>>
      %dma_wait3A_106 = tpu.memref_squeeze %dma_wait3A_105 : memref<1x128x128xf32, #tpu.memory_space<hbm>> -> memref<128x128xf32, #tpu.memory_space<hbm>>
      %dma_wait3A_107 = arith.constant 0 : i32
      %dma_wait3A_108 = tpu.memref_slice %arg5[%arg0, %add3A_64, %dma_wait3A_107] : memref<2x10240x128xf32, #tpu.memory_space<hbm>> -> memref<1x128x128xf32, #tpu.memory_space<hbm>>
      %dma_wait3A_109 = tpu.memref_squeeze %dma_wait3A_108 : memref<1x128x128xf32, #tpu.memory_space<hbm>> -> memref<128x128xf32, #tpu.memory_space<hbm>>
      tpu.wait_dma2 semaphore(%run_scoped3A_97 : memref<!tpu.dma_semaphore, #tpu.memory_space<semaphore_mem>>) src(%arg8 : memref<128x128xf32, #tpu.memory_space<vmem>>) dst(%dma_wait3A_109 : memref<128x128xf32, #tpu.memory_space<hbm>>)
      tpu.yield
    }) : () -> ()
    %mul3A_65 = arith.constant 640 : i32
    %mul3A_66 = arith.muli %arg1, %mul3A_65 : i32
    %add3A_67 = arith.constant 128 : i32
    %add3A_68 = arith.addi %mul3A_66, %add3A_67 : i32
    "tpu.region"() ({
      %run_scoped3A_97 = tpu.sem_alloc : memref<!tpu.dma_semaphore, #tpu.memory_space<semaphore_mem>>
      %dma_start3A_98 = arith.constant 0 : i32
      %dma_start3A_99 = tpu.memref_slice %arg10[%add3A_68, %dma_start3A_98] : memref<10240x128xf32, #tpu.memory_space<vmem_shared>> -> memref<128x128xf32, #tpu.memory_space<vmem_shared>>
      %dma_start3A_100 = arith.constant 0 : i32
      %dma_start3A_101 = tpu.memref_slice %arg10[%add3A_68, %dma_start3A_100] : memref<10240x128xf32, #tpu.memory_space<vmem_shared>> -> memref<128x128xf32, #tpu.memory_space<vmem_shared>>
      tpu.enqueue_dma source(%dma_start3A_101 : memref<128x128xf32, #tpu.memory_space<vmem_shared>>) target(%arg8 : memref<128x128xf32, #tpu.memory_space<vmem>>) target_semaphore(%run_scoped3A_97 : memref<!tpu.dma_semaphore, #tpu.memory_space<semaphore_mem>>)
      %dma_wait3A_102 = arith.constant 0 : i32
      %dma_wait3A_103 = tpu.memref_slice %arg10[%add3A_68, %dma_wait3A_102] : memref<10240x128xf32, #tpu.memory_space<vmem_shared>> -> memref<128x128xf32, #tpu.memory_space<vmem_shared>>
      %dma_wait3A_104 = arith.constant 0 : i32
      %dma_wait3A_105 = tpu.memref_slice %arg10[%add3A_68, %dma_wait3A_104] : memref<10240x128xf32, #tpu.memory_space<vmem_shared>> -> memref<128x128xf32, #tpu.memory_space<vmem_shared>>
      tpu.wait_dma2 semaphore(%run_scoped3A_97 : memref<!tpu.dma_semaphore, #tpu.memory_space<semaphore_mem>>) src(%dma_wait3A_105 : memref<128x128xf32, #tpu.memory_space<vmem_shared>>) dst(%arg8 : memref<128x128xf32, #tpu.memory_space<vmem>>)
      tpu.yield
    }) : () -> ()
    %mul3A_69 = arith.constant 640 : i32
    %mul3A_70 = arith.muli %arg1, %mul3A_69 : i32
    %add3A_71 = arith.constant 128 : i32
    %add3A_72 = arith.addi %mul3A_70, %add3A_71 : i32
    "tpu.region"() ({
      %run_scoped3A_97 = tpu.sem_alloc : memref<!tpu.dma_semaphore, #tpu.memory_space<semaphore_mem>>
      %dma_start3A_98 = arith.constant 0 : i32
      %dma_start3A_99 = tpu.memref_slice %arg5[%arg0, %add3A_72, %dma_start3A_98] : memref<2x10240x128xf32, #tpu.memory_space<hbm>> -> memref<1x128x128xf32, #tpu.memory_space<hbm>>
      %dma_start3A_100 = tpu.memref_squeeze %dma_start3A_99 : memref<1x128x128xf32, #tpu.memory_space<hbm>> -> memref<128x128xf32, #tpu.memory_space<hbm>>
      %dma_start3A_101 = arith.constant 0 : i32
      %dma_start3A_102 = tpu.memref_slice %arg5[%arg0, %add3A_72, %dma_start3A_101] : memref<2x10240x128xf32, #tpu.memory_space<hbm>> -> memref<1x128x128xf32, #tpu.memory_space<hbm>>
      %dma_start3A_103 = tpu.memref_squeeze %dma_start3A_102 : memref<1x128x128xf32, #tpu.memory_space<hbm>> -> memref<128x128xf32, #tpu.memory_space<hbm>>
      tpu.enqueue_dma source(%arg8 : memref<128x128xf32, #tpu.memory_space<vmem>>) target(%dma_start3A_103 : memref<128x128xf32, #tpu.memory_space<hbm>>) target_semaphore(%run_scoped3A_97 : memref<!tpu.dma_semaphore, #tpu.memory_space<semaphore_mem>>)
      %dma_wait3A_104 = arith.constant 0 : i32
      %dma_wait3A_105 = tpu.memref_slice %arg5[%arg0, %add3A_72, %dma_wait3A_104] : memref<2x10240x128xf32, #tpu.memory_space<hbm>> -> memref<1x128x128xf32, #tpu.memory_space<hbm>>
      %dma_wait3A_106 = tpu.memref_squeeze %dma_wait3A_105 : memref<1x128x128xf32, #tpu.memory_space<hbm>> -> memref<128x128xf32, #tpu.memory_space<hbm>>
      %dma_wait3A_107 = arith.constant 0 : i32
      %dma_wait3A_108 = tpu.memref_slice %arg5[%arg0, %add3A_72, %dma_wait3A_107] : memref<2x10240x128xf32, #tpu.memory_space<hbm>> -> memref<1x128x128xf32, #tpu.memory_space<hbm>>
      %dma_wait3A_109 = tpu.memref_squeeze %dma_wait3A_108 : memref<1x128x128xf32, #tpu.memory_space<hbm>> -> memref<128x128xf32, #tpu.memory_space<hbm>>
      tpu.wait_dma2 semaphore(%run_scoped3A_97 : memref<!tpu.dma_semaphore, #tpu.memory_space<semaphore_mem>>) src(%arg8 : memref<128x128xf32, #tpu.memory_space<vmem>>) dst(%dma_wait3A_109 : memref<128x128xf32, #tpu.memory_space<hbm>>)
      tpu.yield
    }) : () -> ()
    %mul3A_73 = arith.constant 640 : i32
    %mul3A_74 = arith.muli %arg1, %mul3A_73 : i32
    %add3A_75 = arith.constant 256 : i32
    %add3A_76 = arith.addi %mul3A_74, %add3A_75 : i32
    "tpu.region"() ({
      %run_scoped3A_97 = tpu.sem_alloc : memref<!tpu.dma_semaphore, #tpu.memory_space<semaphore_mem>>
      %dma_start3A_98 = arith.constant 0 : i32
      %dma_start3A_99 = tpu.memref_slice %arg10[%add3A_76, %dma_start3A_98] : memref<10240x128xf32, #tpu.memory_space<vmem_shared>> -> memref<128x128xf32, #tpu.memory_space<vmem_shared>>
      %dma_start3A_100 = arith.constant 0 : i32
      %dma_start3A_101 = tpu.memref_slice %arg10[%add3A_76, %dma_start3A_100] : memref<10240x128xf32, #tpu.memory_space<vmem_shared>> -> memref<128x128xf32, #tpu.memory_space<vmem_shared>>
      tpu.enqueue_dma source(%dma_start3A_101 : memref<128x128xf32, #tpu.memory_space<vmem_shared>>) target(%arg8 : memref<128x128xf32, #tpu.memory_space<vmem>>) target_semaphore(%run_scoped3A_97 : memref<!tpu.dma_semaphore, #tpu.memory_space<semaphore_mem>>)
      %dma_wait3A_102 = arith.constant 0 : i32
      %dma_wait3A_103 = tpu.memref_slice %arg10[%add3A_76, %dma_wait3A_102] : memref<10240x128xf32, #tpu.memory_space<vmem_shared>> -> memref<128x128xf32, #tpu.memory_space<vmem_shared>>
      %dma_wait3A_104 = arith.constant 0 : i32
      %dma_wait3A_105 = tpu.memref_slice %arg10[%add3A_76, %dma_wait3A_104] : memref<10240x128xf32, #tpu.memory_space<vmem_shared>> -> memref<128x128xf32, #tpu.memory_space<vmem_shared>>
      tpu.wait_dma2 semaphore(%run_scoped3A_97 : memref<!tpu.dma_semaphore, #tpu.memory_space<semaphore_mem>>) src(%dma_wait3A_105 : memref<128x128xf32, #tpu.memory_space<vmem_shared>>) dst(%arg8 : memref<128x128xf32, #tpu.memory_space<vmem>>)
      tpu.yield
    }) : () -> ()
    %mul3A_77 = arith.constant 640 : i32
    %mul3A_78 = arith.muli %arg1, %mul3A_77 : i32
    %add3A_79 = arith.constant 256 : i32
    %add3A_80 = arith.addi %mul3A_78, %add3A_79 : i32
    "tpu.region"() ({
      %run_scoped3A_97 = tpu.sem_alloc : memref<!tpu.dma_semaphore, #tpu.memory_space<semaphore_mem>>
      %dma_start3A_98 = arith.constant 0 : i32
      %dma_start3A_99 = tpu.memref_slice %arg5[%arg0, %add3A_80, %dma_start3A_98] : memref<2x10240x128xf32, #tpu.memory_space<hbm>> -> memref<1x128x128xf32, #tpu.memory_space<hbm>>
      %dma_start3A_100 = tpu.memref_squeeze %dma_start3A_99 : memref<1x128x128xf32, #tpu.memory_space<hbm>> -> memref<128x128xf32, #tpu.memory_space<hbm>>
      %dma_start3A_101 = arith.constant 0 : i32
      %dma_start3A_102 = tpu.memref_slice %arg5[%arg0, %add3A_80, %dma_start3A_101] : memref<2x10240x128xf32, #tpu.memory_space<hbm>> -> memref<1x128x128xf32, #tpu.memory_space<hbm>>
      %dma_start3A_103 = tpu.memref_squeeze %dma_start3A_102 : memref<1x128x128xf32, #tpu.memory_space<hbm>> -> memref<128x128xf32, #tpu.memory_space<hbm>>
      tpu.enqueue_dma source(%arg8 : memref<128x128xf32, #tpu.memory_space<vmem>>) target(%dma_start3A_103 : memref<128x128xf32, #tpu.memory_space<hbm>>) target_semaphore(%run_scoped3A_97 : memref<!tpu.dma_semaphore, #tpu.memory_space<semaphore_mem>>)
      %dma_wait3A_104 = arith.constant 0 : i32
      %dma_wait3A_105 = tpu.memref_slice %arg5[%arg0, %add3A_80, %dma_wait3A_104] : memref<2x10240x128xf32, #tpu.memory_space<hbm>> -> memref<1x128x128xf32, #tpu.memory_space<hbm>>
      %dma_wait3A_106 = tpu.memref_squeeze %dma_wait3A_105 : memref<1x128x128xf32, #tpu.memory_space<hbm>> -> memref<128x128xf32, #tpu.memory_space<hbm>>
      %dma_wait3A_107 = arith.constant 0 : i32
      %dma_wait3A_108 = tpu.memref_slice %arg5[%arg0, %add3A_80, %dma_wait3A_107] : memref<2x10240x128xf32, #tpu.memory_space<hbm>> -> memref<1x128x128xf32, #tpu.memory_space<hbm>>
      %dma_wait3A_109 = tpu.memref_squeeze %dma_wait3A_108 : memref<1x128x128xf32, #tpu.memory_space<hbm>> -> memref<128x128xf32, #tpu.memory_space<hbm>>
      tpu.wait_dma2 semaphore(%run_scoped3A_97 : memref<!tpu.dma_semaphore, #tpu.memory_space<semaphore_mem>>) src(%arg8 : memref<128x128xf32, #tpu.memory_space<vmem>>) dst(%dma_wait3A_109 : memref<128x128xf32, #tpu.memory_space<hbm>>)
      tpu.yield
    }) : () -> ()
    %mul3A_81 = arith.constant 640 : i32
    %mul3A_82 = arith.muli %arg1, %mul3A_81 : i32
    %add3A_83 = arith.constant 384 : i32
    %add3A_84 = arith.addi %mul3A_82, %add3A_83 : i32
    "tpu.region"() ({
      %run_scoped3A_97 = tpu.sem_alloc : memref<!tpu.dma_semaphore, #tpu.memory_space<semaphore_mem>>
      %dma_start3A_98 = arith.constant 0 : i32
      %dma_start3A_99 = tpu.memref_slice %arg10[%add3A_84, %dma_start3A_98] : memref<10240x128xf32, #tpu.memory_space<vmem_shared>> -> memref<128x128xf32, #tpu.memory_space<vmem_shared>>
      %dma_start3A_100 = arith.constant 0 : i32
      %dma_start3A_101 = tpu.memref_slice %arg10[%add3A_84, %dma_start3A_100] : memref<10240x128xf32, #tpu.memory_space<vmem_shared>> -> memref<128x128xf32, #tpu.memory_space<vmem_shared>>
      tpu.enqueue_dma source(%dma_start3A_101 : memref<128x128xf32, #tpu.memory_space<vmem_shared>>) target(%arg8 : memref<128x128xf32, #tpu.memory_space<vmem>>) target_semaphore(%run_scoped3A_97 : memref<!tpu.dma_semaphore, #tpu.memory_space<semaphore_mem>>)
      %dma_wait3A_102 = arith.constant 0 : i32
      %dma_wait3A_103 = tpu.memref_slice %arg10[%add3A_84, %dma_wait3A_102] : memref<10240x128xf32, #tpu.memory_space<vmem_shared>> -> memref<128x128xf32, #tpu.memory_space<vmem_shared>>
      %dma_wait3A_104 = arith.constant 0 : i32
      %dma_wait3A_105 = tpu.memref_slice %arg10[%add3A_84, %dma_wait3A_104] : memref<10240x128xf32, #tpu.memory_space<vmem_shared>> -> memref<128x128xf32, #tpu.memory_space<vmem_shared>>
      tpu.wait_dma2 semaphore(%run_scoped3A_97 : memref<!tpu.dma_semaphore, #tpu.memory_space<semaphore_mem>>) src(%dma_wait3A_105 : memref<128x128xf32, #tpu.memory_space<vmem_shared>>) dst(%arg8 : memref<128x128xf32, #tpu.memory_space<vmem>>)
      tpu.yield
    }) : () -> ()
    %mul3A_85 = arith.constant 640 : i32
    %mul3A_86 = arith.muli %arg1, %mul3A_85 : i32
    %add3A_87 = arith.constant 384 : i32
    %add3A_88 = arith.addi %mul3A_86, %add3A_87 : i32
    "tpu.region"() ({
      %run_scoped3A_97 = tpu.sem_alloc : memref<!tpu.dma_semaphore, #tpu.memory_space<semaphore_mem>>
      %dma_start3A_98 = arith.constant 0 : i32
      %dma_start3A_99 = tpu.memref_slice %arg5[%arg0, %add3A_88, %dma_start3A_98] : memref<2x10240x128xf32, #tpu.memory_space<hbm>> -> memref<1x128x128xf32, #tpu.memory_space<hbm>>
      %dma_start3A_100 = tpu.memref_squeeze %dma_start3A_99 : memref<1x128x128xf32, #tpu.memory_space<hbm>> -> memref<128x128xf32, #tpu.memory_space<hbm>>
      %dma_start3A_101 = arith.constant 0 : i32
      %dma_start3A_102 = tpu.memref_slice %arg5[%arg0, %add3A_88, %dma_start3A_101] : memref<2x10240x128xf32, #tpu.memory_space<hbm>> -> memref<1x128x128xf32, #tpu.memory_space<hbm>>
      %dma_start3A_103 = tpu.memref_squeeze %dma_start3A_102 : memref<1x128x128xf32, #tpu.memory_space<hbm>> -> memref<128x128xf32, #tpu.memory_space<hbm>>
      tpu.enqueue_dma source(%arg8 : memref<128x128xf32, #tpu.memory_space<vmem>>) target(%dma_start3A_103 : memref<128x128xf32, #tpu.memory_space<hbm>>) target_semaphore(%run_scoped3A_97 : memref<!tpu.dma_semaphore, #tpu.memory_space<semaphore_mem>>)
      %dma_wait3A_104 = arith.constant 0 : i32
      %dma_wait3A_105 = tpu.memref_slice %arg5[%arg0, %add3A_88, %dma_wait3A_104] : memref<2x10240x128xf32, #tpu.memory_space<hbm>> -> memref<1x128x128xf32, #tpu.memory_space<hbm>>
      %dma_wait3A_106 = tpu.memref_squeeze %dma_wait3A_105 : memref<1x128x128xf32, #tpu.memory_space<hbm>> -> memref<128x128xf32, #tpu.memory_space<hbm>>
      %dma_wait3A_107 = arith.constant 0 : i32
      %dma_wait3A_108 = tpu.memref_slice %arg5[%arg0, %add3A_88, %dma_wait3A_107] : memref<2x10240x128xf32, #tpu.memory_space<hbm>> -> memref<1x128x128xf32, #tpu.memory_space<hbm>>
      %dma_wait3A_109 = tpu.memref_squeeze %dma_wait3A_108 : memref<1x128x128xf32, #tpu.memory_space<hbm>> -> memref<128x128xf32, #tpu.memory_space<hbm>>
      tpu.wait_dma2 semaphore(%run_scoped3A_97 : memref<!tpu.dma_semaphore, #tpu.memory_space<semaphore_mem>>) src(%arg8 : memref<128x128xf32, #tpu.memory_space<vmem>>) dst(%dma_wait3A_109 : memref<128x128xf32, #tpu.memory_space<hbm>>)
      tpu.yield
    }) : () -> ()
    %mul3A_89 = arith.constant 640 : i32
    %mul3A_90 = arith.muli %arg1, %mul3A_89 : i32
    %add3A_91 = arith.constant 512 : i32
    %add3A_92 = arith.addi %mul3A_90, %add3A_91 : i32
    "tpu.region"() ({
      %run_scoped3A_97 = tpu.sem_alloc : memref<!tpu.dma_semaphore, #tpu.memory_space<semaphore_mem>>
      %dma_start3A_98 = arith.constant 0 : i32
      %dma_start3A_99 = tpu.memref_slice %arg10[%add3A_92, %dma_start3A_98] : memref<10240x128xf32, #tpu.memory_space<vmem_shared>> -> memref<128x128xf32, #tpu.memory_space<vmem_shared>>
      %dma_start3A_100 = arith.constant 0 : i32
      %dma_start3A_101 = tpu.memref_slice %arg10[%add3A_92, %dma_start3A_100] : memref<10240x128xf32, #tpu.memory_space<vmem_shared>> -> memref<128x128xf32, #tpu.memory_space<vmem_shared>>
      tpu.enqueue_dma source(%dma_start3A_101 : memref<128x128xf32, #tpu.memory_space<vmem_shared>>) target(%arg8 : memref<128x128xf32, #tpu.memory_space<vmem>>) target_semaphore(%run_scoped3A_97 : memref<!tpu.dma_semaphore, #tpu.memory_space<semaphore_mem>>)
      %dma_wait3A_102 = arith.constant 0 : i32
      %dma_wait3A_103 = tpu.memref_slice %arg10[%add3A_92, %dma_wait3A_102] : memref<10240x128xf32, #tpu.memory_space<vmem_shared>> -> memref<128x128xf32, #tpu.memory_space<vmem_shared>>
      %dma_wait3A_104 = arith.constant 0 : i32
      %dma_wait3A_105 = tpu.memref_slice %arg10[%add3A_92, %dma_wait3A_104] : memref<10240x128xf32, #tpu.memory_space<vmem_shared>> -> memref<128x128xf32, #tpu.memory_space<vmem_shared>>
      tpu.wait_dma2 semaphore(%run_scoped3A_97 : memref<!tpu.dma_semaphore, #tpu.memory_space<semaphore_mem>>) src(%dma_wait3A_105 : memref<128x128xf32, #tpu.memory_space<vmem_shared>>) dst(%arg8 : memref<128x128xf32, #tpu.memory_space<vmem>>)
      tpu.yield
    }) : () -> ()
    %mul3A_93 = arith.constant 640 : i32
    %mul3A_94 = arith.muli %arg1, %mul3A_93 : i32
    %add3A_95 = arith.constant 512 : i32
    %add3A_96 = arith.addi %mul3A_94, %add3A_95 : i32
    "tpu.region"() ({
      %run_scoped3A_97 = tpu.sem_alloc : memref<!tpu.dma_semaphore, #tpu.memory_space<semaphore_mem>>
      %dma_start3A_98 = arith.constant 0 : i32
      %dma_start3A_99 = tpu.memref_slice %arg5[%arg0, %add3A_96, %dma_start3A_98] : memref<2x10240x128xf32, #tpu.memory_space<hbm>> -> memref<1x128x128xf32, #tpu.memory_space<hbm>>
      %dma_start3A_100 = tpu.memref_squeeze %dma_start3A_99 : memref<1x128x128xf32, #tpu.memory_space<hbm>> -> memref<128x128xf32, #tpu.memory_space<hbm>>
      %dma_start3A_101 = arith.constant 0 : i32
      %dma_start3A_102 = tpu.memref_slice %arg5[%arg0, %add3A_96, %dma_start3A_101] : memref<2x10240x128xf32, #tpu.memory_space<hbm>> -> memref<1x128x128xf32, #tpu.memory_space<hbm>>
      %dma_start3A_103 = tpu.memref_squeeze %dma_start3A_102 : memref<1x128x128xf32, #tpu.memory_space<hbm>> -> memref<128x128xf32, #tpu.memory_space<hbm>>
      tpu.enqueue_dma source(%arg8 : memref<128x128xf32, #tpu.memory_space<vmem>>) target(%dma_start3A_103 : memref<128x128xf32, #tpu.memory_space<hbm>>) target_semaphore(%run_scoped3A_97 : memref<!tpu.dma_semaphore, #tpu.memory_space<semaphore_mem>>)
      %dma_wait3A_104 = arith.constant 0 : i32
      %dma_wait3A_105 = tpu.memref_slice %arg5[%arg0, %add3A_96, %dma_wait3A_104] : memref<2x10240x128xf32, #tpu.memory_space<hbm>> -> memref<1x128x128xf32, #tpu.memory_space<hbm>>
      %dma_wait3A_106 = tpu.memref_squeeze %dma_wait3A_105 : memref<1x128x128xf32, #tpu.memory_space<hbm>> -> memref<128x128xf32, #tpu.memory_space<hbm>>
      %dma_wait3A_107 = arith.constant 0 : i32
      %dma_wait3A_108 = tpu.memref_slice %arg5[%arg0, %add3A_96, %dma_wait3A_107] : memref<2x10240x128xf32, #tpu.memory_space<hbm>> -> memref<1x128x128xf32, #tpu.memory_space<hbm>>
      %dma_wait3A_109 = tpu.memref_squeeze %dma_wait3A_108 : memref<1x128x128xf32, #tpu.memory_space<hbm>> -> memref<128x128xf32, #tpu.memory_space<hbm>>
      tpu.wait_dma2 semaphore(%run_scoped3A_97 : memref<!tpu.dma_semaphore, #tpu.memory_space<semaphore_mem>>) src(%arg8 : memref<128x128xf32, #tpu.memory_space<vmem>>) dst(%dma_wait3A_109 : memref<128x128xf32, #tpu.memory_space<hbm>>)
      tpu.yield
    }) : () -> ()
    return
  }
}

module attributes {stable_mosaic.version = 14 : i64} {
  func.func @_first_body(%arg0: i32, %arg1: memref<2x128x128xf32, #tpu.memory_space<vmem>>, %arg2: memref<128x128xf32, #tpu.memory_space<vmem>>, %arg3: memref<128x128xf32, #tpu.memory_space<vmem>>, %arg4: memref<128x128xf32, #tpu.memory_space<vmem>>, %arg5: memref<128x1xf32, #tpu.memory_space<vmem>>) attributes {dimension_semantics = [#tpu.dimension_semantics<arbitrary>], iteration_bounds = array<i64: 80>, scalar_prefetch = 0 : i64, scratch_operands = 0 : i64, tpu.core_type = #tpu.core_type<tc>, window_params = [{transform_indices = @transform_0, window_bounds = array<i64: 2, 128, 128>}, {transform_indices = @transform_1, window_bounds = array<i64: 128, 128>}, {pipeline_mode = #tpu.pipeline_mode<synchronous>, transform_indices = @transform_2, window_bounds = array<i64: 128, 128>}, {transform_indices = @transform_3, window_bounds = array<i64: 128, 128>}, {transform_indices = @transform_4, window_bounds = array<i64: 128, 1>}]} {
    %get3A = arith.constant 0 : index
    %get3A_0 = arith.constant 0 : index
    %get3A_1 = arith.constant 0 : index
    %get3A_2 = vector.load %arg1[%get3A, %get3A_0, %get3A_1] : memref<2x128x128xf32, #tpu.memory_space<vmem>>, vector<1x128x1xf32>
    %get3A_3 = vector.shape_cast %get3A_2 : vector<1x128x1xf32> to vector<128x1xf32>
    %get3A_4 = arith.constant 1 : index
    %get3A_5 = arith.constant 0 : index
    %get3A_6 = arith.constant 0 : index
    %get3A_7 = vector.load %arg1[%get3A_4, %get3A_5, %get3A_6] : memref<2x128x128xf32, #tpu.memory_space<vmem>>, vector<1x128x1xf32>
    %get3A_8 = vector.shape_cast %get3A_7 : vector<1x128x1xf32> to vector<128x1xf32>
    %add3A = arith.addf %get3A_3, %get3A_8 : vector<128x1xf32>
    %gt3A = arith.constant 0.000000e+00 : f32
    %gt3A_9 = vector.broadcast %gt3A : f32 to vector<128x1xf32>
    %gt3A_10 = arith.cmpf ogt, %add3A, %gt3A_9 : vector<128x1xf32>
    %max3A = arith.constant 1.000000e+00 : f32
    %max3A_11 = vector.broadcast %max3A : f32 to vector<128x1xf32>
    %max3A_12 = arith.maximumf %add3A, %max3A_11 : vector<128x1xf32>
    %rsqrt3A = math.rsqrt %max3A_12 : vector<128x1xf32>
    %jit3A = arith.constant 0.000000e+00 : f32
    %broadcast_in_dim3A = vector.broadcast %jit3A : f32 to vector<128x1xf32>
    %select_n3A = arith.select %gt3A_10, %rsqrt3A, %broadcast_in_dim3A : vector<128x1xi1>, vector<128x1xf32>
    %get3A_13 = arith.constant 0 : index
    %get3A_14 = arith.constant 0 : index
    %get3A_15 = vector.load %arg2[%get3A_13, %get3A_14] : memref<128x128xf32, #tpu.memory_space<vmem>>, vector<128x128xf32>
    %get3A_16 = arith.constant 0 : index
    %get3A_17 = arith.constant 0 : index
    %get3A_18 = vector.load %arg3[%get3A_16, %get3A_17] : memref<128x128xf32, #tpu.memory_space<vmem>>, vector<128x128xf32>
    %dot_general3A = arith.constant dense<0.000000e+00> : vector<128x128xf32>
    %dot_general3A_19 = tpu.matmul %get3A_15, %get3A_18, %dot_general3A {dimension_numbers = #tpu.dot_dimension_numbers<[1], [0], [0], [1], [0, 0, 1, 1], [], []>, precision = #tpu.contract_precision<fp32>, transpose_lhs_hint = false} : vector<128x128xf32>, vector<128x128xf32>, vector<128x128xf32> -> vector<128x128xf32>
    %mul3A = vector.broadcast %select_n3A : vector<128x1xf32> to vector<128x128xf32>
    %mul3A_20 = arith.mulf %mul3A, %dot_general3A_19 : vector<128x128xf32>
    %swap3A = arith.constant 0 : index
    %swap3A_21 = arith.constant 0 : index
    %swap3A_22 = vector.load %arg4[%swap3A, %swap3A_21] : memref<128x128xf32, #tpu.memory_space<vmem>>, vector<128x128xf32>
    tpu.vector_store %arg4[%swap3A, %swap3A_21], %mul3A_20 {strides = array<i32>} : memref<128x128xf32, #tpu.memory_space<vmem>>, vector<128x128xf32>,
    %swap3A_23 = arith.constant 0 : index
    %swap3A_24 = arith.constant 0 : index
    %swap3A_25 = vector.load %arg5[%swap3A_23, %swap3A_24] : memref<128x1xf32, #tpu.memory_space<vmem>>, vector<128x1xf32>
    tpu.vector_store %arg5[%swap3A_23, %swap3A_24], %select_n3A {strides = array<i32>} : memref<128x1xf32, #tpu.memory_space<vmem>>, vector<128x1xf32>,
    return
  }
  func.func @transform_0(%arg0: i32) -> (i32, i32, i32) {
    %c0_i32 = arith.constant 0 : i32
    %c0_i32_0 = arith.constant 0 : i32
    %c0_i32_1 = arith.constant 0 : i32
    return %c0_i32, %arg0, %c0_i32_0 : i32, i32, i32
  }
  func.func @transform_1(%arg0: i32) -> (i32, i32) {
    %c0_i32 = arith.constant 0 : i32
    %c0_i32_0 = arith.constant 0 : i32
    return %arg0, %c0_i32 : i32, i32
  }
  func.func @transform_2(%arg0: i32) -> (i32, i32) {
    %c0_i32 = arith.constant 0 : i32
    %c0_i32_0 = arith.constant 0 : i32
    %c0_i32_1 = arith.constant 0 : i32
    return %c0_i32, %c0_i32_0 : i32, i32
  }
  func.func @transform_3(%arg0: i32) -> (i32, i32) {
    %c0_i32 = arith.constant 0 : i32
    %c0_i32_0 = arith.constant 0 : i32
    return %arg0, %c0_i32 : i32, i32
  }
  func.func @transform_4(%arg0: i32) -> (i32, i32) {
    %c0_i32 = arith.constant 0 : i32
    %c0_i32_0 = arith.constant 0 : i32
    return %arg0, %c0_i32 : i32, i32
  }
}

module attributes {stable_mosaic.version = 14 : i64} {
  func.func @_mid_body(%arg0: i32, %arg1: memref<2x128x128xf32, #tpu.memory_space<vmem>>, %arg2: memref<128x1xf32, #tpu.memory_space<vmem>>, %arg3: memref<128x128xf32, #tpu.memory_space<vmem>>, %arg4: memref<128x128xf32, #tpu.memory_space<vmem>>) attributes {dimension_semantics = [#tpu.dimension_semantics<arbitrary>], iteration_bounds = array<i64: 80>, scalar_prefetch = 0 : i64, scratch_operands = 0 : i64, tpu.core_type = #tpu.core_type<tc>, window_params = [{transform_indices = @transform_0, window_bounds = array<i64: 2, 128, 128>}, {transform_indices = @transform_1, window_bounds = array<i64: 128, 1>}, {pipeline_mode = #tpu.pipeline_mode<synchronous>, transform_indices = @transform_2, window_bounds = array<i64: 128, 128>}, {transform_indices = @transform_3, window_bounds = array<i64: 128, 128>}]} {
    %get3A = arith.constant 0 : index
    %get3A_0 = arith.constant 0 : index
    %get3A_1 = arith.constant 0 : index
    %get3A_2 = vector.load %arg1[%get3A, %get3A_0, %get3A_1] : memref<2x128x128xf32, #tpu.memory_space<vmem>>, vector<1x128x128xf32>
    %get3A_3 = vector.shape_cast %get3A_2 : vector<1x128x128xf32> to vector<128x128xf32>
    %get3A_4 = arith.constant 1 : index
    %get3A_5 = arith.constant 0 : index
    %get3A_6 = arith.constant 0 : index
    %get3A_7 = vector.load %arg1[%get3A_4, %get3A_5, %get3A_6] : memref<2x128x128xf32, #tpu.memory_space<vmem>>, vector<1x128x128xf32>
    %get3A_8 = vector.shape_cast %get3A_7 : vector<1x128x128xf32> to vector<128x128xf32>
    %add3A = arith.addf %get3A_3, %get3A_8 : vector<128x128xf32>
    %get3A_9 = arith.constant 0 : index
    %get3A_10 = arith.constant 0 : index
    %get3A_11 = vector.load %arg2[%get3A_9, %get3A_10] : memref<128x1xf32, #tpu.memory_space<vmem>>, vector<128x1xf32>
    %mul3A = vector.broadcast %get3A_11 : vector<128x1xf32> to vector<128x128xf32>
    %mul3A_12 = arith.mulf %mul3A, %add3A : vector<128x128xf32>
    %max3A = arith.constant 0.000000e+00 : f32
    %max3A_13 = vector.broadcast %max3A : f32 to vector<128x128xf32>
    %max3A_14 = arith.maximumf %mul3A_12, %max3A_13 : vector<128x128xf32>
    %get3A_15 = arith.constant 0 : index
    %get3A_16 = arith.constant 0 : index
    %get3A_17 = vector.load %arg3[%get3A_15, %get3A_16] : memref<128x128xf32, #tpu.memory_space<vmem>>, vector<128x128xf32>
    %dot_general3A = arith.constant dense<0.000000e+00> : vector<128x128xf32>
    %dot_general3A_18 = tpu.matmul %max3A_14, %get3A_17, %dot_general3A {dimension_numbers = #tpu.dot_dimension_numbers<[1], [0], [0], [1], [0, 0, 1, 1], [], []>, precision = #tpu.contract_precision<fp32>, transpose_lhs_hint = false} : vector<128x128xf32>, vector<128x128xf32>, vector<128x128xf32> -> vector<128x128xf32>
    %mul3A_19 = vector.broadcast %get3A_11 : vector<128x1xf32> to vector<128x128xf32>
    %mul3A_20 = arith.mulf %mul3A_19, %dot_general3A_18 : vector<128x128xf32>
    %swap3A = arith.constant 0 : index
    %swap3A_21 = arith.constant 0 : index
    %swap3A_22 = vector.load %arg4[%swap3A, %swap3A_21] : memref<128x128xf32, #tpu.memory_space<vmem>>, vector<128x128xf32>
    tpu.vector_store %arg4[%swap3A, %swap3A_21], %mul3A_20 {strides = array<i32>} : memref<128x128xf32, #tpu.memory_space<vmem>>, vector<128x128xf32>,
    return
  }
  func.func @transform_0(%arg0: i32) -> (i32, i32, i32) {
    %c0_i32 = arith.constant 0 : i32
    %c0_i32_0 = arith.constant 0 : i32
    %c0_i32_1 = arith.constant 0 : i32
    return %c0_i32, %arg0, %c0_i32_0 : i32, i32, i32
  }
  func.func @transform_1(%arg0: i32) -> (i32, i32) {
    %c0_i32 = arith.constant 0 : i32
    %c0_i32_0 = arith.constant 0 : i32
    return %arg0, %c0_i32 : i32, i32
  }
  func.func @transform_2(%arg0: i32) -> (i32, i32) {
    %c0_i32 = arith.constant 0 : i32
    %c0_i32_0 = arith.constant 0 : i32
    %c0_i32_1 = arith.constant 0 : i32
    return %c0_i32, %c0_i32_0 : i32, i32
  }
  func.func @transform_3(%arg0: i32) -> (i32, i32) {
    %c0_i32 = arith.constant 0 : i32
    %c0_i32_0 = arith.constant 0 : i32
    return %arg0, %c0_i32 : i32, i32
  }
}

module attributes {stable_mosaic.version = 14 : i64} {
  func.func @_final_body(%arg0: i32, %arg1: memref<2x128x128xf32, #tpu.memory_space<vmem>>, %arg2: memref<128x1xf32, #tpu.memory_space<vmem>>, %arg3: memref<128x128xf32, #tpu.memory_space<vmem>>) attributes {dimension_semantics = [#tpu.dimension_semantics<arbitrary>], iteration_bounds = array<i64: 80>, scalar_prefetch = 0 : i64, scratch_operands = 0 : i64, tpu.core_type = #tpu.core_type<tc>, window_params = [{transform_indices = @transform_0, window_bounds = array<i64: 2, 128, 128>}, {transform_indices = @transform_1, window_bounds = array<i64: 128, 1>}, {transform_indices = @transform_2, window_bounds = array<i64: 128, 128>}]} {
    %get3A = arith.constant 0 : index
    %get3A_0 = arith.constant 0 : index
    %get3A_1 = vector.load %arg2[%get3A, %get3A_0] : memref<128x1xf32, #tpu.memory_space<vmem>>, vector<128x1xf32>
    %get3A_2 = arith.constant 0 : index
    %get3A_3 = arith.constant 0 : index
    %get3A_4 = arith.constant 0 : index
    %get3A_5 = vector.load %arg1[%get3A_2, %get3A_3, %get3A_4] : memref<2x128x128xf32, #tpu.memory_space<vmem>>, vector<1x128x128xf32>
    %get3A_6 = vector.shape_cast %get3A_5 : vector<1x128x128xf32> to vector<128x128xf32>
    %get3A_7 = arith.constant 1 : index
    %get3A_8 = arith.constant 0 : index
    %get3A_9 = arith.constant 0 : index
    %get3A_10 = vector.load %arg1[%get3A_7, %get3A_8, %get3A_9] : memref<2x128x128xf32, #tpu.memory_space<vmem>>, vector<1x128x128xf32>
    %get3A_11 = vector.shape_cast %get3A_10 : vector<1x128x128xf32> to vector<128x128xf32>
    %add3A = arith.addf %get3A_6, %get3A_11 : vector<128x128xf32>
    %mul3A = vector.broadcast %get3A_1 : vector<128x1xf32> to vector<128x128xf32>
    %mul3A_12 = arith.mulf %mul3A, %add3A : vector<128x128xf32>
    %swap3A = arith.constant 0 : index
    %swap3A_13 = arith.constant 0 : index
    %swap3A_14 = vector.load %arg3[%swap3A, %swap3A_13] : memref<128x128xf32, #tpu.memory_space<vmem>>, vector<128x128xf32>
    tpu.vector_store %arg3[%swap3A, %swap3A_13], %mul3A_12 {strides = array<i32>} : memref<128x128xf32, #tpu.memory_space<vmem>>, vector<128x128xf32>,
    return
  }
  func.func @transform_0(%arg0: i32) -> (i32, i32, i32) {
    %c0_i32 = arith.constant 0 : i32
    %c0_i32_0 = arith.constant 0 : i32
    %c0_i32_1 = arith.constant 0 : i32
    return %c0_i32, %arg0, %c0_i32_0 : i32, i32, i32
  }
  func.func @transform_1(%arg0: i32) -> (i32, i32) {
    %c0_i32 = arith.constant 0 : i32
    %c0_i32_0 = arith.constant 0 : i32
    return %arg0, %c0_i32 : i32, i32
  }
  func.func @transform_2(%arg0: i32) -> (i32, i32) {
    %c0_i32 = arith.constant 0 : i32
    %c0_i32_0 = arith.constant 0 : i32
    return %arg0, %c0_i32 : i32, i32
  }
}

</mosaic_0001>

<sc_bundles>
// kernel: gather_offload_async_start.1
scs
__scs_entry_jumppad:
0x0: {  	(pc) =	sbr.rel $0x88, $3  }
0x1: {  	(tag) =	ssettag $0x0;
	lr =	simm.s32 $0x1  }
0x2: {  	[smem:$0x3F9D] =	sst lr;
	_ =	strace $0xD0000000  }
0x3: {  	_ = 	snop  }
0x4: {  	_ = 	snop  }
0x5: {  	_ = 	snop  }
0x6: {  	_ = 	snop  }
0x7: {  	_ = 	snop  }
__scs_overlays_trampoline_lowered:
0x8: {  	[smem:$0x3FAC] =	sst s0  }
0x9: {  	[smem:$0x3FAD] =	sst s1  }
0xa: {  	[smem:$0x3FAE] =	sst s2  }
0xb: {  	[smem:$0x3FAF] =	sst s3  }
0xc: {  	[smem:$0x3FB0] =	sst s4  }
0xd: {  	[smem:$0x3FB1] =	sst s5  }
0xe: {  	[smem:$0x3FB2] =	sst s6  }
0xf: {  	[smem:$0x3FB3] =	sst s7  }
0x10: {  	[smem:$0x3FB4] =	sst s8  }
0x11: {  	[smem:$0x3FB5] =	sst s9;
	s0 =	simm.s32 @!p0 $0x0  }
0x12: {  	s1 =	sld [smem:$0x3F9B];
	s0 =	simm.s32 @p0 $0x1  }
0x13: {  	[smem:$0x3FB6] =	sst s0;
	s0 =	simm.s32 @!p1 $0x0  }
0x14: {  	s2 =	sld [smem:$0x3F9A];
	s0 =	simm.s32 @p1 $0x1  }
0x15: {  	[smem:$0x3FB7] =	sst s0;
	s0 =	simm.s32 @!p2 $0x0  }
0x16: {  	s3 =	sld [smem:$0x3FDB];
	s0 =	simm.s32 @p2 $0x1  }
0x17: {  	s4 =	simm.s32 $0x1BF5;
	[smem:$0x3FB9] =	sst s0  }
0x18: {  	s0 =	sld [smem:$0x3F9C];
	_ =	swait.ge [sflag:s4], $0x0  }
0x19: {  	s7 =	sld [smem:$0x3F9D]  }
0x1a: {  	s8 =	sadd.s32 $0xFFFFE003, lr  }
0x1b: {  	s9 =	sadd.s32 $0xFFFFFEF7, lr;
	s5 =	simm.s32 $0xFFFFFFFF;
	p2 =	slt.u32 s8, $0xFFFFF086  }
0x1c: {  	p1 =	slt.u32 s9, $0xF7A;
	s5 =	simm.s32 @!p2 $0x0  }
0x1d: {  	s5 =	simm.s32 @p1 $0x1;
	p0 =	seq.s32 s7, s2  }
0x1e: {  	s7 =	smul.u32 @!p0 $0xF7A, s2;
	p2 =	seq.s32 @!p0 s5, $0x0  }
0x1f: {  	s9 =	smul.u32 $0xF7A, s1;
	s8 =	simm.s32 @!p0 $0x1BF5;
	p2 =	por !p2, p0  }
0x20: {  	[sflag:s8] =	ssyncset.s32 @!p0 $0xFFFFF086;
	s6 =	sadd.s32 @!p0 s3, s7;
	s7 =	simm.s32 @!p0 $0x108  }
0x21: {  	s3 =	sadd.s32 s3, s9;
	s6 =	sadd.s32 @!p0 $0x88, s6;
	s7 =	simm.s32 @p2 $0x1082  }
0x22: {  	[simem:s7], [sflag:s8] =	dma.local @!p0 [hbm:s6], $0xF7A  }
0x23: {  	s9 =	sor.u32 $0xD0000000, s2;
	s6 =	simm.s32 $0x108;
	_ =	swait.ge @!p0 [sflag:s8], $0x0  }
0x24: {  	s3 =	sadd.s32 $0x88, s3;
	s6 =	simm.s32 @!p1 $0x1082;
	[sflag:s4] =	ssyncset.s32 $0xFFFFF086  }
0x25: {  	[simem:s6], [sflag:s4] =	dma.local [hbm:s3], $0xF7A  }
0x26: {  	[smem:$0x3F9D] =	sst s1;
	(tag) =	ssettag s2;
	_ =	strace s9  }
0x27: {  	s1 =	sld [smem:$0x3FAD]  }
0x28: {  	s2 =	sld [smem:$0x3FAE]  }
0x29: {  	s4 =	sld [smem:$0x3FB0]  }
0x2a: {  	p0 =	seq.s32 s5, $0x0;
	s5 =	sld [smem:$0x3FB1]  }
0x2b: {  	s6 =	sld [smem:$0x3FB2]  }
0x2c: {  	s7 =	sld [smem:$0x3FB3]  }
0x2d: {  	s3 =	simm.s32 $0x108;
	s8 =	sld [smem:$0x3FB4]  }
0x2e: {  	s3 =	simm.s32 @!p0 $0x1082;
	s9 =	sld [smem:$0x3FB5]  }
0x2f: {  	lr =	sadd.s32 s0, s3;
	s0 =	sld [smem:$0x3FAC]  }
0x30: {  	s3 =	sld [smem:$0x3FAF]  }
0x31: {  	[smem:$0x3FB8] =	sst s10  }
0x32: {  	s10 =	sld [smem:$0x3FB6];
	_ =	sdelay $0x3  }
0x33: {  	p0 =	seq.s32 s10, $0x1;
	s10 =	sld [smem:$0x3FB8];
	_ =	sdelay $0x3  }
0x34: {  	[smem:$0x3FB8] =	sst s10  }
0x35: {  	s10 =	sld [smem:$0x3FB7];
	_ =	sdelay $0x3  }
0x36: {  	p1 =	seq.s32 s10, $0x1;
	s10 =	sld [smem:$0x3FB8];
	_ =	sdelay $0x3  }
0x37: {  	[smem:$0x3FB8] =	sst s10  }
0x38: {  	s10 =	sld [smem:$0x3FB9]  }
0x39: {  	_ = 	snop;
	(pc) =	sbr.ind lr, $3  }
0x3a: {  	_ = 	snop  }
0x3b: {  	_ = 	snop  }
0x3c: {  	p2 =	seq.s32 s10, $0x1;
	s10 =	sld [smem:$0x3FB8]  }
0x3d: {  	_ =	shalt  }
0x3e: {  	_ =	shalt  }
0x3f: {  	_ =	shalt  }
0x40: {  	_ =	shalt  }
0x41: {  	_ =	shalt  }
0x42: {  	_ =	shalt  }
0x43: {  	_ =	shalt  }
0x44: {  	_ =	shalt  }
0x45: {  	_ =	shalt  }
0x46: {  	_ =	shalt  }
0x47: {  	_ =	shalt  }
0x48: {  	_ =	shalt  }
0x49: {  	_ =	shalt  }
0x4a: {  	_ =	shalt  }
0x4b: {  	_ =	shalt  }
0x4c: {  	_ =	shalt  }
0x4d: {  	_ =	shalt  }
0x4e: {  	_ =	shalt  }
0x4f: {  	_ =	shalt  }
0x50: {  	_ =	shalt  }
0x51: {  	_ =	shalt  }
0x52: {  	_ =	shalt  }
0x53: {  	_ =	shalt  }
0x54: {  	_ =	shalt  }
0x55: {  	_ =	shalt  }
0x56: {  	_ =	shalt  }
0x57: {  	_ =	shalt  }
0x58: {  	_ =	shalt  }
0x59: {  	_ =	shalt  }
0x5a: {  	_ =	shalt  }
0x5b: {  	_ =	shalt  }
0x5c: {  	_ =	shalt  }
0x5d: {  	_ =	shalt  }
0x5e: {  	_ =	shalt  }
0x5f: {  	_ =	shalt  }
0x60: {  	_ =	shalt  }
0x61: {  	_ =	shalt  }
0x62: {  	_ =	shalt  }
0x63: {  	_ =	shalt  }
0x64: {  	_ =	shalt  }
0x65: {  	_ =	shalt  }
0x66: {  	_ =	shalt  }
0x67: {  	_ =	shalt  }
0x68: {  	_ =	shalt  }
0x69: {  	_ =	shalt  }
0x6a: {  	_ =	shalt  }
0x6b: {  	_ =	shalt  }
0x6c: {  	_ =	shalt  }
0x6d: {  	_ =	shalt  }
0x6e: {  	_ =	shalt  }
0x6f: {  	_ =	shalt  }
0x70: {  	_ =	shalt  }
0x71: {  	_ =	shalt  }
0x72: {  	_ =	shalt  }
0x73: {  	_ =	shalt  }
0x74: {  	_ =	shalt  }
0x75: {  	_ =	shalt  }
0x76: {  	_ =	shalt  }
0x77: {  	_ =	shalt  }
0x78: {  	_ =	shalt  }
0x79: {  	_ =	shalt  }
0x7a: {  	_ =	shalt  }
0x7b: {  	_ =	shalt  }
0x7c: {  	_ =	shalt  }
0x7d: {  	_ =	shalt  }
0x7e: {  	_ =	shalt  }
0x7f: {  	_ =	shalt  }
0x80: {  	_ =	shalt  }
0x81: {  	_ =	shalt  }
0x82: {  	_ =	shalt  }
0x83: {  	_ =	shalt  }
0x84: {  	_ =	shalt  }
0x85: {  	_ =	shalt  }
0x86: {  	_ =	shalt  }
0x87: {  	_ =	shalt  }
.Lfunc_end0:
.L_simem_size_0:
called_computation.1_lowered:
.L_overlay_start_0:
0x88: {  	s2 =	sld [smem:$0x3FD9]  }
0x89: {  	s3 =	sld [smem:$0x3FFE];
	_ =	sdelay $0x1  }
0x8a: {  	s1 =	srdreg.scid  }
0x8b: {  	s0 =	sand.u32 $0x1, s1  }
0x8c: {  	s16 =	sshll.u32 s0, $0xA;
	s2 =	sadd.s32 s3, s2  }
0x8d: {  	s2 =	sadd.s32 s2, s16  }
0x8e: {  	[smem:$0x3FC4] =	sst s2  }
0x8f: {  	_ = 	snop  }
0x90: {  	(tm) =	ssettm $0x1  }
0x91: {  	s17 =	sld [smem:$0x3FFB];
	_ =	sdelay $0x3  }
0x92: {  	_ =	strace s17  }
0x93: {  	s2 =	sld [smem:$0x3FFC];
	_ =	sdelay $0x3  }
0x94: {  	_ =	strace s2  }
0x95: {  	s2 =	sld [smem:$0x3FFD];
	_ =	sdelay $0x3  }
0x96: {  	_ =	strace s2  }
0x97: {  	_ =	strace $0x8FFFFFFF  }
0x98: {  	s18 =	sld [smem:$0x3FDB];
	_ =	sdelay $0x1  }
0x99: {  	s19 =	simm.s32 $_scs_section_size  }
0x9a: {  	s4 =	simm.s32 $_size__tile_overlayer_lowered;
	s5 =	simm.s32 $_tile_overlayer_lowered  }
0x9b: {  	s22 =	simm.s32 $0x1BFF;
	s21 =	sshll.u32 s5, $0x1;
	s2 =	sadd.s32 s19, s18  }
0x9c: {  	s6 =	simm.s32 $0x0;
	s20 =	sshll.u32 s4, $0x1;
	s4 =	sadd.s32 s21, s2  }
0x9d: {  	[timem:s6], [sflag:s22] =	dma.local [hbm:s4], s20  }
0x9e: {  	_ =	swait.ge [sflag:s22], s20  }
0x9f: {  	s3 =	ssub.s32 $0x0, s20;
	[sflag:s22] =	ssyncset.done $0x0  }
0xa0: {  	[sflag:s22] =	ssyncadd.s32 s3;
	_ =	sdelay $0x1  }
0xa1: {  	s23 =	simm.s32 $0x1B8B  }
0xa2: {  	_ =	swait.ge [sflag:s23], $0x1  }
0xa3: {  	[sflag:s23] =	ssyncset.done $0x0  }
0xa4: {  	s25 =	simm.s32 $0x1B8E;
	s24 =	sld [smem:$0x3FFE];
	[sflag:s23] =	ssyncadd.s32 $0xFFFFFFFF  }
0xa5: {  	s26 =	simm.s32 $execute0_lowered;
	[smem:$0x3FD2] =	sst s25  }
0xa6: {  	s4 =	sshll.u32 s26, $0x1;
	_ =	strace $0x80000046;
	[dreg:$0x1] =	wrdreg $0xFFFFFFFF  }
0xa7: {  	s28 =	simm.s32 $_size_execute0_lowered;
	s2 =	sadd.s32 s2, s4;
	[dreg:$0x0] =	wrdreg $0x0  }
0xa8: {  	s4 =	sshll.u32 s28, $0x1;
	[dreg:$0x2] =	wrdreg s2  }
0xa9: {  	[dreg:$0x3] =	wrdreg s4  }
0xaa: {  	[dreg:$0x4] =	wrdreg $0xC0  }
0xab: {  	_ =	task [dreg:s6], $0x5FFFF  }
0xac: {  	[dreg:$0x1] =	wrdreg $0xFFFFFFFF  }
0xad: {  	[dreg:$0x0] =	wrdreg $0x60  }
0xae: {  	[dreg:$0x2] =	wrdreg s24  }
0xaf: {  	[dreg:$0x3] =	wrdreg $0x9  }
0xb0: {  	_ =	task.clear_ibuf [dreg:s6], $0x4FFFF;
	_ =	strace $0x90000046  }
0xb1: {  	s29 =	simm.s32 $0x9;
	_ =	strace $0x80000048  }
0xb2: {  	_ =	swait.ge [sflag:s29], $0x1  }
0xb3: {  	[sflag:s29] =	ssyncadd.s32 $0xFFFFFFFF  }
0xb4: {  	_ =	strace $0x90000048  }
0xb5: {  	_ =	sfence  }
0xb6: {  	s30 =	sld [smem:$0x0];
	_ =	sdelay $0x2  }
0xb7: {  	s31 =	sshll.u32 s1, $0xD;
	s1 =	sshrl.u32 s1, $0x2  }
0xb8: {  	s3 =	sand.u32 $0x4000, s31;
	s1 =	sadd.s32 s1, s30  }
0xb9: {  	s0 =	sor.u32 s3, s0;
	s1 =	sshll.u32 s1, $0x11  }
0xba: {  	s0 =	sor.u32 s1, s0  }
0xbb: {  	s0 =	sadd.s32 $0x8F2B, s0  }
0xbc: {  	[sflag:s0] =	ssyncadd.remote.s32 $0x1  }
0xbd: {  	_ =	sfence.sel $0xFFFF  }
0xbe: {  	[dreg:$0x0] =	wrdreg $0xFFFFFFFF;
	(pc) =	sbr.abs _section_cstart, $3  }
0xbf: {  	[dreg:$0x1] =	wrdreg $0xFFFFFFFF  }
0xc0: {  	_ =	task.clear_ibuf [dreg:s6], $0x2FFFF;
	_ =	strace $0x9FFFFFFF  }
0xc1: {  	(tm) =	ssettm $0x7FFFFFFF  }
tec
execute0_lowered:
.L_overlay_start_1:
0x0: {  	(tag) =	ssettag $0x1  }
0x1: {  	s0 =	srdreg.scid;
	s5 =	rddreg [dreg:$0x0]  }
0x2: {  	s1 =	stileid.u32;
	s6 =	simm.s32 $0x1;
	s9 =	simm.s32 $0x1  }
0x3: {  	s10 =	simm.s32 $0x3;
	s13 =	simm.s32 $0x0;
	s2 =	sshll.u32 s0, $0xD  }
0x4: {  	s12 =	simm.s32 $0x0;
	s3 =	sshll.u32 s1, $0xE;
	s2 =	sand.u32 $0x2000, s2  }
0x5: {  	s0 =	rddreg [dreg:$0x1];
	_ =	strace $0x80000047;
	s2 =	sor.u32 s3, s2  }
0x6: {  	s4 =	sadd.s32 $0xB200, s5;
	[sflag:s6] =	ssyncpa.u1 $0x0;
	s8 =	ssub.s32 $0x50000, s2  }
.Ltmp0:
0x7: {  	s3 =	sadd.s32 $0x1200, s5;
	s7 =	sand.u32 $0x3E000, s8;
	(pc) =	sbr.rel .LBB2_1-.Ltmp0, $4  }
0x8: {  	s5 =	sadd.s32 $0x15200, s5;
	s11 =	smov.u32 s2;
	p0 =	sne.s32 s7, $0x0  }
0x9: {  	s8 =	sshrl.u32 s8, $0x12;
	s7 =	simm.s32 $0x2;
	s9 =	simm.s32 @!p0 $0x0  }
0xa: {  	[sflag:s7] =	ssyncpa.u1 $0x0;
	p0 =	por $0x0, $0x0;
	s8 =	sadd.s32 s9, s8  }
0xb: {  	vm0 =	vmmov $0xffff;
	[sflag:s10] =	ssyncpa.u1 $0x0;
	s10 =	simm.s32 $0x0;
	s9 =	sadd.s32 $0x1, s8  }
.LBB2_4:
0xc: {  	v2 =	vnsel vm1, $0x0, v2  }
0xd: {  	vm1 =	vgt.s32 v0, $0x0;
	v2 =	vmin.u32 v2, $0x4FFFF  }
0xe: {  	v0 =	vnsel vm1, $0x0, v0  }
0xf: {  	v0 =	vmin.u32 v0, $0x4FFFF  }
0x10: {  	[tilespmem:s15], [sflag:$0x1] =	stream.indirect_vreg.gather [hbm4b:s3+s10], $0x1, v1, vm0, $0x4038;
	[tilespmem:$0x8000] =	vst v63  }
0x11: {  	(ifvalue) =	ssetifvalue $0x7FFFFFFF  }
0x12: {  	[tilespmem:s16], [sflag:$0x1] =	stream.indirect_vreg.gather [hbm4b:s3+s10], $0x1, v2, vm0, $0x4038;
	[tilespmem:$0x8000] =	vst v63  }
0x13: {  	s29 =	sadd.s32 $0x10, s16;
	(ifvalue) =	ssetifvalue $0x7FFFFFFF  }
0x14: {  	[tilespmem:s29], [sflag:$0x1] =	stream.indirect_vreg.gather [hbm4b:s3+s10], $0x1, v0, vm0, $0x4038;
	[tilespmem:$0x8000] =	vst v63  }
0x15: {  	_ =	swait.ge [sflag:s6], $0x2000  }
0x16: {  	s30 =	sshrl.u32 s13, $0x3;
	[sflag:s6] =	ssyncset.done $0x0  }
0x17: {  	s31 =	sand.u32 $0x7, s13;
	s15 =	sadd.s32 s5, s30;
	[sflag:s6] =	ssyncadd.s32 $0xFFFFE000  }
0x18: {  	[hbm4b:s15+s31] =	stream.linear.scatter [tilespmem:s14], [sflag:$0x3], $0x2000, $0x38;
	[tilespmem:$0x8000] =	vst v63  }
.LBB2_5:
0x19: {  	s15 =	sadd.s32 $0x40000, s11  }
0x1a: {  	p2 =	sgt.s32 s15, $0x4FFFF  }
0x1b: {  	s15 =	smov.u32 @p2 s2;
	p2 =	sne.s32 s12, s9  }
.Ltmp1:
0x1c: {  	p1 =	slt.u32 s12, $0x2;
	(pc) =	sbr.rel @!p2 .LBB2_6-.Ltmp1, $4  }
0x1d: {  	s14 =	simm.s32 @!p1 $0x3  }
0x1e: {  	s16 =	sadd.s32 $0x1, s12;
	_ =	swait.ge @!p1 [sflag:s14], $0x2000  }
0x1f: {  	s13 =	smov.u32 s11;
	p0 =	por !p0, !p0;
	[sflag:s14] =	ssyncset.done @!p1 $0x0  }
0x20: {  	s12 =	smov.u32 s16;
	s11 =	smov.u32 s15;
	[sflag:s14] =	ssyncadd.s32 @!p1 $0xFFFFE000  }
.LBB2_1:
0x21: {  	p1 =	sge.u32 s12, s8  }
0x22: {  	s14 =	sxor.u32 @!p1 $0xFFFFFFFF, s12  }
0x23: {  	s31 =	sadd.s32 $0xFFFFFFFF, s12;
	s15 =	sshrl.u32 @!p1 s11, $0x3;
	s14 =	sshll.u32 @!p1 s14, $0xD  }
0x24: {  	s16 =	sand.u32 @!p1 $0x7, s11;
	s15 =	sadd.s32 @!p1 s4, s15;
	s14 =	sand.u32 @!p1 $0x2000, s14  }
0x25: {  	[tilespmem:s14], [sflag:$0x2] =	stream.linear.gather @!p1 [hbm4b:s15+s16], $0x2000, $0x38;
	[tilespmem:$0x8000] =	vst v63  }
0x26: {  	p1 =	sge.u32 s31, s8  }
.Ltmp2:
0x27: {  	_ = 	snop;
	(pc) =	sbr.rel @p1 .LBB2_5-.Ltmp2, $1  }
0x28: {  	_ =	sdelay $0x3  }
0x29: {  	s14 =	simm.s32 $0x1  }
0x2a: {  	_ =	swait.ge [sflag:s7], $0x2000;
	s14 =	simm.s32 @!p0 $0x0  }
0x2b: {  	[sflag:s7] =	ssyncset.done $0x0;
	s14 =	sshll.u32 s14, $0xD  }
0x2c: {  	[sflag:s7] =	ssyncadd.s32 $0xFFFFE000;
	(ifvalue) =	ssetifvalue $0x7FFFFFFF;
	v0 =	vld.msk [tilespmem:s14+$0x0 ss:$0x1], $0xffff;
	_ =	sdelay $0x4  }
0x2d: {  	s15 =	sadd.s32 $0x10, s14;
	vm1 =	vgt.s32 v0, $0x0  }
0x2e: {  	v2 =	vld.msk [tilespmem:s15+$0x0 ss:$0x1], $0xffff;
	v1 =	vnsel vm1, $0x0, v0  }
0x2f: {  	v1 =	vmin.u32 v1, $0x4FFFF;
	_ =	sdelay $0x1  }
0x30: {  	s16 =	sshll.u32 s12, $0xD;
	s18 =	simm.s32 $0x20  }
0x31: {  	s16 =	sand.u32 $0x2000, s16;
	s17 =	sadd.s32 $0x10, s15;
	s15 =	sor.u32 $0x4000, s14  }
0x32: {  	s14 =	sor.u32 $0x4000, s16;
	s16 =	sadd.s32 $0x10, s15;
	v0 =	vld.msk [tilespmem:s17+$0x0 ss:$0x1], $0xffff;
	vm1 =	vgt.s32 v2, $0x0;
	(ifvalue) =	ssetifvalue $0x7FFFFFFF  }
.LBB2_3:
0x33: {  	[tilespmem:s15], [sflag:$0x1] =	stream.indirect_vreg.gather [hbm4b:s3+s10], $0x1, v1, vm0, $0x4038;
	[tilespmem:$0x8000] =	vst v63  }
0x34: {  	s18 =	sadd.s32 $0x10, s18  }
0x35: {  	v2 =	vnsel vm1, $0x0, v2;
	p1 =	slt.u32 s18, $0x1FF0  }
.Ltmp3:
0x36: {  	s15 =	smov.u32 s16;
	v1 =	vmin.u32 v2, $0x4FFFF;
	(pc) =	sbr.rel @p1 .LBB2_3-.Ltmp3, $3  }
0x37: {  	_ =	sdelay $0x1  }
0x38: {  	s17 =	sadd.s32 $0x10, s17  }
0x39: {  	vm1 =	vgt.s32 v0, $0x0;
	s16 =	sadd.s32 $0x10, s16;
	v2 =	vmov v0;
	(ifvalue) =	ssetifvalue $0x7FFFFFFF;
	v0 =	vld.msk [tilespmem:s17+$0x0 ss:$0x1], $0xffff  }
.Ltmp4:
0x3a: {  	_ = 	snop;
	(pc) =	sbr.rel .LBB2_4-.Ltmp4, $1  }
0x3b: {  	_ =	sdelay $0x3  }
.LBB2_6:
0x3c: {  	_ =	sfence.sel $0x180000  }
0x3d: {  	s2 =	simm.s32 $0x2;
	[bflag:$0x0] =	sbarrier.arrive $0xFFFF  }
0x3e: {  	s30 =	simm.s32 $0x3;
	[sflag:s2] =	ssyncpa.u1 $0x1  }
0x3f: {  	s31 =	simm.s32 $0x1;
	[sflag:s30] =	ssyncpa.u1 $0x1  }
0x40: {  	[sflag:s31] =	ssyncpa.u1 $0x1  }
0x41: {  	p0 =	sne.s32 s1, $0x0;
	_ =	strace $0x90000047  }
0x42: {  	s0 =	sadd.s32 @!p0 $0x100000, s0;
	[bflag:$0x2] =	sbarrier.arrive $0xFFFF  }
0x43: {  	[sflag:s0] =	ssyncadd.tile.s32 @!p0 $0x1;
	_ =	shalt  }
.Lfunc_end2:
_tile_overlayer_lowered:
.L_overlay_start_2:
0x44: {  	(tag) =	ssettag $0x2  }
0x45: {  	s0 =	rddreg [dreg:$0x0];
	s2 =	stileid.u32  }
0x46: {  	s1 =	rddreg [dreg:$0x1];
	p0 =	sne.s32 s2, $0x0  }
0x47: {  	s3 =	rddreg [dreg:$0x2];
	[bflag:$0x3] =	sbarrier.arrive $0xFFFF;
	s2 =	simm.s32 @!p0 $0x1C01  }
0x48: {  	[timem:s3], [sflag:s2] =	dma.local @!p0 [hbm:s0], s1  }
0x49: {  	s0 =	simm.s32 @!p0 $0x1  }
0x4a: {  	_ =	swait.ge @!p0 [sflag:s0], s1  }
0x4b: {  	s1 =	ssub.s32 @!p0 $0x0, s1;
	[sflag:s0] =	ssyncset.done @!p0 $0x0  }
0x4c: {  	[sflag:s0] =	ssyncadd.s32 @!p0 s1  }
0x4d: {  	[bflag:$0x3] =	sbarrier.arrive $0xFFFF  }
0x4e: {  	_ =	shalt  }

// kernel: gather_offload_async_start
scs
__scs_entry_jumppad:
0x0: {  	(pc) =	sbr.rel $0x88, $3  }
0x1: {  	(tag) =	ssettag $0x0;
	lr =	simm.s32 $0x1  }
0x2: {  	[smem:$0x3F9D] =	sst lr;
	_ =	strace $0xD0000000  }
0x3: {  	_ = 	snop  }
0x4: {  	_ = 	snop  }
0x5: {  	_ = 	snop  }
0x6: {  	_ = 	snop  }
0x7: {  	_ = 	snop  }
__scs_overlays_trampoline_lowered:
0x8: {  	[smem:$0x3FAC] =	sst s0  }
0x9: {  	[smem:$0x3FAD] =	sst s1  }
0xa: {  	[smem:$0x3FAE] =	sst s2  }
0xb: {  	[smem:$0x3FAF] =	sst s3  }
0xc: {  	[smem:$0x3FB0] =	sst s4  }
0xd: {  	[smem:$0x3FB1] =	sst s5  }
0xe: {  	[smem:$0x3FB2] =	sst s6  }
0xf: {  	[smem:$0x3FB3] =	sst s7  }
0x10: {  	[smem:$0x3FB4] =	sst s8  }
0x11: {  	[smem:$0x3FB5] =	sst s9;
	s0 =	simm.s32 @!p0 $0x0  }
0x12: {  	s1 =	sld [smem:$0x3F9B];
	s0 =	simm.s32 @p0 $0x1  }
0x13: {  	[smem:$0x3FB6] =	sst s0;
	s0 =	simm.s32 @!p1 $0x0  }
0x14: {  	s2 =	sld [smem:$0x3F9A];
	s0 =	simm.s32 @p1 $0x1  }
0x15: {  	[smem:$0x3FB7] =	sst s0;
	s0 =	simm.s32 @!p2 $0x0  }
0x16: {  	s3 =	sld [smem:$0x3FDB];
	s0 =	simm.s32 @p2 $0x1  }
0x17: {  	s4 =	simm.s32 $0x1BF5;
	[smem:$0x3FB9] =	sst s0  }
0x18: {  	s0 =	sld [smem:$0x3F9C];
	_ =	swait.ge [sflag:s4], $0x0  }
0x19: {  	s7 =	sld [smem:$0x3F9D]  }
0x1a: {  	s8 =	sadd.s32 $0xFFFFE003, lr  }
0x1b: {  	s9 =	sadd.s32 $0xFFFFFEF7, lr;
	s5 =	simm.s32 $0xFFFFFFFF;
	p2 =	slt.u32 s8, $0xFFFFF086  }
0x1c: {  	p1 =	slt.u32 s9, $0xF7A;
	s5 =	simm.s32 @!p2 $0x0  }
0x1d: {  	s5 =	simm.s32 @p1 $0x1;
	p0 =	seq.s32 s7, s2  }
0x1e: {  	s7 =	smul.u32 @!p0 $0xF7A, s2;
	p2 =	seq.s32 @!p0 s5, $0x0  }
0x1f: {  	s9 =	smul.u32 $0xF7A, s1;
	s8 =	simm.s32 @!p0 $0x1BF5;
	p2 =	por !p2, p0  }
0x20: {  	[sflag:s8] =	ssyncset.s32 @!p0 $0xFFFFF086;
	s6 =	sadd.s32 @!p0 s3, s7;
	s7 =	simm.s32 @!p0 $0x108  }
0x21: {  	s3 =	sadd.s32 s3, s9;
	s6 =	sadd.s32 @!p0 $0x88, s6;
	s7 =	simm.s32 @p2 $0x1082  }
0x22: {  	[simem:s7], [sflag:s8] =	dma.local @!p0 [hbm:s6], $0xF7A  }
0x23: {  	s9 =	sor.u32 $0xD0000000, s2;
	s6 =	simm.s32 $0x108;
	_ =	swait.ge @!p0 [sflag:s8], $0x0  }
0x24: {  	s3 =	sadd.s32 $0x88, s3;
	s6 =	simm.s32 @!p1 $0x1082;
	[sflag:s4] =	ssyncset.s32 $0xFFFFF086  }
0x25: {  	[simem:s6], [sflag:s4] =	dma.local [hbm:s3], $0xF7A  }
0x26: {  	[smem:$0x3F9D] =	sst s1;
	(tag) =	ssettag s2;
	_ =	strace s9  }
0x27: {  	s1 =	sld [smem:$0x3FAD]  }
0x28: {  	s2 =	sld [smem:$0x3FAE]  }
0x29: {  	s4 =	sld [smem:$0x3FB0]  }
0x2a: {  	p0 =	seq.s32 s5, $0x0;
	s5 =	sld [smem:$0x3FB1]  }
0x2b: {  	s6 =	sld [smem:$0x3FB2]  }
0x2c: {  	s7 =	sld [smem:$0x3FB3]  }
0x2d: {  	s3 =	simm.s32 $0x108;
	s8 =	sld [smem:$0x3FB4]  }
0x2e: {  	s3 =	simm.s32 @!p0 $0x1082;
	s9 =	sld [smem:$0x3FB5]  }
0x2f: {  	lr =	sadd.s32 s0, s3;
	s0 =	sld [smem:$0x3FAC]  }
0x30: {  	s3 =	sld [smem:$0x3FAF]  }
0x31: {  	[smem:$0x3FB8] =	sst s10  }
0x32: {  	s10 =	sld [smem:$0x3FB6];
	_ =	sdelay $0x3  }
0x33: {  	p0 =	seq.s32 s10, $0x1;
	s10 =	sld [smem:$0x3FB8];
	_ =	sdelay $0x3  }
0x34: {  	[smem:$0x3FB8] =	sst s10  }
0x35: {  	s10 =	sld [smem:$0x3FB7];
	_ =	sdelay $0x3  }
0x36: {  	p1 =	seq.s32 s10, $0x1;
	s10 =	sld [smem:$0x3FB8];
	_ =	sdelay $0x3  }
0x37: {  	[smem:$0x3FB8] =	sst s10  }
0x38: {  	s10 =	sld [smem:$0x3FB9]  }
0x39: {  	_ = 	snop;
	(pc) =	sbr.ind lr, $3  }
0x3a: {  	_ = 	snop  }
0x3b: {  	_ = 	snop  }
0x3c: {  	p2 =	seq.s32 s10, $0x1;
	s10 =	sld [smem:$0x3FB8]  }
0x3d: {  	_ =	shalt  }
0x3e: {  	_ =	shalt  }
0x3f: {  	_ =	shalt  }
0x40: {  	_ =	shalt  }
0x41: {  	_ =	shalt  }
0x42: {  	_ =	shalt  }
0x43: {  	_ =	shalt  }
0x44: {  	_ =	shalt  }
0x45: {  	_ =	shalt  }
0x46: {  	_ =	shalt  }
0x47: {  	_ =	shalt  }
0x48: {  	_ =	shalt  }
0x49: {  	_ =	shalt  }
0x4a: {  	_ =	shalt  }
0x4b: {  	_ =	shalt  }
0x4c: {  	_ =	shalt  }
0x4d: {  	_ =	shalt  }
0x4e: {  	_ =	shalt  }
0x4f: {  	_ =	shalt  }
0x50: {  	_ =	shalt  }
0x51: {  	_ =	shalt  }
0x52: {  	_ =	shalt  }
0x53: {  	_ =	shalt  }
0x54: {  	_ =	shalt  }
0x55: {  	_ =	shalt  }
0x56: {  	_ =	shalt  }
0x57: {  	_ =	shalt  }
0x58: {  	_ =	shalt  }
0x59: {  	_ =	shalt  }
0x5a: {  	_ =	shalt  }
0x5b: {  	_ =	shalt  }
0x5c: {  	_ =	shalt  }
0x5d: {  	_ =	shalt  }
0x5e: {  	_ =	shalt  }
0x5f: {  	_ =	shalt  }
0x60: {  	_ =	shalt  }
0x61: {  	_ =	shalt  }
0x62: {  	_ =	shalt  }
0x63: {  	_ =	shalt  }
0x64: {  	_ =	shalt  }
0x65: {  	_ =	shalt  }
0x66: {  	_ =	shalt  }
0x67: {  	_ =	shalt  }
0x68: {  	_ =	shalt  }
0x69: {  	_ =	shalt  }
0x6a: {  	_ =	shalt  }
0x6b: {  	_ =	shalt  }
0x6c: {  	_ =	shalt  }
0x6d: {  	_ =	shalt  }
0x6e: {  	_ =	shalt  }
0x6f: {  	_ =	shalt  }
0x70: {  	_ =	shalt  }
0x71: {  	_ =	shalt  }
0x72: {  	_ =	shalt  }
0x73: {  	_ =	shalt  }
0x74: {  	_ =	shalt  }
0x75: {  	_ =	shalt  }
0x76: {  	_ =	shalt  }
0x77: {  	_ =	shalt  }
0x78: {  	_ =	shalt  }
0x79: {  	_ =	shalt  }
0x7a: {  	_ =	shalt  }
0x7b: {  	_ =	shalt  }
0x7c: {  	_ =	shalt  }
0x7d: {  	_ =	shalt  }
0x7e: {  	_ =	shalt  }
0x7f: {  	_ =	shalt  }
0x80: {  	_ =	shalt  }
0x81: {  	_ =	shalt  }
0x82: {  	_ =	shalt  }
0x83: {  	_ =	shalt  }
0x84: {  	_ =	shalt  }
0x85: {  	_ =	shalt  }
0x86: {  	_ =	shalt  }
0x87: {  	_ =	shalt  }
.Lfunc_end0:
.L_simem_size_0:
called_computation_lowered:
.L_overlay_start_0:
0x88: {  	s2 =	sld [smem:$0x3FD9]  }
0x89: {  	s3 =	sld [smem:$0x3FFE];
	_ =	sdelay $0x1  }
0x8a: {  	s1 =	srdreg.scid  }
0x8b: {  	s0 =	sand.u32 $0x1, s1  }
0x8c: {  	s17 =	sshll.u32 s0, $0xA;
	s2 =	sadd.s32 s3, s2  }
0x8d: {  	s2 =	sadd.s32 s2, s17  }
0x8e: {  	[smem:$0x3FC4] =	sst s2  }
0x8f: {  	_ = 	snop  }
0x90: {  	s2 =	sld [smem:$0x3FD0];
	(tm) =	ssettm $0x1  }
0x91: {  	s18 =	sld [smem:$0x3FFB];
	_ =	sdelay $0x3  }
0x92: {  	_ =	strace s18  }
0x93: {  	s3 =	sld [smem:$0x3FFC];
	_ =	sdelay $0x3  }
0x94: {  	_ =	strace s3  }
0x95: {  	s3 =	sld [smem:$0x3FFD];
	_ =	sdelay $0x3  }
0x96: {  	_ =	strace s3  }
0x97: {  	_ =	strace $0x8FFFFFFF  }
0x98: {  	s19 =	sld [smem:$0x3FDB];
	_ =	sdelay $0x1  }
0x99: {  	s4 =	simm.s32 $_scs_section_size  }
0x9a: {  	s5 =	simm.s32 $_size__tile_overlayer_lowered;
	s6 =	simm.s32 $_tile_overlayer_lowered  }
0x9b: {  	s22 =	simm.s32 $0x1BFF;
	s21 =	sshll.u32 s6, $0x1;
	s3 =	sadd.s32 s4, s19  }
0x9c: {  	s7 =	simm.s32 $0x0;
	s20 =	sshll.u32 s5, $0x1;
	s5 =	sadd.s32 s21, s3  }
0x9d: {  	[timem:s7], [sflag:s22] =	dma.local [hbm:s5], s20  }
0x9e: {  	_ =	swait.ge [sflag:s22], s20  }
0x9f: {  	s4 =	ssub.s32 $0x0, s20;
	[sflag:s22] =	ssyncset.done $0x0  }
0xa0: {  	[sflag:s22] =	ssyncadd.s32 s4;
	_ =	sdelay $0x1  }
0xa1: {  	s23 =	simm.s32 $0x1B8B  }
0xa2: {  	_ =	swait.ge [sflag:s23], $0x1  }
0xa3: {  	[sflag:s23] =	ssyncset.done $0x0  }
0xa4: {  	s25 =	simm.s32 $0x1B8E;
	s24 =	sld [smem:$0x3FFE];
	[sflag:s23] =	ssyncadd.s32 $0xFFFFFFFF  }
0xa5: {  	s26 =	simm.s32 $execute0_lowered;
	[smem:$0x3FD2] =	sst s25  }
0xa6: {  	s5 =	sshll.u32 s26, $0x1;
	_ =	strace $0x80000049;
	[dreg:$0x1] =	wrdreg $0xFFFFFFFF  }
0xa7: {  	s28 =	simm.s32 $_size_execute0_lowered;
	s3 =	sadd.s32 s3, s5;
	[dreg:$0x0] =	wrdreg $0x0  }
0xa8: {  	s5 =	sshll.u32 s28, $0x1;
	[dreg:$0x2] =	wrdreg s3  }
0xa9: {  	[dreg:$0x3] =	wrdreg s5  }
0xaa: {  	[dreg:$0x4] =	wrdreg $0xC0  }
0xab: {  	_ =	task [dreg:s7], $0x5FFFF  }
0xac: {  	[dreg:$0x1] =	wrdreg $0xFFFFFFFF  }
0xad: {  	[dreg:$0x0] =	wrdreg $0x60  }
0xae: {  	[dreg:$0x2] =	wrdreg s2  }
0xaf: {  	[dreg:$0x3] =	wrdreg s24  }
0xb0: {  	[dreg:$0x4] =	wrdreg $0x9  }
0xb1: {  	_ =	task.clear_ibuf [dreg:s7], $0x5FFFF;
	_ =	strace $0x90000049  }
0xb2: {  	s29 =	simm.s32 $0x9;
	_ =	strace $0x8000004B  }
0xb3: {  	_ =	swait.ge [sflag:s29], $0x1  }
0xb4: {  	[sflag:s29] =	ssyncadd.s32 $0xFFFFFFFF  }
0xb5: {  	_ =	strace $0x9000004B  }
0xb6: {  	_ =	sfence  }
0xb7: {  	s30 =	sld [smem:$0x0];
	_ =	sdelay $0x2  }
0xb8: {  	s31 =	sshll.u32 s1, $0xD;
	s1 =	sshrl.u32 s1, $0x2  }
0xb9: {  	s3 =	sand.u32 $0x4000, s31;
	s1 =	sadd.s32 s1, s30  }
0xba: {  	s0 =	sor.u32 s3, s0;
	s1 =	sshll.u32 s1, $0x11  }
0xbb: {  	s0 =	sor.u32 s1, s0  }
0xbc: {  	s0 =	sadd.s32 $0x8F2B, s0  }
0xbd: {  	[sflag:s0] =	ssyncadd.remote.s32 $0x1  }
0xbe: {  	_ =	sfence.sel $0xFFFF  }
0xbf: {  	[dreg:$0x0] =	wrdreg $0xFFFFFFFF;
	(pc) =	sbr.abs _section_cstart, $3  }
0xc0: {  	[dreg:$0x1] =	wrdreg $0xFFFFFFFF  }
0xc1: {  	_ =	task.clear_ibuf [dreg:s7], $0x2FFFF;
	_ =	strace $0x9FFFFFFF  }
0xc2: {  	(tm) =	ssettm $0x7FFFFFFF  }
0xc3: {  	_ =	shalt  }
tec
execute0_lowered:
.L_overlay_start_1:
0x0: {  	(tag) =	ssettag $0x1  }
0x1: {  	s1 =	srdreg.scid;
	s2 =	rddreg [dreg:$0x0]  }
0x2: {  	s0 =	stileid.u32;
	s5 =	rddreg [dreg:$0x1];
	s6 =	simm.s32 $0x1  }
0x3: {  	s9 =	simm.s32 $0x1;
	s10 =	simm.s32 $0x3;
	s1 =	sshll.u32 s1, $0xD  }
0x4: {  	s13 =	simm.s32 $0x0;
	s3 =	sshll.u32 s0, $0xE;
	s4 =	sand.u32 $0x2000, s1  }
0x5: {  	s12 =	simm.s32 $0x0;
	s1 =	rddreg [dreg:$0x2];
	s3 =	sor.u32 s3, s4  }
0x6: {  	_ =	strace $0x8000004A;
	s4 =	sadd.s32 $0xB200, s5;
	s8 =	ssub.s32 $0x50000, s3  }
.Ltmp0:
0x7: {  	s5 =	sadd.s32 $0x15200, s5;
	s7 =	sand.u32 $0x3E000, s8;
	(pc) =	sbr.rel .LBB2_1-.Ltmp0, $4  }
0x8: {  	[sflag:s6] =	ssyncpa.u1 $0x0;
	s11 =	smov.u32 s3;
	p0 =	sne.s32 s7, $0x0  }
0x9: {  	s8 =	sshrl.u32 s8, $0x12;
	s7 =	simm.s32 $0x2;
	s9 =	simm.s32 @!p0 $0x0  }
0xa: {  	[sflag:s7] =	ssyncpa.u1 $0x0;
	p0 =	por $0x0, $0x0;
	s8 =	sadd.s32 s9, s8  }
0xb: {  	vm0 =	vmmov $0xffff;
	[sflag:s10] =	ssyncpa.u1 $0x0;
	s10 =	simm.s32 $0x0;
	s9 =	sadd.s32 $0x1, s8  }
.LBB2_4:
0xc: {  	v2 =	vnsel vm1, $0x0, v2  }
0xd: {  	vm1 =	vgt.s32 v0, $0x0;
	v2 =	vmin.u32 v2, $0x4FFFF  }
0xe: {  	v0 =	vnsel vm1, $0x0, v0  }
0xf: {  	v0 =	vmin.u32 v0, $0x4FFFF  }
0x10: {  	[tilespmem:s15], [sflag:$0x1] =	stream.indirect_vreg.gather [hbm4b:s2+s10], $0x1, v1, vm0, $0x4038;
	[tilespmem:$0x8000] =	vst v63  }
0x11: {  	(ifvalue) =	ssetifvalue $0x7FFFFFFF  }
0x12: {  	[tilespmem:s16], [sflag:$0x1] =	stream.indirect_vreg.gather [hbm4b:s2+s10], $0x1, v2, vm0, $0x4038;
	[tilespmem:$0x8000] =	vst v63  }
0x13: {  	s29 =	sadd.s32 $0x10, s16;
	(ifvalue) =	ssetifvalue $0x7FFFFFFF  }
0x14: {  	[tilespmem:s29], [sflag:$0x1] =	stream.indirect_vreg.gather [hbm4b:s2+s10], $0x1, v0, vm0, $0x4038;
	[tilespmem:$0x8000] =	vst v63  }
0x15: {  	_ =	swait.ge [sflag:s6], $0x2000  }
0x16: {  	s30 =	sshrl.u32 s13, $0x3;
	[sflag:s6] =	ssyncset.done $0x0  }
0x17: {  	s31 =	sand.u32 $0x7, s13;
	s15 =	sadd.s32 s5, s30;
	[sflag:s6] =	ssyncadd.s32 $0xFFFFE000  }
0x18: {  	[hbm4b:s15+s31] =	stream.linear.scatter [tilespmem:s14], [sflag:$0x3], $0x2000, $0x38;
	[tilespmem:$0x8000] =	vst v63  }
.LBB2_5:
0x19: {  	s15 =	sadd.s32 $0x40000, s11  }
0x1a: {  	p2 =	sgt.s32 s15, $0x4FFFF  }
0x1b: {  	s15 =	smov.u32 @p2 s3;
	p2 =	sne.s32 s12, s9  }
.Ltmp1:
0x1c: {  	p1 =	slt.u32 s12, $0x2;
	(pc) =	sbr.rel @!p2 .LBB2_6-.Ltmp1, $4  }
0x1d: {  	s14 =	simm.s32 @!p1 $0x3  }
0x1e: {  	s16 =	sadd.s32 $0x1, s12;
	_ =	swait.ge @!p1 [sflag:s14], $0x2000  }
0x1f: {  	s13 =	smov.u32 s11;
	p0 =	por !p0, !p0;
	[sflag:s14] =	ssyncset.done @!p1 $0x0  }
0x20: {  	s12 =	smov.u32 s16;
	s11 =	smov.u32 s15;
	[sflag:s14] =	ssyncadd.s32 @!p1 $0xFFFFE000  }
.LBB2_1:
0x21: {  	p1 =	sge.u32 s12, s8  }
0x22: {  	s14 =	sxor.u32 @!p1 $0xFFFFFFFF, s12  }
0x23: {  	s31 =	sadd.s32 $0xFFFFFFFF, s12;
	s15 =	sshrl.u32 @!p1 s11, $0x3;
	s14 =	sshll.u32 @!p1 s14, $0xD  }
0x24: {  	s16 =	sand.u32 @!p1 $0x7, s11;
	s15 =	sadd.s32 @!p1 s4, s15;
	s14 =	sand.u32 @!p1 $0x2000, s14  }
0x25: {  	[tilespmem:s14], [sflag:$0x2] =	stream.linear.gather @!p1 [hbm4b:s15+s16], $0x2000, $0x38;
	[tilespmem:$0x8000] =	vst v63  }
0x26: {  	p1 =	sge.u32 s31, s8  }
.Ltmp2:
0x27: {  	_ = 	snop;
	(pc) =	sbr.rel @p1 .LBB2_5-.Ltmp2, $1  }
0x28: {  	_ =	sdelay $0x3  }
0x29: {  	s14 =	simm.s32 $0x1  }
0x2a: {  	_ =	swait.ge [sflag:s7], $0x2000;
	s14 =	simm.s32 @!p0 $0x0  }
0x2b: {  	[sflag:s7] =	ssyncset.done $0x0;
	s14 =	sshll.u32 s14, $0xD  }
0x2c: {  	[sflag:s7] =	ssyncadd.s32 $0xFFFFE000;
	(ifvalue) =	ssetifvalue $0x7FFFFFFF;
	v0 =	vld.msk [tilespmem:s14+$0x0 ss:$0x1], $0xffff;
	_ =	sdelay $0x4  }
0x2d: {  	s15 =	sadd.s32 $0x10, s14;
	vm1 =	vgt.s32 v0, $0x0  }
0x2e: {  	v2 =	vld.msk [tilespmem:s15+$0x0 ss:$0x1], $0xffff;
	v1 =	vnsel vm1, $0x0, v0  }
0x2f: {  	v1 =	vmin.u32 v1, $0x4FFFF;
	_ =	sdelay $0x1  }
0x30: {  	s16 =	sshll.u32 s12, $0xD;
	s18 =	simm.s32 $0x20  }
0x31: {  	s16 =	sand.u32 $0x2000, s16;
	s17 =	sadd.s32 $0x10, s15;
	s15 =	sor.u32 $0x4000, s14  }
0x32: {  	s14 =	sor.u32 $0x4000, s16;
	s16 =	sadd.s32 $0x10, s15;
	v0 =	vld.msk [tilespmem:s17+$0x0 ss:$0x1], $0xffff;
	vm1 =	vgt.s32 v2, $0x0;
	(ifvalue) =	ssetifvalue $0x7FFFFFFF  }
.LBB2_3:
0x33: {  	[tilespmem:s15], [sflag:$0x1] =	stream.indirect_vreg.gather [hbm4b:s2+s10], $0x1, v1, vm0, $0x4038;
	[tilespmem:$0x8000] =	vst v63  }
0x34: {  	s18 =	sadd.s32 $0x10, s18  }
0x35: {  	v2 =	vnsel vm1, $0x0, v2;
	p1 =	slt.u32 s18, $0x1FF0  }
.Ltmp3:
0x36: {  	s15 =	smov.u32 s16;
	v1 =	vmin.u32 v2, $0x4FFFF;
	(pc) =	sbr.rel @p1 .LBB2_3-.Ltmp3, $3  }
0x37: {  	_ =	sdelay $0x1  }
0x38: {  	s17 =	sadd.s32 $0x10, s17  }
0x39: {  	vm1 =	vgt.s32 v0, $0x0;
	s16 =	sadd.s32 $0x10, s16;
	v2 =	vmov v0;
	(ifvalue) =	ssetifvalue $0x7FFFFFFF;
	v0 =	vld.msk [tilespmem:s17+$0x0 ss:$0x1], $0xffff  }
.Ltmp4:
0x3a: {  	_ = 	snop;
	(pc) =	sbr.rel .LBB2_4-.Ltmp4, $1  }
0x3b: {  	_ =	sdelay $0x3  }
.LBB2_6:
0x3c: {  	_ =	sfence.sel $0x180000  }
0x3d: {  	s2 =	simm.s32 $0x2;
	[bflag:$0x0] =	sbarrier.arrive $0xFFFF  }
0x3e: {  	s30 =	simm.s32 $0x3;
	[sflag:s2] =	ssyncpa.u1 $0x1  }
0x3f: {  	s31 =	simm.s32 $0x1;
	[sflag:s30] =	ssyncpa.u1 $0x1  }
0x40: {  	[sflag:s31] =	ssyncpa.u1 $0x1  }
0x41: {  	p0 =	sne.s32 s0, $0x0;
	_ =	strace $0x9000004A  }
0x42: {  	s0 =	sadd.s32 @!p0 $0x100000, s1;
	[bflag:$0x2] =	sbarrier.arrive $0xFFFF  }
0x43: {  	[sflag:s0] =	ssyncadd.tile.s32 @!p0 $0x1;
	_ =	shalt  }
.Lfunc_end2:
_tile_overlayer_lowered:
.L_overlay_start_2:
0x44: {  	(tag) =	ssettag $0x2  }
0x45: {  	s0 =	rddreg [dreg:$0x0];
	s2 =	stileid.u32  }
0x46: {  	s1 =	rddreg [dreg:$0x1];
	p0 =	sne.s32 s2, $0x0  }
0x47: {  	s3 =	rddreg [dreg:$0x2];
	[bflag:$0x3] =	sbarrier.arrive $0xFFFF;
	s2 =	simm.s32 @!p0 $0x1C01  }
0x48: {  	[timem:s3], [sflag:s2] =	dma.local @!p0 [hbm:s0], s1  }
0x49: {  	s0 =	simm.s32 @!p0 $0x1  }
0x4a: {  	_ =	swait.ge @!p0 [sflag:s0], s1  }
0x4b: {  	s1 =	ssub.s32 @!p0 $0x0, s1;
	[sflag:s0] =	ssyncset.done @!p0 $0x0  }
0x4c: {  	[sflag:s0] =	ssyncadd.s32 @!p0 s1  }
0x4d: {  	[bflag:$0x3] =	sbarrier.arrive $0xFFFF  }
0x4e: {  	_ =	shalt  }

// kernel: kernel.11.cloned.1.call-start
scs
__scs_entry_jumppad:
0x0: {  	(pc) =	sbr.rel $0x88, $3  }
0x1: {  	(tag) =	ssettag $0x0;
	lr =	simm.s32 $0x1  }
0x2: {  	[smem:$0x3F9D] =	sst lr;
	_ =	strace $0xD0000000  }
0x3: {  	_ = 	snop  }
0x4: {  	_ = 	snop  }
0x5: {  	_ = 	snop  }
0x6: {  	_ = 	snop  }
0x7: {  	_ = 	snop  }
__scs_overlays_trampoline_lowered:
0x8: {  	[smem:$0x3FAC] =	sst s0  }
0x9: {  	[smem:$0x3FAD] =	sst s1  }
0xa: {  	[smem:$0x3FAE] =	sst s2  }
0xb: {  	[smem:$0x3FAF] =	sst s3  }
0xc: {  	[smem:$0x3FB0] =	sst s4  }
0xd: {  	[smem:$0x3FB1] =	sst s5  }
0xe: {  	[smem:$0x3FB2] =	sst s6  }
0xf: {  	[smem:$0x3FB3] =	sst s7  }
0x10: {  	[smem:$0x3FB4] =	sst s8  }
0x11: {  	[smem:$0x3FB5] =	sst s9;
	s0 =	simm.s32 @!p0 $0x0  }
0x12: {  	s1 =	sld [smem:$0x3F9B];
	s0 =	simm.s32 @p0 $0x1  }
0x13: {  	[smem:$0x3FB6] =	sst s0;
	s0 =	simm.s32 @!p1 $0x0  }
0x14: {  	s2 =	sld [smem:$0x3F9A];
	s0 =	simm.s32 @p1 $0x1  }
0x15: {  	[smem:$0x3FB7] =	sst s0;
	s0 =	simm.s32 @!p2 $0x0  }
0x16: {  	s3 =	sld [smem:$0x3FDB];
	s0 =	simm.s32 @p2 $0x1  }
0x17: {  	s4 =	simm.s32 $0x1BF5;
	[smem:$0x3FB9] =	sst s0  }
0x18: {  	s0 =	sld [smem:$0x3F9C];
	_ =	swait.ge [sflag:s4], $0x0  }
0x19: {  	s7 =	sld [smem:$0x3F9D]  }
0x1a: {  	s8 =	sadd.s32 $0xFFFFE003, lr  }
0x1b: {  	s9 =	sadd.s32 $0xFFFFFEF7, lr;
	s5 =	simm.s32 $0xFFFFFFFF;
	p2 =	slt.u32 s8, $0xFFFFF086  }
0x1c: {  	p1 =	slt.u32 s9, $0xF7A;
	s5 =	simm.s32 @!p2 $0x0  }
0x1d: {  	s5 =	simm.s32 @p1 $0x1;
	p0 =	seq.s32 s7, s2  }
0x1e: {  	s7 =	smul.u32 @!p0 $0xF7A, s2;
	p2 =	seq.s32 @!p0 s5, $0x0  }
0x1f: {  	s9 =	smul.u32 $0xF7A, s1;
	s8 =	simm.s32 @!p0 $0x1BF5;
	p2 =	por !p2, p0  }
0x20: {  	[sflag:s8] =	ssyncset.s32 @!p0 $0xFFFFF086;
	s6 =	sadd.s32 @!p0 s3, s7;
	s7 =	simm.s32 @!p0 $0x108  }
0x21: {  	s3 =	sadd.s32 s3, s9;
	s6 =	sadd.s32 @!p0 $0x88, s6;
	s7 =	simm.s32 @p2 $0x1082  }
0x22: {  	[simem:s7], [sflag:s8] =	dma.local @!p0 [hbm:s6], $0xF7A  }
0x23: {  	s9 =	sor.u32 $0xD0000000, s2;
	s6 =	simm.s32 $0x108;
	_ =	swait.ge @!p0 [sflag:s8], $0x0  }
0x24: {  	s3 =	sadd.s32 $0x88, s3;
	s6 =	simm.s32 @!p1 $0x1082;
	[sflag:s4] =	ssyncset.s32 $0xFFFFF086  }
0x25: {  	[simem:s6], [sflag:s4] =	dma.local [hbm:s3], $0xF7A  }
0x26: {  	[smem:$0x3F9D] =	sst s1;
	(tag) =	ssettag s2;
	_ =	strace s9  }
0x27: {  	s1 =	sld [smem:$0x3FAD]  }
0x28: {  	s2 =	sld [smem:$0x3FAE]  }
0x29: {  	s4 =	sld [smem:$0x3FB0]  }
0x2a: {  	p0 =	seq.s32 s5, $0x0;
	s5 =	sld [smem:$0x3FB1]  }
0x2b: {  	s6 =	sld [smem:$0x3FB2]  }
0x2c: {  	s7 =	sld [smem:$0x3FB3]  }
0x2d: {  	s3 =	simm.s32 $0x108;
	s8 =	sld [smem:$0x3FB4]  }
0x2e: {  	s3 =	simm.s32 @!p0 $0x1082;
	s9 =	sld [smem:$0x3FB5]  }
0x2f: {  	lr =	sadd.s32 s0, s3;
	s0 =	sld [smem:$0x3FAC]  }
0x30: {  	s3 =	sld [smem:$0x3FAF]  }
0x31: {  	[smem:$0x3FB8] =	sst s10  }
0x32: {  	s10 =	sld [smem:$0x3FB6];
	_ =	sdelay $0x3  }
0x33: {  	p0 =	seq.s32 s10, $0x1;
	s10 =	sld [smem:$0x3FB8];
	_ =	sdelay $0x3  }
0x34: {  	[smem:$0x3FB8] =	sst s10  }
0x35: {  	s10 =	sld [smem:$0x3FB7];
	_ =	sdelay $0x3  }
0x36: {  	p1 =	seq.s32 s10, $0x1;
	s10 =	sld [smem:$0x3FB8];
	_ =	sdelay $0x3  }
0x37: {  	[smem:$0x3FB8] =	sst s10  }
0x38: {  	s10 =	sld [smem:$0x3FB9]  }
0x39: {  	_ = 	snop;
	(pc) =	sbr.ind lr, $3  }
0x3a: {  	_ = 	snop  }
0x3b: {  	_ = 	snop  }
0x3c: {  	p2 =	seq.s32 s10, $0x1;
	s10 =	sld [smem:$0x3FB8]  }
0x3d: {  	_ =	shalt  }
0x3e: {  	_ =	shalt  }
0x3f: {  	_ =	shalt  }
0x40: {  	_ =	shalt  }
0x41: {  	_ =	shalt  }
0x42: {  	_ =	shalt  }
0x43: {  	_ =	shalt  }
0x44: {  	_ =	shalt  }
0x45: {  	_ =	shalt  }
0x46: {  	_ =	shalt  }
0x47: {  	_ =	shalt  }
0x48: {  	_ =	shalt  }
0x49: {  	_ =	shalt  }
0x4a: {  	_ =	shalt  }
0x4b: {  	_ =	shalt  }
0x4c: {  	_ =	shalt  }
0x4d: {  	_ =	shalt  }
0x4e: {  	_ =	shalt  }
0x4f: {  	_ =	shalt  }
0x50: {  	_ =	shalt  }
0x51: {  	_ =	shalt  }
0x52: {  	_ =	shalt  }
0x53: {  	_ =	shalt  }
0x54: {  	_ =	shalt  }
0x55: {  	_ =	shalt  }
0x56: {  	_ =	shalt  }
0x57: {  	_ =	shalt  }
0x58: {  	_ =	shalt  }
0x59: {  	_ =	shalt  }
0x5a: {  	_ =	shalt  }
0x5b: {  	_ =	shalt  }
0x5c: {  	_ =	shalt  }
0x5d: {  	_ =	shalt  }
0x5e: {  	_ =	shalt  }
0x5f: {  	_ =	shalt  }
0x60: {  	_ =	shalt  }
0x61: {  	_ =	shalt  }
0x62: {  	_ =	shalt  }
0x63: {  	_ =	shalt  }
0x64: {  	_ =	shalt  }
0x65: {  	_ =	shalt  }
0x66: {  	_ =	shalt  }
0x67: {  	_ =	shalt  }
0x68: {  	_ =	shalt  }
0x69: {  	_ =	shalt  }
0x6a: {  	_ =	shalt  }
0x6b: {  	_ =	shalt  }
0x6c: {  	_ =	shalt  }
0x6d: {  	_ =	shalt  }
0x6e: {  	_ =	shalt  }
0x6f: {  	_ =	shalt  }
0x70: {  	_ =	shalt  }
0x71: {  	_ =	shalt  }
0x72: {  	_ =	shalt  }
0x73: {  	_ =	shalt  }
0x74: {  	_ =	shalt  }
0x75: {  	_ =	shalt  }
0x76: {  	_ =	shalt  }
0x77: {  	_ =	shalt  }
0x78: {  	_ =	shalt  }
0x79: {  	_ =	shalt  }
0x7a: {  	_ =	shalt  }
0x7b: {  	_ =	shalt  }
0x7c: {  	_ =	shalt  }
0x7d: {  	_ =	shalt  }
0x7e: {  	_ =	shalt  }
0x7f: {  	_ =	shalt  }
0x80: {  	_ =	shalt  }
0x81: {  	_ =	shalt  }
0x82: {  	_ =	shalt  }
0x83: {  	_ =	shalt  }
0x84: {  	_ =	shalt  }
0x85: {  	_ =	shalt  }
0x86: {  	_ =	shalt  }
0x87: {  	_ =	shalt  }
.Lfunc_end0:
.L_simem_size_0:
called_computation.3_lowered:
.L_overlay_start_0:
0x88: {  	s2 =	sld [smem:$0x3FD9]  }
0x89: {  	s3 =	sld [smem:$0x3FFE];
	_ =	sdelay $0x1  }
0x8a: {  	s1 =	srdreg.scid  }
0x8b: {  	s0 =	sand.u32 $0x1, s1  }
0x8c: {  	s17 =	sshll.u32 s0, $0xA;
	s2 =	sadd.s32 s3, s2  }
0x8d: {  	s2 =	sadd.s32 s2, s17  }
0x8e: {  	[smem:$0x3FC4] =	sst s2  }
0x8f: {  	_ = 	snop  }
0x90: {  	s2 =	sld [smem:$0x3FD0];
	(tm) =	ssettm $0x1  }
0x91: {  	s18 =	sld [smem:$0x3FFB];
	_ =	sdelay $0x3  }
0x92: {  	_ =	strace s18  }
0x93: {  	s3 =	sld [smem:$0x3FFC];
	_ =	sdelay $0x3  }
0x94: {  	_ =	strace s3  }
0x95: {  	s3 =	sld [smem:$0x3FFD];
	_ =	sdelay $0x3  }
0x96: {  	_ =	strace s3  }
0x97: {  	_ =	strace $0x8FFFFFFF  }
0x98: {  	s19 =	sld [smem:$0x3FDB];
	_ =	sdelay $0x1  }
0x99: {  	s4 =	simm.s32 $_scs_section_size  }
0x9a: {  	s5 =	simm.s32 $_size__tile_overlayer_lowered;
	s6 =	simm.s32 $_tile_overlayer_lowered  }
0x9b: {  	s22 =	simm.s32 $0x1BFF;
	s21 =	sshll.u32 s6, $0x1;
	s3 =	sadd.s32 s4, s19  }
0x9c: {  	s7 =	simm.s32 $0x0;
	s20 =	sshll.u32 s5, $0x1;
	s5 =	sadd.s32 s21, s3  }
0x9d: {  	[timem:s7], [sflag:s22] =	dma.local [hbm:s5], s20  }
0x9e: {  	_ =	swait.ge [sflag:s22], s20  }
0x9f: {  	s4 =	ssub.s32 $0x0, s20;
	[sflag:s22] =	ssyncset.done $0x0  }
0xa0: {  	[sflag:s22] =	ssyncadd.s32 s4;
	_ =	sdelay $0x1  }
0xa1: {  	s23 =	simm.s32 $0x1B8B  }
0xa2: {  	_ =	swait.ge [sflag:s23], $0x1  }
0xa3: {  	[sflag:s23] =	ssyncset.done $0x0  }
0xa4: {  	s25 =	simm.s32 $0x1B8E;
	s24 =	sld [smem:$0x3FFE];
	[sflag:s23] =	ssyncadd.s32 $0xFFFFFFFF  }
0xa5: {  	s26 =	simm.s32 $execute0_lowered;
	[smem:$0x3FD2] =	sst s25  }
0xa6: {  	s5 =	sshll.u32 s26, $0x1;
	_ =	strace $0x8000004F;
	[dreg:$0x1] =	wrdreg $0xFFFFFFFF  }
0xa7: {  	s28 =	simm.s32 $_size_execute0_lowered;
	s3 =	sadd.s32 s3, s5;
	[dreg:$0x0] =	wrdreg $0x0  }
0xa8: {  	s5 =	sshll.u32 s28, $0x1;
	[dreg:$0x2] =	wrdreg s3  }
0xa9: {  	[dreg:$0x3] =	wrdreg s5  }
0xaa: {  	[dreg:$0x4] =	wrdreg $0xC0  }
0xab: {  	_ =	task [dreg:s7], $0x5FFFF  }
0xac: {  	[dreg:$0x1] =	wrdreg $0xFFFFFFFF  }
0xad: {  	[dreg:$0x0] =	wrdreg $0x60  }
0xae: {  	[dreg:$0x2] =	wrdreg s2  }
0xaf: {  	[dreg:$0x3] =	wrdreg s24  }
0xb0: {  	[dreg:$0x4] =	wrdreg $0x82000  }
0xb1: {  	[dreg:$0x5] =	wrdreg $0x9  }
0xb2: {  	_ =	task.clear_ibuf [dreg:s7], $0x6FFFF;
	_ =	strace $0x9000004F  }
0xb3: {  	s29 =	simm.s32 $0x9;
	_ =	strace $0x80000051  }
0xb4: {  	_ =	swait.ge [sflag:s29], $0x1  }
0xb5: {  	[sflag:s29] =	ssyncadd.s32 $0xFFFFFFFF  }
0xb6: {  	_ =	strace $0x90000051  }
0xb7: {  	_ =	sfence  }
0xb8: {  	s30 =	sld [smem:$0x0];
	_ =	sdelay $0x2  }
0xb9: {  	s31 =	sshll.u32 s1, $0xD;
	s1 =	sshrl.u32 s1, $0x2  }
0xba: {  	s3 =	sand.u32 $0x4000, s31;
	s1 =	sadd.s32 s1, s30  }
0xbb: {  	s0 =	sor.u32 s3, s0;
	s1 =	sshll.u32 s1, $0x11  }
0xbc: {  	s0 =	sor.u32 s1, s0  }
0xbd: {  	s0 =	sadd.s32 $0x8F2B, s0  }
0xbe: {  	[sflag:s0] =	ssyncadd.remote.s32 $0x1  }
0xbf: {  	_ =	sfence.sel $0xFFFF  }
0xc0: {  	[dreg:$0x0] =	wrdreg $0xFFFFFFFF;
	(pc) =	sbr.abs _section_cstart, $3  }
0xc1: {  	[dreg:$0x1] =	wrdreg $0xFFFFFFFF  }
0xc2: {  	_ =	task.clear_ibuf [dreg:s7], $0x2FFFF;
	_ =	strace $0x9FFFFFFF  }
0xc3: {  	(tm) =	ssettm $0x7FFFFFFF  }
tec
execute0_lowered:
.L_overlay_start_1:
0x0: {  	(tag) =	ssettag $0x1  }
0x1: {  	s0 =	rddreg [dreg:$0x0]  }
0x2: {  	s3 =	rddreg [dreg:$0x1]  }
0x3: {  	s1 =	rddreg [dreg:$0x2];
	s2 =	simm.s32 $0x0;
	s5 =	srdreg.scid  }
0x4: {  	s20 =	stileid.u32;
	s28 =	simm.s32 $0x3;
	s29 =	simm.s32 $0x1  }
0x5: {  	s30 =	simm.s32 $0x4200;
	s31 =	simm.s32 $0x2;
	[smem:$0x7FF] =	sst s2  }
0x6: {  	s4 =	sadd.s32 $0x1FA00, s3;
	s6 =	sadd.s32 $0x1F200, s3;
	s7 =	smul.u32 $0x50000, s20  }
0x7: {  	s5 =	sand.u32 $0x1, s5;
	s3 =	sadd.s32 $0x47A00, s3;
	s12 =	smul.u32 $0x14000, s20  }
0x8: {  	s24 =	smul.u32 $0x5000, s20;
	_ =	strace $0x80000050;
	s18 =	ssub.s32 $0x2, s5  }
0x9: {  	[dreg:$0x4] =	wrdreg s6;
	s9 =	sshll.u32 s5, $0x4;
	s8 =	sshrl.u32 s18, $0x1  }
0xa: {  	s9 =	sor.u32 s20, s9;
	s19 =	sshrl.u32 s7, $0x2;
	s13 =	sadd.s32 $0x4000, s12  }
0xb: {  	s15 =	sadd.s32 $0x8000, s12;
	s16 =	sadd.s32 $0xC000, s12;
	s17 =	sadd.s32 $0x10000, s12  }
0xc: {  	s18 =	ssub.s32 s18, s8;
	s6 =	sadd.s32 s19, s1;
	s11 =	smul.u32 $0x5000, s9  }
0xd: {  	s7 =	sadd.s32 s13, s1;
	s8 =	sadd.s32 s15, s1;
	s19 =	smul.u32 $0x140000, s5  }
0xe: {  	s9 =	sadd.s32 s16, s1;
	s10 =	sadd.s32 s17, s1;
	s5 =	smul.u32 $0x50000, s5  }
0xf: {  	s18 =	smax.u32 s18, $0x1;
	s11 =	sshrl.u32 s11, $0x3;
	s12 =	sadd.s32 s12, s19  }
0x10: {  	s13 =	sadd.s32 s19, s13;
	s22 =	sadd.s32 s19, s15;
	s23 =	sadd.s32 s19, s16  }
0x11: {  	s17 =	sadd.s32 s19, s17;
	s26 =	sadd.s32 s24, s5;
	s24 =	simm.s32 $0x4  }
0x12: {  	s11 =	sadd.s32 s0, s11;
	s12 =	sshrl.u32 s12, $0x3;
	s21 =	sshrl.u32 s13, $0x3  }
0x13: {  	s16 =	sshrl.u32 s23, $0x3;
	s25 =	sshrl.u32 s17, $0x3;
	s5 =	sor.u32 $0x300, s26  }
0x14: {  	s23 =	simm.s32 $0x200;
	s14 =	sadd.s32 $0x20, s11;
	s12 =	sadd.s32 s3, s12  }
0x15: {  	s16 =	sadd.s32 s3, s16;
	s17 =	sadd.s32 s3, s25;
	s19 =	sadd.s32 $0x9E0, s11  }
0x16: {  	s20 =	sadd.s32 $0x9C0, s11;
	s5 =	sshrl.u32 s5, $0x3;
	[dreg:$0x5] =	wrdreg s14  }
0x17: {  	s25 =	simm.s32 $0x80;
	[dreg:$0x6] =	wrdreg s12;
	s12 =	sshrl.u32 s22, $0x3  }
0x18: {  	s14 =	sadd.s32 s3, s21;
	s15 =	sadd.s32 s3, s12;
	s3 =	sor.u32 $0x200, s26  }
0x19: {  	s21 =	sadd.s32 s5, s0;
	s26 =	simm.s32 $0x100;
	s3 =	sshrl.u32 s3, $0x3  }
0x1a: {  	s22 =	sadd.s32 s3, s0;
	s0 =	simm.s32 $0x180;
	s3 =	simm.s32 $0x0  }
.LBB2_1:
0x1b: {  	s5 =	rddreg [dreg:$0x4]  }
0x1c: {  	[tilespmem:s23], [sflag:$0x4] =	stream.linear.gather [hbm4b:s5+s2], $0x4000, $0x38;
	[tilespmem:$0x1C200] =	vst v63  }
0x1d: {  	_ =	swait.ge [sflag:s24], $0x4000  }
0x1e: {  	[sflag:s24] =	ssyncset.done $0x0  }
0x1f: {  	[sflag:s24] =	ssyncadd.s32 $0xFFFFC000  }
0x20: {  	[spmem:s6] =	stream.linear.scatter [tilespmem:s23], [sflag:$0x4], $0x4000, $0x38;
	[tilespmem:$0x1C200] =	vst v63  }
0x21: {  	_ =	swait.ge [sflag:s24], $0x4000  }
0x22: {  	[sflag:s24] =	ssyncset.done $0x0  }
0x23: {  	[sflag:s24] =	ssyncadd.s32 $0xFFFFC000  }
0x24: {  	[spmem:s7] =	stream.linear.scatter [tilespmem:s23], [sflag:$0x4], $0x4000, $0x38;
	[tilespmem:$0x1C200] =	vst v63  }
0x25: {  	_ =	swait.ge [sflag:s24], $0x4000  }
0x26: {  	[sflag:s24] =	ssyncset.done $0x0  }
0x27: {  	[sflag:s24] =	ssyncadd.s32 $0xFFFFC000  }
0x28: {  	[spmem:s8] =	stream.linear.scatter [tilespmem:s23], [sflag:$0x4], $0x4000, $0x38;
	[tilespmem:$0x1C200] =	vst v63  }
0x29: {  	_ =	swait.ge [sflag:s24], $0x4000  }
0x2a: {  	[sflag:s24] =	ssyncset.done $0x0  }
0x2b: {  	[sflag:s24] =	ssyncadd.s32 $0xFFFFC000  }
0x2c: {  	[spmem:s9] =	stream.linear.scatter [tilespmem:s23], [sflag:$0x4], $0x4000, $0x38;
	[tilespmem:$0x1C200] =	vst v63  }
0x2d: {  	_ =	swait.ge [sflag:s24], $0x4000  }
0x2e: {  	[sflag:s24] =	ssyncset.done $0x0  }
0x2f: {  	[sflag:s24] =	ssyncadd.s32 $0xFFFFC000  }
0x30: {  	[spmem:s10] =	stream.linear.scatter [tilespmem:s23], [sflag:$0x4], $0x4000, $0x38;
	[tilespmem:$0x1C200] =	vst v63  }
0x31: {  	_ =	swait.ge [sflag:s24], $0x4000  }
0x32: {  	[sflag:s24] =	ssyncset.done $0x0  }
0x33: {  	[sflag:s24] =	ssyncadd.s32 $0xFFFFC000  }
0x34: {  	[bflag:$0x0] =	sbarrier.arrive $0xFFFF  }
0x35: {  	[tilespmem:s2], [sflag:$0x4] =	stream.linear.gather [hbm4b:s11+s2], $0x100, $0x38;
	[tilespmem:$0x1C200] =	vst v63  }
0x36: {  	_ =	swait.ge [sflag:s24], $0x100  }
0x37: {  	[sflag:s24] =	ssyncset.done $0x0  }
0x38: {  	[sflag:s24] =	ssyncadd.s32 $0xFFFFFF00  }
0x39: {  	[tilespmem:s23], [sflag:$0x1] =	stream.indirect.gather [hbm4b:s4+s25], $0x80, s2, s25, $0xb8;
	[tilespmem:$0x1C200] =	vst v63  }
0x3a: {  	s12 =	rddreg [dreg:$0x5]  }
0x3b: {  	[tilespmem:s26], [sflag:$0x3] =	stream.linear.gather [hbm4b:s12+s2], $0x100, $0x38;
	[tilespmem:$0x1C200] =	vst v63  }
0x3c: {  	_ =	swait.ge [sflag:s28], $0x100  }
0x3d: {  	[sflag:s28] =	ssyncset.done $0x0  }
0x3e: {  	[sflag:s28] =	ssyncadd.s32 $0xFFFFFF00  }
0x3f: {  	_ =	swait.ge [sflag:s29], $0x4000  }
0x40: {  	[sflag:s29] =	ssyncset.done $0x0  }
0x41: {  	[sflag:s29] =	ssyncadd.s32 $0xFFFFC000  }
0x42: {  	[tilespmem:s30], [sflag:$0x2] =	stream.indirect.gather [hbm4b:s4+s25], $0x80, s26, s25, $0xb8;
	[tilespmem:$0x1C200] =	vst v63  }
0x43: {  	_ = 	snop  }
0x44: {  	[spmem:s1] =	stream.indirect.scatter.add.f32 [tilespmem:s23], [sflag:$0x4], $0x80, s25, s25, $0xb8;
	[tilespmem:$0x1C200] =	vst v63  }
0x45: {  	_ =	swait.ge [sflag:s24], $0x4000  }
0x46: {  	[sflag:s24] =	ssyncset.done $0x0  }
0x47: {  	s13 =	sadd.s32 $0x0, s22;
	[sflag:s24] =	ssyncadd.s32 $0xFFFFC000  }
0x48: {  	[tilespmem:s2], [sflag:$0x4] =	stream.linear.gather [hbm4b:s13+s2], $0x100, $0x38;
	[tilespmem:$0x1C200] =	vst v63  }
0x49: {  	_ =	swait.ge [sflag:s24], $0x100  }
0x4a: {  	[sflag:s24] =	ssyncset.done $0x0  }
0x4b: {  	[sflag:s24] =	ssyncadd.s32 $0xFFFFFF00  }
0x4c: {  	[tilespmem:s23], [sflag:$0x1] =	stream.indirect.gather [hbm4b:s4+s25], $0x80, s2, s25, $0xb8;
	[tilespmem:$0x1C200] =	vst v63  }
0x4d: {  	_ =	swait.ge [sflag:s31], $0x4000  }
0x4e: {  	[sflag:s31] =	ssyncset.done $0x0  }
0x4f: {  	[sflag:s31] =	ssyncadd.s32 $0xFFFFC000  }
0x50: {  	[spmem:s1] =	stream.indirect.scatter.add.f32 [tilespmem:s30], [sflag:$0x4], $0x80, s0, s25, $0xb8;
	[tilespmem:$0x1C200] =	vst v63  }
0x51: {  	_ =	swait.ge [sflag:s24], $0x4000  }
0x52: {  	[sflag:s24] =	ssyncset.done $0x0  }
0x53: {  	s5 =	simm.s32 $0x40;
	s12 =	sadd.s32 $0x0, s21;
	[sflag:s24] =	ssyncadd.s32 $0xFFFFC000  }
.LBB2_2:
0x54: {  	[tilespmem:s26], [sflag:$0x3] =	stream.linear.gather [hbm4b:s12+s2], $0x100, $0x38;
	[tilespmem:$0x1C200] =	vst v63  }
0x55: {  	s12 =	smov.u32 s5  }
0x56: {  	p0 =	sne.s32 s5, $0x940;
	s5 =	sadd.s32 $0x40, s5;
	_ =	swait.ge [sflag:s28], $0x100  }
0x57: {  	[sflag:s28] =	ssyncset.done $0x0  }
0x58: {  	[sflag:s28] =	ssyncadd.s32 $0xFFFFFF00  }
0x59: {  	_ =	swait.ge [sflag:s29], $0x4000  }
0x5a: {  	[sflag:s29] =	ssyncset.done $0x0  }
0x5b: {  	[sflag:s29] =	ssyncadd.s32 $0xFFFFC000  }
0x5c: {  	[tilespmem:s30], [sflag:$0x2] =	stream.indirect.gather [hbm4b:s4+s25], $0x80, s26, s25, $0xb8;
	[tilespmem:$0x1C200] =	vst v63  }
0x5d: {  	_ = 	snop  }
0x5e: {  	[spmem:s1] =	stream.indirect.scatter.add.f32 [tilespmem:s23], [sflag:$0x4], $0x80, s25, s25, $0xb8;
	[tilespmem:$0x1C200] =	vst v63  }
0x5f: {  	_ =	swait.ge [sflag:s24], $0x4000  }
0x60: {  	[sflag:s24] =	ssyncset.done $0x0  }
0x61: {  	s13 =	sadd.s32 s12, s22;
	[sflag:s24] =	ssyncadd.s32 $0xFFFFC000  }
0x62: {  	[tilespmem:s2], [sflag:$0x4] =	stream.linear.gather [hbm4b:s13+s2], $0x100, $0x38;
	[tilespmem:$0x1C200] =	vst v63  }
0x63: {  	_ =	swait.ge [sflag:s24], $0x100  }
0x64: {  	[sflag:s24] =	ssyncset.done $0x0  }
0x65: {  	[sflag:s24] =	ssyncadd.s32 $0xFFFFFF00  }
0x66: {  	[tilespmem:s23], [sflag:$0x1] =	stream.indirect.gather [hbm4b:s4+s25], $0x80, s2, s25, $0xb8;
	[tilespmem:$0x1C200] =	vst v63  }
0x67: {  	_ =	swait.ge [sflag:s31], $0x4000  }
0x68: {  	[sflag:s31] =	ssyncset.done $0x0  }
.Ltmp0:
0x69: {  	[sflag:s31] =	ssyncadd.s32 $0xFFFFC000;
	(pc) =	sbr.rel @p0 .LBB2_2-.Ltmp0, $4  }
0x6a: {  	[spmem:s1] =	stream.indirect.scatter.add.f32 [tilespmem:s30], [sflag:$0x4], $0x80, s0, s25, $0xb8;
	[tilespmem:$0x1C200] =	vst v63  }
0x6b: {  	_ =	swait.ge [sflag:s24], $0x4000  }
0x6c: {  	[sflag:s24] =	ssyncset.done $0x0  }
0x6d: {  	s12 =	sadd.s32 s12, s21;
	[sflag:s24] =	ssyncadd.s32 $0xFFFFC000  }
0x6e: {  	[tilespmem:s26], [sflag:$0x3] =	stream.linear.gather [hbm4b:s12+s2], $0x100, $0x38;
	[tilespmem:$0x1C200] =	vst v63  }
0x6f: {  	_ =	swait.ge [sflag:s28], $0x100  }
0x70: {  	[sflag:s28] =	ssyncset.done $0x0  }
0x71: {  	[sflag:s28] =	ssyncadd.s32 $0xFFFFFF00  }
0x72: {  	_ =	swait.ge [sflag:s29], $0x4000  }
0x73: {  	[sflag:s29] =	ssyncset.done $0x0  }
0x74: {  	[sflag:s29] =	ssyncadd.s32 $0xFFFFC000  }
0x75: {  	[tilespmem:s30], [sflag:$0x2] =	stream.indirect.gather [hbm4b:s4+s25], $0x80, s26, s25, $0xb8;
	[tilespmem:$0x1C200] =	vst v63  }
0x76: {  	_ = 	snop  }
0x77: {  	[spmem:s1] =	stream.indirect.scatter.add.f32 [tilespmem:s23], [sflag:$0x4], $0x80, s25, s25, $0xb8;
	[tilespmem:$0x1C200] =	vst v63  }
0x78: {  	_ =	swait.ge [sflag:s24], $0x4000  }
0x79: {  	[sflag:s24] =	ssyncset.done $0x0  }
0x7a: {  	[sflag:s24] =	ssyncadd.s32 $0xFFFFC000  }
0x7b: {  	[tilespmem:s2], [sflag:$0x4] =	stream.linear.gather [hbm4b:s20+s2], $0x100, $0x38;
	[tilespmem:$0x1C200] =	vst v63  }
0x7c: {  	_ =	swait.ge [sflag:s24], $0x100  }
0x7d: {  	[sflag:s24] =	ssyncset.done $0x0  }
0x7e: {  	[sflag:s24] =	ssyncadd.s32 $0xFFFFFF00  }
0x7f: {  	[tilespmem:s23], [sflag:$0x1] =	stream.indirect.gather [hbm4b:s4+s25], $0x80, s2, s25, $0xb8;
	[tilespmem:$0x1C200] =	vst v63  }
0x80: {  	_ =	swait.ge [sflag:s31], $0x4000  }
0x81: {  	[sflag:s31] =	ssyncset.done $0x0  }
0x82: {  	[sflag:s31] =	ssyncadd.s32 $0xFFFFC000  }
0x83: {  	[spmem:s1] =	stream.indirect.scatter.add.f32 [tilespmem:s30], [sflag:$0x4], $0x80, s0, s25, $0xb8;
	[tilespmem:$0x1C200] =	vst v63  }
0x84: {  	_ =	swait.ge [sflag:s24], $0x4000  }
0x85: {  	[sflag:s24] =	ssyncset.done $0x0  }
0x86: {  	[sflag:s24] =	ssyncadd.s32 $0xFFFFC000  }
0x87: {  	[tilespmem:s26], [sflag:$0x3] =	stream.linear.gather [hbm4b:s19+s2], $0x100, $0x38;
	[tilespmem:$0x1C200] =	vst v63  }
0x88: {  	_ =	swait.ge [sflag:s28], $0x100  }
0x89: {  	[sflag:s28] =	ssyncset.done $0x0  }
0x8a: {  	[sflag:s28] =	ssyncadd.s32 $0xFFFFFF00  }
0x8b: {  	_ =	swait.ge [sflag:s29], $0x4000  }
0x8c: {  	[sflag:s29] =	ssyncset.done $0x0  }
0x8d: {  	[sflag:s29] =	ssyncadd.s32 $0xFFFFC000  }
0x8e: {  	[tilespmem:s30], [sflag:$0x2] =	stream.indirect.gather [hbm4b:s4+s25], $0x80, s26, s25, $0xb8;
	[tilespmem:$0x1C200] =	vst v63  }
0x8f: {  	_ = 	snop  }
0x90: {  	[spmem:s1] =	stream.indirect.scatter.add.f32 [tilespmem:s23], [sflag:$0x4], $0x80, s25, s25, $0xb8;
	[tilespmem:$0x1C200] =	vst v63  }
0x91: {  	_ =	swait.ge [sflag:s24], $0x4000  }
0x92: {  	[sflag:s24] =	ssyncset.done $0x0  }
0x93: {  	[sflag:s24] =	ssyncadd.s32 $0xFFFFC000  }
0x94: {  	[tilespmem:s2], [sflag:$0x4] =	stream.linear.gather [hbm4b:s19+s2], $0x100, $0x38;
	[tilespmem:$0x1C200] =	vst v63  }
0x95: {  	_ =	swait.ge [sflag:s24], $0x100  }
0x96: {  	[sflag:s24] =	ssyncset.done $0x0  }
0x97: {  	[sflag:s24] =	ssyncadd.s32 $0xFFFFFF00  }
0x98: {  	[tilespmem:s23], [sflag:$0x1] =	stream.indirect.gather [hbm4b:s4+s25], $0x80, s2, s25, $0xb8;
	[tilespmem:$0x1C200] =	vst v63  }
0x99: {  	_ =	swait.ge [sflag:s31], $0x4000  }
0x9a: {  	[sflag:s31] =	ssyncset.done $0x0  }
0x9b: {  	[sflag:s31] =	ssyncadd.s32 $0xFFFFC000  }
0x9c: {  	[spmem:s1] =	stream.indirect.scatter.add.f32 [tilespmem:s30], [sflag:$0x4], $0x80, s0, s25, $0xb8;
	[tilespmem:$0x1C200] =	vst v63  }
0x9d: {  	_ =	swait.ge [sflag:s24], $0x4000  }
0x9e: {  	[sflag:s24] =	ssyncset.done $0x0  }
0x9f: {  	[sflag:s24] =	ssyncadd.s32 $0xFFFFC000  }
0xa0: {  	[tilespmem:s26], [sflag:$0x3] =	stream.linear.gather [hbm4b:s19+s2], $0x100, $0x38;
	[tilespmem:$0x1C200] =	vst v63  }
0xa1: {  	_ =	swait.ge [sflag:s29], $0x4000  }
0xa2: {  	[sflag:s29] =	ssyncset.done $0x0  }
0xa3: {  	[sflag:s29] =	ssyncadd.s32 $0xFFFFC000  }
0xa4: {  	_ =	swait.ge [sflag:s28], $0x100  }
0xa5: {  	[sflag:s28] =	ssyncset.done $0x0  }
0xa6: {  	[sflag:s28] =	ssyncadd.s32 $0xFFFFFF00  }
0xa7: {  	[bflag:$0x0] =	sbarrier.arrive $0xFFFF  }
0xa8: {  	[tilespmem:s23], [sflag:$0x4] =	stream.linear.gather [spmem:s6], $0x4000, $0x38;
	[tilespmem:$0x1C200] =	vst v63  }
0xa9: {  	_ =	swait.ge [sflag:s24], $0x4000  }
0xaa: {  	[sflag:s24] =	ssyncset.done $0x0  }
0xab: {  	s5 =	rddreg [dreg:$0x6];
	[sflag:s24] =	ssyncadd.s32 $0xFFFFC000  }
0xac: {  	[hbm4b:s5+s2] =	stream.linear.scatter [tilespmem:s23], [sflag:$0x4], $0x4000, $0x38;
	[tilespmem:$0x1C200] =	vst v63  }
0xad: {  	_ =	swait.ge [sflag:s24], $0x4000  }
0xae: {  	[sflag:s24] =	ssyncset.done $0x0  }
0xaf: {  	[sflag:s24] =	ssyncadd.s32 $0xFFFFC000  }
0xb0: {  	[tilespmem:s23], [sflag:$0x4] =	stream.linear.gather [spmem:s7], $0x4000, $0x38;
	[tilespmem:$0x1C200] =	vst v63  }
0xb1: {  	_ =	swait.ge [sflag:s24], $0x4000  }
0xb2: {  	[sflag:s24] =	ssyncset.done $0x0  }
0xb3: {  	[sflag:s24] =	ssyncadd.s32 $0xFFFFC000  }
0xb4: {  	[hbm4b:s14+s2] =	stream.linear.scatter [tilespmem:s23], [sflag:$0x4], $0x4000, $0x38;
	[tilespmem:$0x1C200] =	vst v63  }
0xb5: {  	_ =	swait.ge [sflag:s24], $0x4000  }
0xb6: {  	[sflag:s24] =	ssyncset.done $0x0  }
0xb7: {  	[sflag:s24] =	ssyncadd.s32 $0xFFFFC000  }
0xb8: {  	[tilespmem:s23], [sflag:$0x4] =	stream.linear.gather [spmem:s8], $0x4000, $0x38;
	[tilespmem:$0x1C200] =	vst v63  }
0xb9: {  	_ =	swait.ge [sflag:s24], $0x4000  }
0xba: {  	[sflag:s24] =	ssyncset.done $0x0  }
0xbb: {  	[sflag:s24] =	ssyncadd.s32 $0xFFFFC000  }
0xbc: {  	[hbm4b:s15+s2] =	stream.linear.scatter [tilespmem:s23], [sflag:$0x4], $0x4000, $0x38;
	[tilespmem:$0x1C200] =	vst v63  }
0xbd: {  	_ =	swait.ge [sflag:s24], $0x4000  }
0xbe: {  	[sflag:s24] =	ssyncset.done $0x0  }
0xbf: {  	[sflag:s24] =	ssyncadd.s32 $0xFFFFC000  }
0xc0: {  	[tilespmem:s23], [sflag:$0x4] =	stream.linear.gather [spmem:s9], $0x4000, $0x38;
	[tilespmem:$0x1C200] =	vst v63  }
0xc1: {  	_ =	swait.ge [sflag:s24], $0x4000  }
0xc2: {  	[sflag:s24] =	ssyncset.done $0x0  }
0xc3: {  	[sflag:s24] =	ssyncadd.s32 $0xFFFFC000  }
0xc4: {  	[hbm4b:s16+s2] =	stream.linear.scatter [tilespmem:s23], [sflag:$0x4], $0x4000, $0x38;
	[tilespmem:$0x1C200] =	vst v63  }
0xc5: {  	_ =	swait.ge [sflag:s24], $0x4000  }
0xc6: {  	[sflag:s24] =	ssyncset.done $0x0  }
0xc7: {  	[sflag:s24] =	ssyncadd.s32 $0xFFFFC000  }
0xc8: {  	[tilespmem:s23], [sflag:$0x4] =	stream.linear.gather [spmem:s10], $0x4000, $0x38;
	[tilespmem:$0x1C200] =	vst v63  }
0xc9: {  	s3 =	sadd.s32 $0x1, s3;
	_ =	swait.ge [sflag:s24], $0x4000  }
0xca: {  	p0 =	sne.s32 s3, s18;
	[sflag:s24] =	ssyncset.done $0x0  }
.Ltmp1:
0xcb: {  	[sflag:s24] =	ssyncadd.s32 $0xFFFFC000;
	(pc) =	sbr.rel @p0 .LBB2_1-.Ltmp1, $4  }
0xcc: {  	[hbm4b:s17+s2] =	stream.linear.scatter [tilespmem:s23], [sflag:$0x4], $0x4000, $0x38;
	[tilespmem:$0x1C200] =	vst v63  }
0xcd: {  	_ =	swait.ge [sflag:s24], $0x4000  }
0xce: {  	[sflag:s24] =	ssyncset.done $0x0  }
0xcf: {  	[sflag:s24] =	ssyncadd.s32 $0xFFFFC000  }
0xd0: {  	_ =	sfence.sel $0x180000  }
0xd1: {  	[bflag:$0x0] =	sbarrier.arrive $0xFFFF  }
0xd2: {  	_ =	strace $0x90000050  }
0xd3: {  	s0 =	stileid.u32;
	[bflag:$0x2] =	sbarrier.arrive $0xFFFF  }
0xd4: {  	p0 =	sne.s32 s0, $0x0;
	s0 =	rddreg [dreg:$0x3]  }
0xd5: {  	s0 =	sadd.s32 @!p0 $0x100000, s0  }
0xd6: {  	[sflag:s0] =	ssyncadd.tile.s32 @!p0 $0x1;
	_ =	shalt  }
.Lfunc_end2:
_tile_overlayer_lowered:
.L_overlay_start_2:
0xd7: {  	(tag) =	ssettag $0x2  }
0xd8: {  	s0 =	rddreg [dreg:$0x0];
	s2 =	stileid.u32  }
0xd9: {  	s1 =	rddreg [dreg:$0x1];
	p0 =	sne.s32 s2, $0x0  }
0xda: {  	s3 =	rddreg [dreg:$0x2];
	[bflag:$0x3] =	sbarrier.arrive $0xFFFF;
	s2 =	simm.s32 @!p0 $0x1C04  }
0xdb: {  	[timem:s3], [sflag:s2] =	dma.local @!p0 [hbm:s0], s1  }
0xdc: {  	s0 =	simm.s32 @!p0 $0x4  }
0xdd: {  	_ =	swait.ge @!p0 [sflag:s0], s1  }
0xde: {  	s1 =	ssub.s32 @!p0 $0x0, s1;
	[sflag:s0] =	ssyncset.done @!p0 $0x0  }
0xdf: {  	[sflag:s0] =	ssyncadd.s32 @!p0 s1  }
0xe0: {  	[bflag:$0x3] =	sbarrier.arrive $0xFFFF  }
0xe1: {  	_ =	shalt  }

// kernel: kernel.14.cloned.1.call-start
scs
__scs_entry_jumppad:
0x0: {  	(pc) =	sbr.rel $0x88, $3  }
0x1: {  	(tag) =	ssettag $0x0;
	lr =	simm.s32 $0x1  }
0x2: {  	[smem:$0x3F9D] =	sst lr;
	_ =	strace $0xD0000000  }
0x3: {  	_ = 	snop  }
0x4: {  	_ = 	snop  }
0x5: {  	_ = 	snop  }
0x6: {  	_ = 	snop  }
0x7: {  	_ = 	snop  }
__scs_overlays_trampoline_lowered:
0x8: {  	[smem:$0x3FAC] =	sst s0  }
0x9: {  	[smem:$0x3FAD] =	sst s1  }
0xa: {  	[smem:$0x3FAE] =	sst s2  }
0xb: {  	[smem:$0x3FAF] =	sst s3  }
0xc: {  	[smem:$0x3FB0] =	sst s4  }
0xd: {  	[smem:$0x3FB1] =	sst s5  }
0xe: {  	[smem:$0x3FB2] =	sst s6  }
0xf: {  	[smem:$0x3FB3] =	sst s7  }
0x10: {  	[smem:$0x3FB4] =	sst s8  }
0x11: {  	[smem:$0x3FB5] =	sst s9;
	s0 =	simm.s32 @!p0 $0x0  }
0x12: {  	s1 =	sld [smem:$0x3F9B];
	s0 =	simm.s32 @p0 $0x1  }
0x13: {  	[smem:$0x3FB6] =	sst s0;
	s0 =	simm.s32 @!p1 $0x0  }
0x14: {  	s2 =	sld [smem:$0x3F9A];
	s0 =	simm.s32 @p1 $0x1  }
0x15: {  	[smem:$0x3FB7] =	sst s0;
	s0 =	simm.s32 @!p2 $0x0  }
0x16: {  	s3 =	sld [smem:$0x3FDB];
	s0 =	simm.s32 @p2 $0x1  }
0x17: {  	s4 =	simm.s32 $0x1BF5;
	[smem:$0x3FB9] =	sst s0  }
0x18: {  	s0 =	sld [smem:$0x3F9C];
	_ =	swait.ge [sflag:s4], $0x0  }
0x19: {  	s7 =	sld [smem:$0x3F9D]  }
0x1a: {  	s8 =	sadd.s32 $0xFFFFE003, lr  }
0x1b: {  	s9 =	sadd.s32 $0xFFFFFEF7, lr;
	s5 =	simm.s32 $0xFFFFFFFF;
	p2 =	slt.u32 s8, $0xFFFFF086  }
0x1c: {  	p1 =	slt.u32 s9, $0xF7A;
	s5 =	simm.s32 @!p2 $0x0  }
0x1d: {  	s5 =	simm.s32 @p1 $0x1;
	p0 =	seq.s32 s7, s2  }
0x1e: {  	s7 =	smul.u32 @!p0 $0xF7A, s2;
	p2 =	seq.s32 @!p0 s5, $0x0  }
0x1f: {  	s9 =	smul.u32 $0xF7A, s1;
	s8 =	simm.s32 @!p0 $0x1BF5;
	p2 =	por !p2, p0  }
0x20: {  	[sflag:s8] =	ssyncset.s32 @!p0 $0xFFFFF086;
	s6 =	sadd.s32 @!p0 s3, s7;
	s7 =	simm.s32 @!p0 $0x108  }
0x21: {  	s3 =	sadd.s32 s3, s9;
	s6 =	sadd.s32 @!p0 $0x88, s6;
	s7 =	simm.s32 @p2 $0x1082  }
0x22: {  	[simem:s7], [sflag:s8] =	dma.local @!p0 [hbm:s6], $0xF7A  }
0x23: {  	s9 =	sor.u32 $0xD0000000, s2;
	s6 =	simm.s32 $0x108;
	_ =	swait.ge @!p0 [sflag:s8], $0x0  }
0x24: {  	s3 =	sadd.s32 $0x88, s3;
	s6 =	simm.s32 @!p1 $0x1082;
	[sflag:s4] =	ssyncset.s32 $0xFFFFF086  }
0x25: {  	[simem:s6], [sflag:s4] =	dma.local [hbm:s3], $0xF7A  }
0x26: {  	[smem:$0x3F9D] =	sst s1;
	(tag) =	ssettag s2;
	_ =	strace s9  }
0x27: {  	s1 =	sld [smem:$0x3FAD]  }
0x28: {  	s2 =	sld [smem:$0x3FAE]  }
0x29: {  	s4 =	sld [smem:$0x3FB0]  }
0x2a: {  	p0 =	seq.s32 s5, $0x0;
	s5 =	sld [smem:$0x3FB1]  }
0x2b: {  	s6 =	sld [smem:$0x3FB2]  }
0x2c: {  	s7 =	sld [smem:$0x3FB3]  }
0x2d: {  	s3 =	simm.s32 $0x108;
	s8 =	sld [smem:$0x3FB4]  }
0x2e: {  	s3 =	simm.s32 @!p0 $0x1082;
	s9 =	sld [smem:$0x3FB5]  }
0x2f: {  	lr =	sadd.s32 s0, s3;
	s0 =	sld [smem:$0x3FAC]  }
0x30: {  	s3 =	sld [smem:$0x3FAF]  }
0x31: {  	[smem:$0x3FB8] =	sst s10  }
0x32: {  	s10 =	sld [smem:$0x3FB6];
	_ =	sdelay $0x3  }
0x33: {  	p0 =	seq.s32 s10, $0x1;
	s10 =	sld [smem:$0x3FB8];
	_ =	sdelay $0x3  }
0x34: {  	[smem:$0x3FB8] =	sst s10  }
0x35: {  	s10 =	sld [smem:$0x3FB7];
	_ =	sdelay $0x3  }
0x36: {  	p1 =	seq.s32 s10, $0x1;
	s10 =	sld [smem:$0x3FB8];
	_ =	sdelay $0x3  }
0x37: {  	[smem:$0x3FB8] =	sst s10  }
0x38: {  	s10 =	sld [smem:$0x3FB9]  }
0x39: {  	_ = 	snop;
	(pc) =	sbr.ind lr, $3  }
0x3a: {  	_ = 	snop  }
0x3b: {  	_ = 	snop  }
0x3c: {  	p2 =	seq.s32 s10, $0x1;
	s10 =	sld [smem:$0x3FB8]  }
0x3d: {  	_ =	shalt  }
0x3e: {  	_ =	shalt  }
0x3f: {  	_ =	shalt  }
0x40: {  	_ =	shalt  }
0x41: {  	_ =	shalt  }
0x42: {  	_ =	shalt  }
0x43: {  	_ =	shalt  }
0x44: {  	_ =	shalt  }
0x45: {  	_ =	shalt  }
0x46: {  	_ =	shalt  }
0x47: {  	_ =	shalt  }
0x48: {  	_ =	shalt  }
0x49: {  	_ =	shalt  }
0x4a: {  	_ =	shalt  }
0x4b: {  	_ =	shalt  }
0x4c: {  	_ =	shalt  }
0x4d: {  	_ =	shalt  }
0x4e: {  	_ =	shalt  }
0x4f: {  	_ =	shalt  }
0x50: {  	_ =	shalt  }
0x51: {  	_ =	shalt  }
0x52: {  	_ =	shalt  }
0x53: {  	_ =	shalt  }
0x54: {  	_ =	shalt  }
0x55: {  	_ =	shalt  }
0x56: {  	_ =	shalt  }
0x57: {  	_ =	shalt  }
0x58: {  	_ =	shalt  }
0x59: {  	_ =	shalt  }
0x5a: {  	_ =	shalt  }
0x5b: {  	_ =	shalt  }
0x5c: {  	_ =	shalt  }
0x5d: {  	_ =	shalt  }
0x5e: {  	_ =	shalt  }
0x5f: {  	_ =	shalt  }
0x60: {  	_ =	shalt  }
0x61: {  	_ =	shalt  }
0x62: {  	_ =	shalt  }
0x63: {  	_ =	shalt  }
0x64: {  	_ =	shalt  }
0x65: {  	_ =	shalt  }
0x66: {  	_ =	shalt  }
0x67: {  	_ =	shalt  }
0x68: {  	_ =	shalt  }
0x69: {  	_ =	shalt  }
0x6a: {  	_ =	shalt  }
0x6b: {  	_ =	shalt  }
0x6c: {  	_ =	shalt  }
0x6d: {  	_ =	shalt  }
0x6e: {  	_ =	shalt  }
0x6f: {  	_ =	shalt  }
0x70: {  	_ =	shalt  }
0x71: {  	_ =	shalt  }
0x72: {  	_ =	shalt  }
0x73: {  	_ =	shalt  }
0x74: {  	_ =	shalt  }
0x75: {  	_ =	shalt  }
0x76: {  	_ =	shalt  }
0x77: {  	_ =	shalt  }
0x78: {  	_ =	shalt  }
0x79: {  	_ =	shalt  }
0x7a: {  	_ =	shalt  }
0x7b: {  	_ =	shalt  }
0x7c: {  	_ =	shalt  }
0x7d: {  	_ =	shalt  }
0x7e: {  	_ =	shalt  }
0x7f: {  	_ =	shalt  }
0x80: {  	_ =	shalt  }
0x81: {  	_ =	shalt  }
0x82: {  	_ =	shalt  }
0x83: {  	_ =	shalt  }
0x84: {  	_ =	shalt  }
0x85: {  	_ =	shalt  }
0x86: {  	_ =	shalt  }
0x87: {  	_ =	shalt  }
.Lfunc_end0:
.L_simem_size_0:
called_computation.4_lowered:
.L_overlay_start_0:
0x88: {  	s2 =	sld [smem:$0x3FD9]  }
0x89: {  	s3 =	sld [smem:$0x3FFE];
	_ =	sdelay $0x1  }
0x8a: {  	s1 =	srdreg.scid  }
0x8b: {  	s0 =	sand.u32 $0x1, s1  }
0x8c: {  	s17 =	sshll.u32 s0, $0xA;
	s2 =	sadd.s32 s3, s2  }
0x8d: {  	s2 =	sadd.s32 s2, s17  }
0x8e: {  	[smem:$0x3FC4] =	sst s2  }
0x8f: {  	_ = 	snop  }
0x90: {  	s2 =	sld [smem:$0x3FD0];
	(tm) =	ssettm $0x1  }
0x91: {  	s18 =	sld [smem:$0x3FFB];
	_ =	sdelay $0x3  }
0x92: {  	_ =	strace s18  }
0x93: {  	s3 =	sld [smem:$0x3FFC];
	_ =	sdelay $0x3  }
0x94: {  	_ =	strace s3  }
0x95: {  	s3 =	sld [smem:$0x3FFD];
	_ =	sdelay $0x3  }
0x96: {  	_ =	strace s3  }
0x97: {  	_ =	strace $0x8FFFFFFF  }
0x98: {  	s19 =	sld [smem:$0x3FDB];
	_ =	sdelay $0x1  }
0x99: {  	s4 =	simm.s32 $_scs_section_size  }
0x9a: {  	s5 =	simm.s32 $_size__tile_overlayer_lowered;
	s6 =	simm.s32 $_tile_overlayer_lowered  }
0x9b: {  	s22 =	simm.s32 $0x1BFF;
	s21 =	sshll.u32 s6, $0x1;
	s3 =	sadd.s32 s4, s19  }
0x9c: {  	s7 =	simm.s32 $0x0;
	s20 =	sshll.u32 s5, $0x1;
	s5 =	sadd.s32 s21, s3  }
0x9d: {  	[timem:s7], [sflag:s22] =	dma.local [hbm:s5], s20  }
0x9e: {  	_ =	swait.ge [sflag:s22], s20  }
0x9f: {  	s4 =	ssub.s32 $0x0, s20;
	[sflag:s22] =	ssyncset.done $0x0  }
0xa0: {  	[sflag:s22] =	ssyncadd.s32 s4;
	_ =	sdelay $0x1  }
0xa1: {  	s23 =	simm.s32 $0x1B8B  }
0xa2: {  	_ =	swait.ge [sflag:s23], $0x1  }
0xa3: {  	[sflag:s23] =	ssyncset.done $0x0  }
0xa4: {  	s25 =	simm.s32 $0x1B8E;
	s24 =	sld [smem:$0x3FFE];
	[sflag:s23] =	ssyncadd.s32 $0xFFFFFFFF  }
0xa5: {  	s26 =	simm.s32 $execute0_lowered;
	[smem:$0x3FD2] =	sst s25  }
0xa6: {  	s5 =	sshll.u32 s26, $0x1;
	_ =	strace $0x80000052;
	[dreg:$0x1] =	wrdreg $0xFFFFFFFF  }
0xa7: {  	s28 =	simm.s32 $_size_execute0_lowered;
	s3 =	sadd.s32 s3, s5;
	[dreg:$0x0] =	wrdreg $0x0  }
0xa8: {  	s5 =	sshll.u32 s28, $0x1;
	[dreg:$0x2] =	wrdreg s3  }
0xa9: {  	[dreg:$0x3] =	wrdreg s5  }
0xaa: {  	[dreg:$0x4] =	wrdreg $0xC0  }
0xab: {  	_ =	task [dreg:s7], $0x5FFFF  }
0xac: {  	[dreg:$0x1] =	wrdreg $0xFFFFFFFF  }
0xad: {  	[dreg:$0x0] =	wrdreg $0x60  }
0xae: {  	[dreg:$0x2] =	wrdreg s2  }
0xaf: {  	[dreg:$0x3] =	wrdreg s24  }
0xb0: {  	[dreg:$0x4] =	wrdreg $0x82000  }
0xb1: {  	[dreg:$0x5] =	wrdreg $0x9  }
0xb2: {  	_ =	task.clear_ibuf [dreg:s7], $0x6FFFF;
	_ =	strace $0x90000052  }
0xb3: {  	s29 =	simm.s32 $0x9;
	_ =	strace $0x80000054  }
0xb4: {  	_ =	swait.ge [sflag:s29], $0x1  }
0xb5: {  	[sflag:s29] =	ssyncadd.s32 $0xFFFFFFFF  }
0xb6: {  	_ =	strace $0x90000054  }
0xb7: {  	_ =	sfence  }
0xb8: {  	s30 =	sld [smem:$0x0];
	_ =	sdelay $0x2  }
0xb9: {  	s31 =	sshll.u32 s1, $0xD;
	s1 =	sshrl.u32 s1, $0x2  }
0xba: {  	s3 =	sand.u32 $0x4000, s31;
	s1 =	sadd.s32 s1, s30  }
0xbb: {  	s0 =	sor.u32 s3, s0;
	s1 =	sshll.u32 s1, $0x11  }
0xbc: {  	s0 =	sor.u32 s1, s0  }
0xbd: {  	s0 =	sadd.s32 $0x8F2B, s0  }
0xbe: {  	[sflag:s0] =	ssyncadd.remote.s32 $0x1  }
0xbf: {  	_ =	sfence.sel $0xFFFF  }
0xc0: {  	[dreg:$0x0] =	wrdreg $0xFFFFFFFF;
	(pc) =	sbr.abs _section_cstart, $3  }
0xc1: {  	[dreg:$0x1] =	wrdreg $0xFFFFFFFF  }
0xc2: {  	_ =	task.clear_ibuf [dreg:s7], $0x2FFFF;
	_ =	strace $0x9FFFFFFF  }
0xc3: {  	(tm) =	ssettm $0x7FFFFFFF  }
tec
execute0_lowered:
.L_overlay_start_1:
0x0: {  	(tag) =	ssettag $0x1  }
0x1: {  	s0 =	rddreg [dreg:$0x0]  }
0x2: {  	s3 =	rddreg [dreg:$0x1]  }
0x3: {  	s1 =	rddreg [dreg:$0x2];
	s2 =	simm.s32 $0x0;
	s5 =	srdreg.scid  }
0x4: {  	s20 =	stileid.u32;
	s28 =	simm.s32 $0x3;
	s29 =	simm.s32 $0x1  }
0x5: {  	s30 =	simm.s32 $0x4200;
	s31 =	simm.s32 $0x2;
	[smem:$0x7FF] =	sst s2  }
0x6: {  	s4 =	sadd.s32 $0x1FA00, s3;
	s6 =	sadd.s32 $0x1F200, s3;
	s7 =	smul.u32 $0x50000, s20  }
0x7: {  	s5 =	sand.u32 $0x1, s5;
	s3 =	sadd.s32 $0x47A00, s3;
	s12 =	smul.u32 $0x14000, s20  }
0x8: {  	s24 =	smul.u32 $0x5000, s20;
	_ =	strace $0x80000053;
	s18 =	ssub.s32 $0x2, s5  }
0x9: {  	[dreg:$0x4] =	wrdreg s6;
	s9 =	sshll.u32 s5, $0x4;
	s8 =	sshrl.u32 s18, $0x1  }
0xa: {  	s9 =	sor.u32 s20, s9;
	s19 =	sshrl.u32 s7, $0x2;
	s13 =	sadd.s32 $0x4000, s12  }
0xb: {  	s15 =	sadd.s32 $0x8000, s12;
	s16 =	sadd.s32 $0xC000, s12;
	s17 =	sadd.s32 $0x10000, s12  }
0xc: {  	s18 =	ssub.s32 s18, s8;
	s6 =	sadd.s32 s19, s1;
	s11 =	smul.u32 $0x5000, s9  }
0xd: {  	s7 =	sadd.s32 s13, s1;
	s8 =	sadd.s32 s15, s1;
	s19 =	smul.u32 $0x140000, s5  }
0xe: {  	s9 =	sadd.s32 s16, s1;
	s10 =	sadd.s32 s17, s1;
	s5 =	smul.u32 $0x50000, s5  }
0xf: {  	s18 =	smax.u32 s18, $0x1;
	s11 =	sshrl.u32 s11, $0x3;
	s12 =	sadd.s32 s12, s19  }
0x10: {  	s13 =	sadd.s32 s19, s13;
	s22 =	sadd.s32 s19, s15;
	s23 =	sadd.s32 s19, s16  }
0x11: {  	s17 =	sadd.s32 s19, s17;
	s26 =	sadd.s32 s24, s5;
	s24 =	simm.s32 $0x4  }
0x12: {  	s11 =	sadd.s32 s0, s11;
	s12 =	sshrl.u32 s12, $0x3;
	s21 =	sshrl.u32 s13, $0x3  }
0x13: {  	s16 =	sshrl.u32 s23, $0x3;
	s25 =	sshrl.u32 s17, $0x3;
	s5 =	sor.u32 $0x300, s26  }
0x14: {  	s23 =	simm.s32 $0x200;
	s14 =	sadd.s32 $0x20, s11;
	s12 =	sadd.s32 s3, s12  }
0x15: {  	s16 =	sadd.s32 s3, s16;
	s17 =	sadd.s32 s3, s25;
	s19 =	sadd.s32 $0x9E0, s11  }
0x16: {  	s20 =	sadd.s32 $0x9C0, s11;
	s5 =	sshrl.u32 s5, $0x3;
	[dreg:$0x5] =	wrdreg s14  }
0x17: {  	s25 =	simm.s32 $0x80;
	[dreg:$0x6] =	wrdreg s12;
	s12 =	sshrl.u32 s22, $0x3  }
0x18: {  	s14 =	sadd.s32 s3, s21;
	s15 =	sadd.s32 s3, s12;
	s3 =	sor.u32 $0x200, s26  }
0x19: {  	s21 =	sadd.s32 s5, s0;
	s26 =	simm.s32 $0x100;
	s3 =	sshrl.u32 s3, $0x3  }
0x1a: {  	s22 =	sadd.s32 s3, s0;
	s0 =	simm.s32 $0x180;
	s3 =	simm.s32 $0x0  }
.LBB2_1:
0x1b: {  	s5 =	rddreg [dreg:$0x4]  }
0x1c: {  	[tilespmem:s23], [sflag:$0x4] =	stream.linear.gather [hbm4b:s5+s2], $0x4000, $0x38;
	[tilespmem:$0x1C200] =	vst v63  }
0x1d: {  	_ =	swait.ge [sflag:s24], $0x4000  }
0x1e: {  	[sflag:s24] =	ssyncset.done $0x0  }
0x1f: {  	[sflag:s24] =	ssyncadd.s32 $0xFFFFC000  }
0x20: {  	[spmem:s6] =	stream.linear.scatter [tilespmem:s23], [sflag:$0x4], $0x4000, $0x38;
	[tilespmem:$0x1C200] =	vst v63  }
0x21: {  	_ =	swait.ge [sflag:s24], $0x4000  }
0x22: {  	[sflag:s24] =	ssyncset.done $0x0  }
0x23: {  	[sflag:s24] =	ssyncadd.s32 $0xFFFFC000  }
0x24: {  	[spmem:s7] =	stream.linear.scatter [tilespmem:s23], [sflag:$0x4], $0x4000, $0x38;
	[tilespmem:$0x1C200] =	vst v63  }
0x25: {  	_ =	swait.ge [sflag:s24], $0x4000  }
0x26: {  	[sflag:s24] =	ssyncset.done $0x0  }
0x27: {  	[sflag:s24] =	ssyncadd.s32 $0xFFFFC000  }
0x28: {  	[spmem:s8] =	stream.linear.scatter [tilespmem:s23], [sflag:$0x4], $0x4000, $0x38;
	[tilespmem:$0x1C200] =	vst v63  }
0x29: {  	_ =	swait.ge [sflag:s24], $0x4000  }
0x2a: {  	[sflag:s24] =	ssyncset.done $0x0  }
0x2b: {  	[sflag:s24] =	ssyncadd.s32 $0xFFFFC000  }
0x2c: {  	[spmem:s9] =	stream.linear.scatter [tilespmem:s23], [sflag:$0x4], $0x4000, $0x38;
	[tilespmem:$0x1C200] =	vst v63  }
0x2d: {  	_ =	swait.ge [sflag:s24], $0x4000  }
0x2e: {  	[sflag:s24] =	ssyncset.done $0x0  }
0x2f: {  	[sflag:s24] =	ssyncadd.s32 $0xFFFFC000  }
0x30: {  	[spmem:s10] =	stream.linear.scatter [tilespmem:s23], [sflag:$0x4], $0x4000, $0x38;
	[tilespmem:$0x1C200] =	vst v63  }
0x31: {  	_ =	swait.ge [sflag:s24], $0x4000  }
0x32: {  	[sflag:s24] =	ssyncset.done $0x0  }
0x33: {  	[sflag:s24] =	ssyncadd.s32 $0xFFFFC000  }
0x34: {  	[bflag:$0x0] =	sbarrier.arrive $0xFFFF  }
0x35: {  	[tilespmem:s2], [sflag:$0x4] =	stream.linear.gather [hbm4b:s11+s2], $0x100, $0x38;
	[tilespmem:$0x1C200] =	vst v63  }
0x36: {  	_ =	swait.ge [sflag:s24], $0x100  }
0x37: {  	[sflag:s24] =	ssyncset.done $0x0  }
0x38: {  	[sflag:s24] =	ssyncadd.s32 $0xFFFFFF00  }
0x39: {  	[tilespmem:s23], [sflag:$0x1] =	stream.indirect.gather [hbm4b:s4+s25], $0x80, s2, s25, $0xb8;
	[tilespmem:$0x1C200] =	vst v63  }
0x3a: {  	s12 =	rddreg [dreg:$0x5]  }
0x3b: {  	[tilespmem:s26], [sflag:$0x3] =	stream.linear.gather [hbm4b:s12+s2], $0x100, $0x38;
	[tilespmem:$0x1C200] =	vst v63  }
0x3c: {  	_ =	swait.ge [sflag:s28], $0x100  }
0x3d: {  	[sflag:s28] =	ssyncset.done $0x0  }
0x3e: {  	[sflag:s28] =	ssyncadd.s32 $0xFFFFFF00  }
0x3f: {  	_ =	swait.ge [sflag:s29], $0x4000  }
0x40: {  	[sflag:s29] =	ssyncset.done $0x0  }
0x41: {  	[sflag:s29] =	ssyncadd.s32 $0xFFFFC000  }
0x42: {  	[tilespmem:s30], [sflag:$0x2] =	stream.indirect.gather [hbm4b:s4+s25], $0x80, s26, s25, $0xb8;
	[tilespmem:$0x1C200] =	vst v63  }
0x43: {  	_ = 	snop  }
0x44: {  	[spmem:s1] =	stream.indirect.scatter.add.f32 [tilespmem:s23], [sflag:$0x4], $0x80, s25, s25, $0xb8;
	[tilespmem:$0x1C200] =	vst v63  }
0x45: {  	_ =	swait.ge [sflag:s24], $0x4000  }
0x46: {  	[sflag:s24] =	ssyncset.done $0x0  }
0x47: {  	s13 =	sadd.s32 $0x0, s22;
	[sflag:s24] =	ssyncadd.s32 $0xFFFFC000  }
0x48: {  	[tilespmem:s2], [sflag:$0x4] =	stream.linear.gather [hbm4b:s13+s2], $0x100, $0x38;
	[tilespmem:$0x1C200] =	vst v63  }
0x49: {  	_ =	swait.ge [sflag:s24], $0x100  }
0x4a: {  	[sflag:s24] =	ssyncset.done $0x0  }
0x4b: {  	[sflag:s24] =	ssyncadd.s32 $0xFFFFFF00  }
0x4c: {  	[tilespmem:s23], [sflag:$0x1] =	stream.indirect.gather [hbm4b:s4+s25], $0x80, s2, s25, $0xb8;
	[tilespmem:$0x1C200] =	vst v63  }
0x4d: {  	_ =	swait.ge [sflag:s31], $0x4000  }
0x4e: {  	[sflag:s31] =	ssyncset.done $0x0  }
0x4f: {  	[sflag:s31] =	ssyncadd.s32 $0xFFFFC000  }
0x50: {  	[spmem:s1] =	stream.indirect.scatter.add.f32 [tilespmem:s30], [sflag:$0x4], $0x80, s0, s25, $0xb8;
	[tilespmem:$0x1C200] =	vst v63  }
0x51: {  	_ =	swait.ge [sflag:s24], $0x4000  }
0x52: {  	[sflag:s24] =	ssyncset.done $0x0  }
0x53: {  	s5 =	simm.s32 $0x40;
	s12 =	sadd.s32 $0x0, s21;
	[sflag:s24] =	ssyncadd.s32 $0xFFFFC000  }
.LBB2_2:
0x54: {  	[tilespmem:s26], [sflag:$0x3] =	stream.linear.gather [hbm4b:s12+s2], $0x100, $0x38;
	[tilespmem:$0x1C200] =	vst v63  }
0x55: {  	s12 =	smov.u32 s5  }
0x56: {  	p0 =	sne.s32 s5, $0x940;
	s5 =	sadd.s32 $0x40, s5;
	_ =	swait.ge [sflag:s28], $0x100  }
0x57: {  	[sflag:s28] =	ssyncset.done $0x0  }
0x58: {  	[sflag:s28] =	ssyncadd.s32 $0xFFFFFF00  }
0x59: {  	_ =	swait.ge [sflag:s29], $0x4000  }
0x5a: {  	[sflag:s29] =	ssyncset.done $0x0  }
0x5b: {  	[sflag:s29] =	ssyncadd.s32 $0xFFFFC000  }
0x5c: {  	[tilespmem:s30], [sflag:$0x2] =	stream.indirect.gather [hbm4b:s4+s25], $0x80, s26, s25, $0xb8;
	[tilespmem:$0x1C200] =	vst v63  }
0x5d: {  	_ = 	snop  }
0x5e: {  	[spmem:s1] =	stream.indirect.scatter.add.f32 [tilespmem:s23], [sflag:$0x4], $0x80, s25, s25, $0xb8;
	[tilespmem:$0x1C200] =	vst v63  }
0x5f: {  	_ =	swait.ge [sflag:s24], $0x4000  }
0x60: {  	[sflag:s24] =	ssyncset.done $0x0  }
0x61: {  	s13 =	sadd.s32 s12, s22;
	[sflag:s24] =	ssyncadd.s32 $0xFFFFC000  }
0x62: {  	[tilespmem:s2], [sflag:$0x4] =	stream.linear.gather [hbm4b:s13+s2], $0x100, $0x38;
	[tilespmem:$0x1C200] =	vst v63  }
0x63: {  	_ =	swait.ge [sflag:s24], $0x100  }
0x64: {  	[sflag:s24] =	ssyncset.done $0x0  }
0x65: {  	[sflag:s24] =	ssyncadd.s32 $0xFFFFFF00  }
0x66: {  	[tilespmem:s23], [sflag:$0x1] =	stream.indirect.gather [hbm4b:s4+s25], $0x80, s2, s25, $0xb8;
	[tilespmem:$0x1C200] =	vst v63  }
0x67: {  	_ =	swait.ge [sflag:s31], $0x4000  }
0x68: {  	[sflag:s31] =	ssyncset.done $0x0  }
.Ltmp0:
0x69: {  	[sflag:s31] =	ssyncadd.s32 $0xFFFFC000;
	(pc) =	sbr.rel @p0 .LBB2_2-.Ltmp0, $4  }
0x6a: {  	[spmem:s1] =	stream.indirect.scatter.add.f32 [tilespmem:s30], [sflag:$0x4], $0x80, s0, s25, $0xb8;
	[tilespmem:$0x1C200] =	vst v63  }
0x6b: {  	_ =	swait.ge [sflag:s24], $0x4000  }
0x6c: {  	[sflag:s24] =	ssyncset.done $0x0  }
0x6d: {  	s12 =	sadd.s32 s12, s21;
	[sflag:s24] =	ssyncadd.s32 $0xFFFFC000  }
0x6e: {  	[tilespmem:s26], [sflag:$0x3] =	stream.linear.gather [hbm4b:s12+s2], $0x100, $0x38;
	[tilespmem:$0x1C200] =	vst v63  }
0x6f: {  	_ =	swait.ge [sflag:s28], $0x100  }
0x70: {  	[sflag:s28] =	ssyncset.done $0x0  }
0x71: {  	[sflag:s28] =	ssyncadd.s32 $0xFFFFFF00  }
0x72: {  	_ =	swait.ge [sflag:s29], $0x4000  }
0x73: {  	[sflag:s29] =	ssyncset.done $0x0  }
0x74: {  	[sflag:s29] =	ssyncadd.s32 $0xFFFFC000  }
0x75: {  	[tilespmem:s30], [sflag:$0x2] =	stream.indirect.gather [hbm4b:s4+s25], $0x80, s26, s25, $0xb8;
	[tilespmem:$0x1C200] =	vst v63  }
0x76: {  	_ = 	snop  }
0x77: {  	[spmem:s1] =	stream.indirect.scatter.add.f32 [tilespmem:s23], [sflag:$0x4], $0x80, s25, s25, $0xb8;
	[tilespmem:$0x1C200] =	vst v63  }
0x78: {  	_ =	swait.ge [sflag:s24], $0x4000  }
0x79: {  	[sflag:s24] =	ssyncset.done $0x0  }
0x7a: {  	[sflag:s24] =	ssyncadd.s32 $0xFFFFC000  }
0x7b: {  	[tilespmem:s2], [sflag:$0x4] =	stream.linear.gather [hbm4b:s20+s2], $0x100, $0x38;
	[tilespmem:$0x1C200] =	vst v63  }
0x7c: {  	_ =	swait.ge [sflag:s24], $0x100  }
0x7d: {  	[sflag:s24] =	ssyncset.done $0x0  }
0x7e: {  	[sflag:s24] =	ssyncadd.s32 $0xFFFFFF00  }
0x7f: {  	[tilespmem:s23], [sflag:$0x1] =	stream.indirect.gather [hbm4b:s4+s25], $0x80, s2, s25, $0xb8;
	[tilespmem:$0x1C200] =	vst v63  }
0x80: {  	_ =	swait.ge [sflag:s31], $0x4000  }
0x81: {  	[sflag:s31] =	ssyncset.done $0x0  }
0x82: {  	[sflag:s31] =	ssyncadd.s32 $0xFFFFC000  }
0x83: {  	[spmem:s1] =	stream.indirect.scatter.add.f32 [tilespmem:s30], [sflag:$0x4], $0x80, s0, s25, $0xb8;
	[tilespmem:$0x1C200] =	vst v63  }
0x84: {  	_ =	swait.ge [sflag:s24], $0x4000  }
0x85: {  	[sflag:s24] =	ssyncset.done $0x0  }
0x86: {  	[sflag:s24] =	ssyncadd.s32 $0xFFFFC000  }
0x87: {  	[tilespmem:s26], [sflag:$0x3] =	stream.linear.gather [hbm4b:s19+s2], $0x100, $0x38;
	[tilespmem:$0x1C200] =	vst v63  }
0x88: {  	_ =	swait.ge [sflag:s28], $0x100  }
0x89: {  	[sflag:s28] =	ssyncset.done $0x0  }
0x8a: {  	[sflag:s28] =	ssyncadd.s32 $0xFFFFFF00  }
0x8b: {  	_ =	swait.ge [sflag:s29], $0x4000  }
0x8c: {  	[sflag:s29] =	ssyncset.done $0x0  }
0x8d: {  	[sflag:s29] =	ssyncadd.s32 $0xFFFFC000  }
0x8e: {  	[tilespmem:s30], [sflag:$0x2] =	stream.indirect.gather [hbm4b:s4+s25], $0x80, s26, s25, $0xb8;
	[tilespmem:$0x1C200] =	vst v63  }
0x8f: {  	_ = 	snop  }
0x90: {  	[spmem:s1] =	stream.indirect.scatter.add.f32 [tilespmem:s23], [sflag:$0x4], $0x80, s25, s25, $0xb8;
	[tilespmem:$0x1C200] =	vst v63  }
0x91: {  	_ =	swait.ge [sflag:s24], $0x4000  }
0x92: {  	[sflag:s24] =	ssyncset.done $0x0  }
0x93: {  	[sflag:s24] =	ssyncadd.s32 $0xFFFFC000  }
0x94: {  	[tilespmem:s2], [sflag:$0x4] =	stream.linear.gather [hbm4b:s19+s2], $0x100, $0x38;
	[tilespmem:$0x1C200] =	vst v63  }
0x95: {  	_ =	swait.ge [sflag:s24], $0x100  }
0x96: {  	[sflag:s24] =	ssyncset.done $0x0  }
0x97: {  	[sflag:s24] =	ssyncadd.s32 $0xFFFFFF00  }
0x98: {  	[tilespmem:s23], [sflag:$0x1] =	stream.indirect.gather [hbm4b:s4+s25], $0x80, s2, s25, $0xb8;
	[tilespmem:$0x1C200] =	vst v63  }
0x99: {  	_ =	swait.ge [sflag:s31], $0x4000  }
0x9a: {  	[sflag:s31] =	ssyncset.done $0x0  }
0x9b: {  	[sflag:s31] =	ssyncadd.s32 $0xFFFFC000  }
0x9c: {  	[spmem:s1] =	stream.indirect.scatter.add.f32 [tilespmem:s30], [sflag:$0x4], $0x80, s0, s25, $0xb8;
	[tilespmem:$0x1C200] =	vst v63  }
0x9d: {  	_ =	swait.ge [sflag:s24], $0x4000  }
0x9e: {  	[sflag:s24] =	ssyncset.done $0x0  }
0x9f: {  	[sflag:s24] =	ssyncadd.s32 $0xFFFFC000  }
0xa0: {  	[tilespmem:s26], [sflag:$0x3] =	stream.linear.gather [hbm4b:s19+s2], $0x100, $0x38;
	[tilespmem:$0x1C200] =	vst v63  }
0xa1: {  	_ =	swait.ge [sflag:s29], $0x4000  }
0xa2: {  	[sflag:s29] =	ssyncset.done $0x0  }
0xa3: {  	[sflag:s29] =	ssyncadd.s32 $0xFFFFC000  }
0xa4: {  	_ =	swait.ge [sflag:s28], $0x100  }
0xa5: {  	[sflag:s28] =	ssyncset.done $0x0  }
0xa6: {  	[sflag:s28] =	ssyncadd.s32 $0xFFFFFF00  }
0xa7: {  	[bflag:$0x0] =	sbarrier.arrive $0xFFFF  }
0xa8: {  	[tilespmem:s23], [sflag:$0x4] =	stream.linear.gather [spmem:s6], $0x4000, $0x38;
	[tilespmem:$0x1C200] =	vst v63  }
0xa9: {  	_ =	swait.ge [sflag:s24], $0x4000  }
0xaa: {  	[sflag:s24] =	ssyncset.done $0x0  }
0xab: {  	s5 =	rddreg [dreg:$0x6];
	[sflag:s24] =	ssyncadd.s32 $0xFFFFC000  }
0xac: {  	[hbm4b:s5+s2] =	stream.linear.scatter [tilespmem:s23], [sflag:$0x4], $0x4000, $0x38;
	[tilespmem:$0x1C200] =	vst v63  }
0xad: {  	_ =	swait.ge [sflag:s24], $0x4000  }
0xae: {  	[sflag:s24] =	ssyncset.done $0x0  }
0xaf: {  	[sflag:s24] =	ssyncadd.s32 $0xFFFFC000  }
0xb0: {  	[tilespmem:s23], [sflag:$0x4] =	stream.linear.gather [spmem:s7], $0x4000, $0x38;
	[tilespmem:$0x1C200] =	vst v63  }
0xb1: {  	_ =	swait.ge [sflag:s24], $0x4000  }
0xb2: {  	[sflag:s24] =	ssyncset.done $0x0  }
0xb3: {  	[sflag:s24] =	ssyncadd.s32 $0xFFFFC000  }
0xb4: {  	[hbm4b:s14+s2] =	stream.linear.scatter [tilespmem:s23], [sflag:$0x4], $0x4000, $0x38;
	[tilespmem:$0x1C200] =	vst v63  }
0xb5: {  	_ =	swait.ge [sflag:s24], $0x4000  }
0xb6: {  	[sflag:s24] =	ssyncset.done $0x0  }
0xb7: {  	[sflag:s24] =	ssyncadd.s32 $0xFFFFC000  }
0xb8: {  	[tilespmem:s23], [sflag:$0x4] =	stream.linear.gather [spmem:s8], $0x4000, $0x38;
	[tilespmem:$0x1C200] =	vst v63  }
0xb9: {  	_ =	swait.ge [sflag:s24], $0x4000  }
0xba: {  	[sflag:s24] =	ssyncset.done $0x0  }
0xbb: {  	[sflag:s24] =	ssyncadd.s32 $0xFFFFC000  }
0xbc: {  	[hbm4b:s15+s2] =	stream.linear.scatter [tilespmem:s23], [sflag:$0x4], $0x4000, $0x38;
	[tilespmem:$0x1C200] =	vst v63  }
0xbd: {  	_ =	swait.ge [sflag:s24], $0x4000  }
0xbe: {  	[sflag:s24] =	ssyncset.done $0x0  }
0xbf: {  	[sflag:s24] =	ssyncadd.s32 $0xFFFFC000  }
0xc0: {  	[tilespmem:s23], [sflag:$0x4] =	stream.linear.gather [spmem:s9], $0x4000, $0x38;
	[tilespmem:$0x1C200] =	vst v63  }
0xc1: {  	_ =	swait.ge [sflag:s24], $0x4000  }
0xc2: {  	[sflag:s24] =	ssyncset.done $0x0  }
0xc3: {  	[sflag:s24] =	ssyncadd.s32 $0xFFFFC000  }
0xc4: {  	[hbm4b:s16+s2] =	stream.linear.scatter [tilespmem:s23], [sflag:$0x4], $0x4000, $0x38;
	[tilespmem:$0x1C200] =	vst v63  }
0xc5: {  	_ =	swait.ge [sflag:s24], $0x4000  }
0xc6: {  	[sflag:s24] =	ssyncset.done $0x0  }
0xc7: {  	[sflag:s24] =	ssyncadd.s32 $0xFFFFC000  }
0xc8: {  	[tilespmem:s23], [sflag:$0x4] =	stream.linear.gather [spmem:s10], $0x4000, $0x38;
	[tilespmem:$0x1C200] =	vst v63  }
0xc9: {  	s3 =	sadd.s32 $0x1, s3;
	_ =	swait.ge [sflag:s24], $0x4000  }
0xca: {  	p0 =	sne.s32 s3, s18;
	[sflag:s24] =	ssyncset.done $0x0  }
.Ltmp1:
0xcb: {  	[sflag:s24] =	ssyncadd.s32 $0xFFFFC000;
	(pc) =	sbr.rel @p0 .LBB2_1-.Ltmp1, $4  }
0xcc: {  	[hbm4b:s17+s2] =	stream.linear.scatter [tilespmem:s23], [sflag:$0x4], $0x4000, $0x38;
	[tilespmem:$0x1C200] =	vst v63  }
0xcd: {  	_ =	swait.ge [sflag:s24], $0x4000  }
0xce: {  	[sflag:s24] =	ssyncset.done $0x0  }
0xcf: {  	[sflag:s24] =	ssyncadd.s32 $0xFFFFC000  }
0xd0: {  	_ =	sfence.sel $0x180000  }
0xd1: {  	[bflag:$0x0] =	sbarrier.arrive $0xFFFF  }
0xd2: {  	_ =	strace $0x90000053  }
0xd3: {  	s0 =	stileid.u32;
	[bflag:$0x2] =	sbarrier.arrive $0xFFFF  }
0xd4: {  	p0 =	sne.s32 s0, $0x0;
	s0 =	rddreg [dreg:$0x3]  }
0xd5: {  	s0 =	sadd.s32 @!p0 $0x100000, s0  }
0xd6: {  	[sflag:s0] =	ssyncadd.tile.s32 @!p0 $0x1;
	_ =	shalt  }
.Lfunc_end2:
_tile_overlayer_lowered:
.L_overlay_start_2:
0xd7: {  	(tag) =	ssettag $0x2  }
0xd8: {  	s0 =	rddreg [dreg:$0x0];
	s2 =	stileid.u32  }
0xd9: {  	s1 =	rddreg [dreg:$0x1];
	p0 =	sne.s32 s2, $0x0  }
0xda: {  	s3 =	rddreg [dreg:$0x2];
	[bflag:$0x3] =	sbarrier.arrive $0xFFFF;
	s2 =	simm.s32 @!p0 $0x1C04  }
0xdb: {  	[timem:s3], [sflag:s2] =	dma.local @!p0 [hbm:s0], s1  }
0xdc: {  	s0 =	simm.s32 @!p0 $0x4  }
0xdd: {  	_ =	swait.ge @!p0 [sflag:s0], s1  }
0xde: {  	s1 =	ssub.s32 @!p0 $0x0, s1;
	[sflag:s0] =	ssyncset.done @!p0 $0x0  }
0xdf: {  	[sflag:s0] =	ssyncadd.s32 @!p0 s1  }
0xe0: {  	[bflag:$0x3] =	sbarrier.arrive $0xFFFF  }
0xe1: {  	_ =	shalt  }

// kernel: kernel.8.cloned.1.call-start
scs
__scs_entry_jumppad:
0x0: {  	(pc) =	sbr.rel $0x88, $3  }
0x1: {  	(tag) =	ssettag $0x0;
	lr =	simm.s32 $0x1  }
0x2: {  	[smem:$0x3F9D] =	sst lr;
	_ =	strace $0xD0000000  }
0x3: {  	_ = 	snop  }
0x4: {  	_ = 	snop  }
0x5: {  	_ = 	snop  }
0x6: {  	_ = 	snop  }
0x7: {  	_ = 	snop  }
__scs_overlays_trampoline_lowered:
0x8: {  	[smem:$0x3FAC] =	sst s0  }
0x9: {  	[smem:$0x3FAD] =	sst s1  }
0xa: {  	[smem:$0x3FAE] =	sst s2  }
0xb: {  	[smem:$0x3FAF] =	sst s3  }
0xc: {  	[smem:$0x3FB0] =	sst s4  }
0xd: {  	[smem:$0x3FB1] =	sst s5  }
0xe: {  	[smem:$0x3FB2] =	sst s6  }
0xf: {  	[smem:$0x3FB3] =	sst s7  }
0x10: {  	[smem:$0x3FB4] =	sst s8  }
0x11: {  	[smem:$0x3FB5] =	sst s9;
	s0 =	simm.s32 @!p0 $0x0  }
0x12: {  	s1 =	sld [smem:$0x3F9B];
	s0 =	simm.s32 @p0 $0x1  }
0x13: {  	[smem:$0x3FB6] =	sst s0;
	s0 =	simm.s32 @!p1 $0x0  }
0x14: {  	s2 =	sld [smem:$0x3F9A];
	s0 =	simm.s32 @p1 $0x1  }
0x15: {  	[smem:$0x3FB7] =	sst s0;
	s0 =	simm.s32 @!p2 $0x0  }
0x16: {  	s3 =	sld [smem:$0x3FDB];
	s0 =	simm.s32 @p2 $0x1  }
0x17: {  	s4 =	simm.s32 $0x1BF5;
	[smem:$0x3FB9] =	sst s0  }
0x18: {  	s0 =	sld [smem:$0x3F9C];
	_ =	swait.ge [sflag:s4], $0x0  }
0x19: {  	s7 =	sld [smem:$0x3F9D]  }
0x1a: {  	s8 =	sadd.s32 $0xFFFFE003, lr  }
0x1b: {  	s9 =	sadd.s32 $0xFFFFFEF7, lr;
	s5 =	simm.s32 $0xFFFFFFFF;
	p2 =	slt.u32 s8, $0xFFFFF086  }
0x1c: {  	p1 =	slt.u32 s9, $0xF7A;
	s5 =	simm.s32 @!p2 $0x0  }
0x1d: {  	s5 =	simm.s32 @p1 $0x1;
	p0 =	seq.s32 s7, s2  }
0x1e: {  	s7 =	smul.u32 @!p0 $0xF7A, s2;
	p2 =	seq.s32 @!p0 s5, $0x0  }
0x1f: {  	s9 =	smul.u32 $0xF7A, s1;
	s8 =	simm.s32 @!p0 $0x1BF5;
	p2 =	por !p2, p0  }
0x20: {  	[sflag:s8] =	ssyncset.s32 @!p0 $0xFFFFF086;
	s6 =	sadd.s32 @!p0 s3, s7;
	s7 =	simm.s32 @!p0 $0x108  }
0x21: {  	s3 =	sadd.s32 s3, s9;
	s6 =	sadd.s32 @!p0 $0x88, s6;
	s7 =	simm.s32 @p2 $0x1082  }
0x22: {  	[simem:s7], [sflag:s8] =	dma.local @!p0 [hbm:s6], $0xF7A  }
0x23: {  	s9 =	sor.u32 $0xD0000000, s2;
	s6 =	simm.s32 $0x108;
	_ =	swait.ge @!p0 [sflag:s8], $0x0  }
0x24: {  	s3 =	sadd.s32 $0x88, s3;
	s6 =	simm.s32 @!p1 $0x1082;
	[sflag:s4] =	ssyncset.s32 $0xFFFFF086  }
0x25: {  	[simem:s6], [sflag:s4] =	dma.local [hbm:s3], $0xF7A  }
0x26: {  	[smem:$0x3F9D] =	sst s1;
	(tag) =	ssettag s2;
	_ =	strace s9  }
0x27: {  	s1 =	sld [smem:$0x3FAD]  }
0x28: {  	s2 =	sld [smem:$0x3FAE]  }
0x29: {  	s4 =	sld [smem:$0x3FB0]  }
0x2a: {  	p0 =	seq.s32 s5, $0x0;
	s5 =	sld [smem:$0x3FB1]  }
0x2b: {  	s6 =	sld [smem:$0x3FB2]  }
0x2c: {  	s7 =	sld [smem:$0x3FB3]  }
0x2d: {  	s3 =	simm.s32 $0x108;
	s8 =	sld [smem:$0x3FB4]  }
0x2e: {  	s3 =	simm.s32 @!p0 $0x1082;
	s9 =	sld [smem:$0x3FB5]  }
0x2f: {  	lr =	sadd.s32 s0, s3;
	s0 =	sld [smem:$0x3FAC]  }
0x30: {  	s3 =	sld [smem:$0x3FAF]  }
0x31: {  	[smem:$0x3FB8] =	sst s10  }
0x32: {  	s10 =	sld [smem:$0x3FB6];
	_ =	sdelay $0x3  }
0x33: {  	p0 =	seq.s32 s10, $0x1;
	s10 =	sld [smem:$0x3FB8];
	_ =	sdelay $0x3  }
0x34: {  	[smem:$0x3FB8] =	sst s10  }
0x35: {  	s10 =	sld [smem:$0x3FB7];
	_ =	sdelay $0x3  }
0x36: {  	p1 =	seq.s32 s10, $0x1;
	s10 =	sld [smem:$0x3FB8];
	_ =	sdelay $0x3  }
0x37: {  	[smem:$0x3FB8] =	sst s10  }
0x38: {  	s10 =	sld [smem:$0x3FB9]  }
0x39: {  	_ = 	snop;
	(pc) =	sbr.ind lr, $3  }
0x3a: {  	_ = 	snop  }
0x3b: {  	_ = 	snop  }
0x3c: {  	p2 =	seq.s32 s10, $0x1;
	s10 =	sld [smem:$0x3FB8]  }
0x3d: {  	_ =	shalt  }
0x3e: {  	_ =	shalt  }
0x3f: {  	_ =	shalt  }
0x40: {  	_ =	shalt  }
0x41: {  	_ =	shalt  }
0x42: {  	_ =	shalt  }
0x43: {  	_ =	shalt  }
0x44: {  	_ =	shalt  }
0x45: {  	_ =	shalt  }
0x46: {  	_ =	shalt  }
0x47: {  	_ =	shalt  }
0x48: {  	_ =	shalt  }
0x49: {  	_ =	shalt  }
0x4a: {  	_ =	shalt  }
0x4b: {  	_ =	shalt  }
0x4c: {  	_ =	shalt  }
0x4d: {  	_ =	shalt  }
0x4e: {  	_ =	shalt  }
0x4f: {  	_ =	shalt  }
0x50: {  	_ =	shalt  }
0x51: {  	_ =	shalt  }
0x52: {  	_ =	shalt  }
0x53: {  	_ =	shalt  }
0x54: {  	_ =	shalt  }
0x55: {  	_ =	shalt  }
0x56: {  	_ =	shalt  }
0x57: {  	_ =	shalt  }
0x58: {  	_ =	shalt  }
0x59: {  	_ =	shalt  }
0x5a: {  	_ =	shalt  }
0x5b: {  	_ =	shalt  }
0x5c: {  	_ =	shalt  }
0x5d: {  	_ =	shalt  }
0x5e: {  	_ =	shalt  }
0x5f: {  	_ =	shalt  }
0x60: {  	_ =	shalt  }
0x61: {  	_ =	shalt  }
0x62: {  	_ =	shalt  }
0x63: {  	_ =	shalt  }
0x64: {  	_ =	shalt  }
0x65: {  	_ =	shalt  }
0x66: {  	_ =	shalt  }
0x67: {  	_ =	shalt  }
0x68: {  	_ =	shalt  }
0x69: {  	_ =	shalt  }
0x6a: {  	_ =	shalt  }
0x6b: {  	_ =	shalt  }
0x6c: {  	_ =	shalt  }
0x6d: {  	_ =	shalt  }
0x6e: {  	_ =	shalt  }
0x6f: {  	_ =	shalt  }
0x70: {  	_ =	shalt  }
0x71: {  	_ =	shalt  }
0x72: {  	_ =	shalt  }
0x73: {  	_ =	shalt  }
0x74: {  	_ =	shalt  }
0x75: {  	_ =	shalt  }
0x76: {  	_ =	shalt  }
0x77: {  	_ =	shalt  }
0x78: {  	_ =	shalt  }
0x79: {  	_ =	shalt  }
0x7a: {  	_ =	shalt  }
0x7b: {  	_ =	shalt  }
0x7c: {  	_ =	shalt  }
0x7d: {  	_ =	shalt  }
0x7e: {  	_ =	shalt  }
0x7f: {  	_ =	shalt  }
0x80: {  	_ =	shalt  }
0x81: {  	_ =	shalt  }
0x82: {  	_ =	shalt  }
0x83: {  	_ =	shalt  }
0x84: {  	_ =	shalt  }
0x85: {  	_ =	shalt  }
0x86: {  	_ =	shalt  }
0x87: {  	_ =	shalt  }
.Lfunc_end0:
.L_simem_size_0:
called_computation.2_lowered:
.L_overlay_start_0:
0x88: {  	s2 =	sld [smem:$0x3FD9]  }
0x89: {  	s3 =	sld [smem:$0x3FFE];
	_ =	sdelay $0x1  }
0x8a: {  	s1 =	srdreg.scid  }
0x8b: {  	s0 =	sand.u32 $0x1, s1  }
0x8c: {  	s17 =	sshll.u32 s0, $0xA;
	s2 =	sadd.s32 s3, s2  }
0x8d: {  	s2 =	sadd.s32 s2, s17  }
0x8e: {  	[smem:$0x3FC4] =	sst s2  }
0x8f: {  	_ = 	snop  }
0x90: {  	(tm) =	ssettm $0x1  }
0x91: {  	s18 =	sld [smem:$0x3FFB];
	_ =	sdelay $0x3  }
0x92: {  	_ =	strace s18  }
0x93: {  	s2 =	sld [smem:$0x3FFC];
	_ =	sdelay $0x3  }
0x94: {  	_ =	strace s2  }
0x95: {  	s2 =	sld [smem:$0x3FFD];
	_ =	sdelay $0x3  }
0x96: {  	_ =	strace s2  }
0x97: {  	_ =	strace $0x8FFFFFFF  }
0x98: {  	s19 =	sld [smem:$0x3FDB];
	_ =	sdelay $0x1  }
0x99: {  	s20 =	simm.s32 $_scs_section_size  }
0x9a: {  	s4 =	simm.s32 $_size__tile_overlayer_lowered;
	s5 =	simm.s32 $_tile_overlayer_lowered  }
0x9b: {  	s6 =	simm.s32 $0x1BFF;
	s21 =	sshll.u32 s5, $0x1;
	s3 =	sadd.s32 s20, s19  }
0x9c: {  	s22 =	simm.s32 $0x0;
	s4 =	sshll.u32 s4, $0x1;
	s5 =	sadd.s32 s21, s3  }
0x9d: {  	[timem:s22], [sflag:s6] =	dma.local [hbm:s5], s4  }
0x9e: {  	_ =	swait.ge [sflag:s6], s4  }
0x9f: {  	s4 =	ssub.s32 $0x0, s4;
	[sflag:s6] =	ssyncset.done $0x0  }
0xa0: {  	[sflag:s6] =	ssyncadd.s32 s4;
	_ =	sdelay $0x1  }
0xa1: {  	s23 =	simm.s32 $0x1B8B  }
0xa2: {  	_ =	swait.ge [sflag:s23], $0x1  }
0xa3: {  	[sflag:s23] =	ssyncset.done $0x0  }
0xa4: {  	[sflag:s23] =	ssyncadd.s32 $0xFFFFFFFF  }
0xa5: {  	s4 =	sld [smem:$0x0]  }
0xa6: {  	s5 =	sand.u32 $0xFFFFFFFE, s1  }
0xa7: {  	p0 =	sne.s32 s1, s5  }
0xa8: {  	s5 =	sshll.u32 @p0 s5, $0xE  }
0xa9: {  	s5 =	sadd.s32 @p0 $0x11B8D, s5;
	s6 =	sshll.u32 @p0 s4, $0x11  }
0xaa: {  	s5 =	sor.u32 @p0 s6, s5  }
0xab: {  	[sflag:s5] =	ssyncadd.remote.s32 @p0 $0x1;
	_ =	sdelay $0x1  }
0xac: {  	s5 =	simm.s32 @p0 $0x1B8D  }
0xad: {  	_ =	swait.eq @p0 [sflag:s5], $0x1  }
0xae: {  	[sflag:s5] =	ssyncadd.s32 @p0 $0xFFFFFFFF  }
0xaf: {  	s6 =	sshll.u32 @!p0 s1, $0xE  }
0xb0: {  	s6 =	sor.u32 @!p0 $0x4000, s6;
	s5 =	simm.s32 @!p0 $0x1B8D  }
0xb1: {  	s4 =	sshll.u32 @!p0 s4, $0x11;
	s6 =	sadd.s32 @!p0 $0x11B8D, s6;
	_ =	swait.eq @!p0 [sflag:s5], $0x1  }
0xb2: {  	s4 =	sor.u32 @!p0 s4, s6;
	[sflag:s5] =	ssyncadd.s32 @!p0 $0xFFFFFFFF  }
0xb3: {  	s25 =	simm.s32 $0x1B8E;
	s24 =	sld [smem:$0x3FFE];
	[sflag:s4] =	ssyncadd.remote.s32 @!p0 $0x1  }
0xb4: {  	s26 =	simm.s32 $execute0_lowered;
	[smem:$0x3FD2] =	sst s25  }
0xb5: {  	s5 =	sshll.u32 s26, $0x1;
	_ =	strace $0x8000004C;
	[dreg:$0x1] =	wrdreg $0xFFFFFFFF  }
0xb6: {  	s28 =	simm.s32 $_size_execute0_lowered;
	s3 =	sadd.s32 s3, s5;
	[dreg:$0x0] =	wrdreg $0x0  }
0xb7: {  	s5 =	sshll.u32 s28, $0x1;
	[dreg:$0x2] =	wrdreg s3  }
0xb8: {  	[dreg:$0x3] =	wrdreg s5  }
0xb9: {  	[dreg:$0x4] =	wrdreg $0xC0  }
0xba: {  	_ =	task [dreg:s22], $0x5FFFF  }
0xbb: {  	[dreg:$0x1] =	wrdreg $0xFFFFFFFF  }
0xbc: {  	[dreg:$0x0] =	wrdreg $0x60  }
0xbd: {  	[dreg:$0x2] =	wrdreg s24  }
0xbe: {  	[dreg:$0x3] =	wrdreg $0x81000  }
0xbf: {  	[dreg:$0x4] =	wrdreg $0xA  }
0xc0: {  	_ =	task.clear_ibuf [dreg:s22], $0x5FFFF;
	_ =	strace $0x9000004C  }
0xc1: {  	s29 =	simm.s32 $0xA;
	_ =	strace $0x8000004E  }
0xc2: {  	_ =	swait.ge [sflag:s29], $0x1  }
0xc3: {  	[sflag:s29] =	ssyncadd.s32 $0xFFFFFFFF  }
0xc4: {  	_ =	strace $0x9000004E  }
0xc5: {  	_ =	sfence  }
0xc6: {  	s30 =	sld [smem:$0x0];
	_ =	sdelay $0x2  }
0xc7: {  	s31 =	sshll.u32 s1, $0xD;
	s1 =	sshrl.u32 s1, $0x2  }
0xc8: {  	s4 =	sand.u32 $0x4000, s31;
	s1 =	sadd.s32 s1, s30  }
0xc9: {  	s0 =	sor.u32 s4, s0;
	s1 =	sshll.u32 s1, $0x11  }
0xca: {  	s0 =	sor.u32 s1, s0  }
0xcb: {  	s0 =	sadd.s32 $0x8F2B, s0  }
0xcc: {  	[sflag:s0] =	ssyncadd.remote.s32 $0x1  }
0xcd: {  	_ =	sfence.sel $0xFFFF  }
0xce: {  	[dreg:$0x0] =	wrdreg $0xFFFFFFFF;
	(pc) =	sbr.abs _section_cstart, $3  }
0xcf: {  	[dreg:$0x1] =	wrdreg $0xFFFFFFFF  }
0xd0: {  	_ =	task.clear_ibuf [dreg:s22], $0x2FFFF;
	_ =	strace $0x9FFFFFFF  }
0xd1: {  	(tm) =	ssettm $0x7FFFFFFF  }
tec
execute0_lowered:
.L_overlay_start_1:
0x0: {  	(tag) =	ssettag $0x1  }
0x1: {  	s0 =	rddreg [dreg:$0x0]  }
0x2: {  	s1 =	rddreg [dreg:$0x1];
	s2 =	simm.s32 $0x0  }
0x3: {  	s7 =	srdreg.scid;
	s26 =	stileid.u32;
	s23 =	simm.s32 $0x100  }
0x4: {  	s24 =	simm.s32 $0x3;
	s25 =	simm.s32 $0x4100;
	s28 =	simm.s32 $0x2  }
0x5: {  	s29 =	simm.s32 $0x1;
	s30 =	simm.s32 $0x0;
	[smem:$0x7FF] =	sst s2  }
0x6: {  	s4 =	sadd.s32 $0x1200, s0;
	s3 =	sadd.s32 $0x1F200, s0;
	s6 =	sadd.s32 $0x1FA00, s0  }
0x7: {  	s11 =	sand.u32 $0x1, s7;
	s0 =	sadd.s32 $0x20200, s0;
	s8 =	smul.u32 $0x50000, s26  }
0x8: {  	s14 =	smul.u32 $0x14000, s26;
	_ =	strace $0x8000004D;
	[dreg:$0x3] =	wrdreg s3  }
0x9: {  	s7 =	ssub.s32 $0x2, s11;
	s10 =	sshll.u32 s11, $0x4;
	s21 =	smul.u32 $0x140000, s11  }
0xa: {  	s9 =	sshrl.u32 s7, $0x1;
	s10 =	sor.u32 s26, s10;
	s31 =	sshrl.u32 s8, $0x2  }
0xb: {  	s15 =	sadd.s32 $0x4000, s14;
	s17 =	sadd.s32 $0x8000, s14;
	s18 =	sadd.s32 $0xC000, s14  }
0xc: {  	s19 =	sadd.s32 $0x10000, s14;
	s26 =	simm.s32 $0x80;
	s20 =	ssub.s32 s7, s9  }
0xd: {  	s7 =	sadd.s32 s31, s1;
	s8 =	sadd.s32 s15, s1;
	s9 =	sadd.s32 s17, s1  }
0xe: {  	s10 =	smul.u32 $0x2800, s10;
	s11 =	sadd.s32 s18, s1;
	s12 =	sadd.s32 s19, s1  }
0xf: {  	s16 =	sadd.s32 s14, s21;
	s15 =	sadd.s32 s21, s15;
	s17 =	sadd.s32 s21, s17  }
0x10: {  	s18 =	sadd.s32 s21, s18;
	s19 =	sadd.s32 s21, s19;
	s16 =	sshrl.u32 s16, $0x3  }
0x11: {  	s22 =	sshrl.u32 s15, $0x3;
	s17 =	sshrl.u32 s17, $0x3;
	s18 =	sshrl.u32 s18, $0x3  }
0x12: {  	s19 =	sshrl.u32 s19, $0x3;
	s20 =	smax.u32 s20, $0x1;
	s13 =	sshrl.u32 s10, $0x3  }
0x13: {  	s15 =	sadd.s32 s0, s16;
	s16 =	sadd.s32 s0, s22;
	s17 =	sadd.s32 s0, s17  }
0x14: {  	s18 =	sadd.s32 s0, s18;
	s19 =	sadd.s32 s0, s19;
	s13 =	sadd.s32 s4, s13  }
0x15: {  	s14 =	sadd.s32 $0x10, s13;
	s21 =	sadd.s32 $0x4F0, s13;
	s22 =	sadd.s32 $0x4E0, s13  }
.LBB2_1:
0x16: {  	[tilespmem:s23], [sflag:$0x3] =	stream.linear.gather [hbm4b:s6+s2], $0x4000, $0x38;
	[tilespmem:$0x1C100] =	vst v63  }
0x17: {  	_ =	swait.ge [sflag:s24], $0x4000  }
0x18: {  	[sflag:s24] =	ssyncset.done $0x0  }
0x19: {  	s0 =	rddreg [dreg:$0x3];
	[sflag:s24] =	ssyncadd.s32 $0xFFFFC000  }
0x1a: {  	[tilespmem:s25], [sflag:$0x3] =	stream.linear.gather [hbm4b:s0+s2], $0x4000, $0x38;
	[tilespmem:$0x1C100] =	vst v63  }
0x1b: {  	_ =	swait.ge [sflag:s24], $0x4000  }
0x1c: {  	[sflag:s24] =	ssyncset.done $0x0  }
0x1d: {  	[sflag:s24] =	ssyncadd.s32 $0xFFFFC000  }
0x1e: {  	[spmem:s7] =	stream.linear.scatter [tilespmem:s25], [sflag:$0x3], $0x4000, $0x38;
	[tilespmem:$0x1C100] =	vst v63  }
0x1f: {  	_ =	swait.ge [sflag:s24], $0x4000  }
0x20: {  	[sflag:s24] =	ssyncset.done $0x0  }
0x21: {  	[sflag:s24] =	ssyncadd.s32 $0xFFFFC000  }
0x22: {  	[spmem:s8] =	stream.linear.scatter [tilespmem:s25], [sflag:$0x3], $0x4000, $0x38;
	[tilespmem:$0x1C100] =	vst v63  }
0x23: {  	_ =	swait.ge [sflag:s24], $0x4000  }
0x24: {  	[sflag:s24] =	ssyncset.done $0x0  }
0x25: {  	[sflag:s24] =	ssyncadd.s32 $0xFFFFC000  }
0x26: {  	[spmem:s9] =	stream.linear.scatter [tilespmem:s25], [sflag:$0x3], $0x4000, $0x38;
	[tilespmem:$0x1C100] =	vst v63  }
0x27: {  	_ =	swait.ge [sflag:s24], $0x4000  }
0x28: {  	[sflag:s24] =	ssyncset.done $0x0  }
0x29: {  	[sflag:s24] =	ssyncadd.s32 $0xFFFFC000  }
0x2a: {  	[spmem:s11] =	stream.linear.scatter [tilespmem:s25], [sflag:$0x3], $0x4000, $0x38;
	[tilespmem:$0x1C100] =	vst v63  }
0x2b: {  	_ =	swait.ge [sflag:s24], $0x4000  }
0x2c: {  	[sflag:s24] =	ssyncset.done $0x0  }
0x2d: {  	[sflag:s24] =	ssyncadd.s32 $0xFFFFC000  }
0x2e: {  	[spmem:s12] =	stream.linear.scatter [tilespmem:s25], [sflag:$0x3], $0x4000, $0x38;
	[tilespmem:$0x1C100] =	vst v63  }
0x2f: {  	_ =	swait.ge [sflag:s24], $0x4000  }
0x30: {  	[sflag:s24] =	ssyncset.done $0x0  }
0x31: {  	[sflag:s24] =	ssyncadd.s32 $0xFFFFC000  }
0x32: {  	[bflag:$0x0] =	sbarrier.arrive $0xFFFF  }
0x33: {  	[tilespmem:s2], [sflag:$0x3] =	stream.linear.gather [hbm4b:s13+s2], $0x80, $0x38;
	[tilespmem:$0x1C100] =	vst v63  }
0x34: {  	_ =	swait.ge [sflag:s24], $0x80  }
0x35: {  	[sflag:s24] =	ssyncset.done $0x0  }
0x36: {  	[sflag:s24] =	ssyncadd.s32 $0xFFFFFF80  }
0x37: {  	[tilespmem:s26], [sflag:$0x2] =	stream.linear.gather [hbm4b:s14+s2], $0x80, $0x38;
	[tilespmem:$0x1C100] =	vst v63  }
0x38: {  	_ = 	snop  }
0x39: {  	[spmem:s1] =	stream.indirect.scatter.add.f32 [tilespmem:s23], [sflag:$0x3], $0x80, s2, s26, $0xb8;
	[tilespmem:$0x1C100] =	vst v63  }
0x3a: {  	s3 =	simm.s32 $0x100;
	_ =	swait.ge [sflag:s24], $0x4000  }
0x3b: {  	s31 =	sand.u32 $0x7C00, s3;
	[sflag:s24] =	ssyncset.done $0x0  }
0x3c: {  	s31 =	sadd.s32 s10, s31;
	s0 =	sand.u32 $0x300, s3;
	[sflag:s24] =	ssyncadd.s32 $0xFFFFC000  }
0x3d: {  	s0 =	sor.u32 s0, s31;
	_ =	swait.ge [sflag:s28], $0x80  }
0x3e: {  	s0 =	sshrl.u32 s0, $0x3;
	[sflag:s28] =	ssyncset.done $0x0  }
0x3f: {  	s0 =	sadd.s32 s4, s0;
	[sflag:s28] =	ssyncadd.s32 $0xFFFFFF80  }
0x40: {  	[tilespmem:s2], [sflag:$0x1] =	stream.linear.gather [hbm4b:s0+s2], $0x80, $0x38;
	[tilespmem:$0x1C100] =	vst v63  }
0x41: {  	_ = 	snop  }
0x42: {  	[spmem:s1] =	stream.indirect.scatter.add.f32 [tilespmem:s23], [sflag:$0x3], $0x80, s26, s26, $0xb8;
	[tilespmem:$0x1C100] =	vst v63  }
0x43: {  	s5 =	simm.s32 $0x180;
	_ =	swait.ge [sflag:s24], $0x4000  }
0x44: {  	s31 =	sand.u32 $0x7C00, s5;
	[sflag:s24] =	ssyncset.done $0x0  }
0x45: {  	s31 =	sadd.s32 s10, s31;
	s0 =	sand.u32 $0x380, s5;
	[sflag:s24] =	ssyncadd.s32 $0xFFFFC000  }
0x46: {  	s0 =	sor.u32 s0, s31;
	_ =	swait.ge [sflag:s29], $0x80  }
0x47: {  	s0 =	sshrl.u32 s0, $0x3;
	[sflag:s29] =	ssyncset.done $0x0  }
0x48: {  	s31 =	simm.s32 $0x280;
	s0 =	sadd.s32 s4, s0;
	[sflag:s29] =	ssyncadd.s32 $0xFFFFFF80  }
.LBB2_2:
0x49: {  	[tilespmem:s26], [sflag:$0x2] =	stream.linear.gather [hbm4b:s0+s2], $0x80, $0x38;
	[tilespmem:$0x1C100] =	vst v63  }
0x4a: {  	p0 =	sne.s32 s31, $0x2680;
	s0 =	smov.u32 s31;
	s31 =	sadd.s32 $0x100, s31  }
0x4b: {  	[spmem:s1] =	stream.indirect.scatter.add.f32 [tilespmem:s23], [sflag:$0x3], $0x80, s2, s26, $0xb8;
	[tilespmem:$0x1C100] =	vst v63  }
0x4c: {  	s3 =	sadd.s32 $0xFFFFFF80, s0;
	_ =	swait.ge [sflag:s24], $0x4000  }
0x4d: {  	s5 =	sand.u32 $0x7C00, s3;
	[sflag:s24] =	ssyncset.done $0x0  }
0x4e: {  	s3 =	sand.u32 $0x300, s3;
	s5 =	sadd.s32 s10, s5;
	[sflag:s24] =	ssyncadd.s32 $0xFFFFC000  }
0x4f: {  	s3 =	sor.u32 s3, s5;
	_ =	swait.ge [sflag:s28], $0x80  }
0x50: {  	s3 =	sshrl.u32 s3, $0x3;
	[sflag:s28] =	ssyncset.done $0x0  }
0x51: {  	s3 =	sadd.s32 s4, s3;
	[sflag:s28] =	ssyncadd.s32 $0xFFFFFF80  }
0x52: {  	[tilespmem:s2], [sflag:$0x1] =	stream.linear.gather [hbm4b:s3+s2], $0x80, $0x38;
	[tilespmem:$0x1C100] =	vst v63  }
0x53: {  	_ = 	snop  }
0x54: {  	[spmem:s1] =	stream.indirect.scatter.add.f32 [tilespmem:s23], [sflag:$0x3], $0x80, s26, s26, $0xb8;
	[tilespmem:$0x1C100] =	vst v63  }
0x55: {  	_ =	swait.ge [sflag:s24], $0x4000  }
.Ltmp0:
0x56: {  	s3 =	sand.u32 $0x7C00, s0;
	[sflag:s24] =	ssyncset.done $0x0;
	(pc) =	sbr.rel @p0 .LBB2_2-.Ltmp0, $4  }
0x57: {  	s0 =	sand.u32 $0x380, s0;
	s3 =	sadd.s32 s10, s3;
	[sflag:s24] =	ssyncadd.s32 $0xFFFFC000  }
0x58: {  	s0 =	sor.u32 s0, s3;
	_ =	swait.ge [sflag:s29], $0x80  }
0x59: {  	s0 =	sshrl.u32 s0, $0x3;
	[sflag:s29] =	ssyncset.done $0x0  }
0x5a: {  	s0 =	sadd.s32 s4, s0;
	[sflag:s29] =	ssyncadd.s32 $0xFFFFFF80  }
0x5b: {  	[tilespmem:s26], [sflag:$0x2] =	stream.linear.gather [hbm4b:s0+s2], $0x80, $0x38;
	[tilespmem:$0x1C100] =	vst v63  }
0x5c: {  	_ = 	snop  }
0x5d: {  	[spmem:s1] =	stream.indirect.scatter.add.f32 [tilespmem:s23], [sflag:$0x3], $0x80, s2, s26, $0xb8;
	[tilespmem:$0x1C100] =	vst v63  }
0x5e: {  	_ =	swait.ge [sflag:s24], $0x4000  }
0x5f: {  	[sflag:s24] =	ssyncset.done $0x0  }
0x60: {  	[sflag:s24] =	ssyncadd.s32 $0xFFFFC000  }
0x61: {  	_ =	swait.ge [sflag:s28], $0x80  }
0x62: {  	[sflag:s28] =	ssyncset.done $0x0  }
0x63: {  	[sflag:s28] =	ssyncadd.s32 $0xFFFFFF80  }
0x64: {  	[tilespmem:s2], [sflag:$0x1] =	stream.linear.gather [hbm4b:s22+s2], $0x80, $0x38;
	[tilespmem:$0x1C100] =	vst v63  }
0x65: {  	_ = 	snop  }
0x66: {  	[spmem:s1] =	stream.indirect.scatter.add.f32 [tilespmem:s23], [sflag:$0x3], $0x80, s26, s26, $0xb8;
	[tilespmem:$0x1C100] =	vst v63  }
0x67: {  	_ =	swait.ge [sflag:s24], $0x4000  }
0x68: {  	[sflag:s24] =	ssyncset.done $0x0  }
0x69: {  	[sflag:s24] =	ssyncadd.s32 $0xFFFFC000  }
0x6a: {  	_ =	swait.ge [sflag:s29], $0x80  }
0x6b: {  	[sflag:s29] =	ssyncset.done $0x0  }
0x6c: {  	[sflag:s29] =	ssyncadd.s32 $0xFFFFFF80  }
0x6d: {  	[tilespmem:s26], [sflag:$0x2] =	stream.linear.gather [hbm4b:s21+s2], $0x80, $0x38;
	[tilespmem:$0x1C100] =	vst v63  }
0x6e: {  	_ = 	snop  }
0x6f: {  	[spmem:s1] =	stream.indirect.scatter.add.f32 [tilespmem:s23], [sflag:$0x3], $0x80, s2, s26, $0xb8;
	[tilespmem:$0x1C100] =	vst v63  }
0x70: {  	_ =	swait.ge [sflag:s24], $0x4000  }
0x71: {  	[sflag:s24] =	ssyncset.done $0x0  }
0x72: {  	[sflag:s24] =	ssyncadd.s32 $0xFFFFC000  }
0x73: {  	_ =	swait.ge [sflag:s28], $0x80  }
0x74: {  	[sflag:s28] =	ssyncset.done $0x0  }
0x75: {  	[sflag:s28] =	ssyncadd.s32 $0xFFFFFF80  }
0x76: {  	[tilespmem:s2], [sflag:$0x1] =	stream.linear.gather [hbm4b:s21+s2], $0x80, $0x38;
	[tilespmem:$0x1C100] =	vst v63  }
0x77: {  	_ = 	snop  }
0x78: {  	[spmem:s1] =	stream.indirect.scatter.add.f32 [tilespmem:s23], [sflag:$0x3], $0x80, s26, s26, $0xb8;
	[tilespmem:$0x1C100] =	vst v63  }
0x79: {  	_ =	swait.ge [sflag:s24], $0x4000  }
0x7a: {  	[sflag:s24] =	ssyncset.done $0x0  }
0x7b: {  	[sflag:s24] =	ssyncadd.s32 $0xFFFFC000  }
0x7c: {  	_ =	swait.ge [sflag:s29], $0x80  }
0x7d: {  	[sflag:s29] =	ssyncset.done $0x0  }
0x7e: {  	[sflag:s29] =	ssyncadd.s32 $0xFFFFFF80  }
0x7f: {  	[tilespmem:s26], [sflag:$0x2] =	stream.linear.gather [hbm4b:s21+s2], $0x80, $0x38;
	[tilespmem:$0x1C100] =	vst v63  }
0x80: {  	_ =	swait.ge [sflag:s28], $0x80  }
0x81: {  	[sflag:s28] =	ssyncset.done $0x0  }
0x82: {  	[sflag:s28] =	ssyncadd.s32 $0xFFFFFF80  }
0x83: {  	[bflag:$0x0] =	sbarrier.arrive $0xFFFF  }
0x84: {  	[tilespmem:s25], [sflag:$0x3] =	stream.linear.gather [spmem:s7], $0x4000, $0x38;
	[tilespmem:$0x1C100] =	vst v63  }
0x85: {  	_ =	swait.ge [sflag:s24], $0x4000  }
0x86: {  	[sflag:s24] =	ssyncset.done $0x0  }
0x87: {  	[sflag:s24] =	ssyncadd.s32 $0xFFFFC000  }
0x88: {  	[hbm4b:s15+s2] =	stream.linear.scatter [tilespmem:s25], [sflag:$0x3], $0x4000, $0x38;
	[tilespmem:$0x1C100] =	vst v63  }
0x89: {  	_ =	swait.ge [sflag:s24], $0x4000  }
0x8a: {  	[sflag:s24] =	ssyncset.done $0x0  }
0x8b: {  	[sflag:s24] =	ssyncadd.s32 $0xFFFFC000  }
0x8c: {  	[tilespmem:s25], [sflag:$0x3] =	stream.linear.gather [spmem:s8], $0x4000, $0x38;
	[tilespmem:$0x1C100] =	vst v63  }
0x8d: {  	_ =	swait.ge [sflag:s24], $0x4000  }
0x8e: {  	[sflag:s24] =	ssyncset.done $0x0  }
0x8f: {  	[sflag:s24] =	ssyncadd.s32 $0xFFFFC000  }
0x90: {  	[hbm4b:s16+s2] =	stream.linear.scatter [tilespmem:s25], [sflag:$0x3], $0x4000, $0x38;
	[tilespmem:$0x1C100] =	vst v63  }
0x91: {  	_ =	swait.ge [sflag:s24], $0x4000  }
0x92: {  	[sflag:s24] =	ssyncset.done $0x0  }
0x93: {  	[sflag:s24] =	ssyncadd.s32 $0xFFFFC000  }
0x94: {  	[tilespmem:s25], [sflag:$0x3] =	stream.linear.gather [spmem:s9], $0x4000, $0x38;
	[tilespmem:$0x1C100] =	vst v63  }
0x95: {  	_ =	swait.ge [sflag:s24], $0x4000  }
0x96: {  	[sflag:s24] =	ssyncset.done $0x0  }
0x97: {  	[sflag:s24] =	ssyncadd.s32 $0xFFFFC000  }
0x98: {  	[hbm4b:s17+s2] =	stream.linear.scatter [tilespmem:s25], [sflag:$0x3], $0x4000, $0x38;
	[tilespmem:$0x1C100] =	vst v63  }
0x99: {  	_ =	swait.ge [sflag:s24], $0x4000  }
0x9a: {  	[sflag:s24] =	ssyncset.done $0x0  }
0x9b: {  	[sflag:s24] =	ssyncadd.s32 $0xFFFFC000  }
0x9c: {  	[tilespmem:s25], [sflag:$0x3] =	stream.linear.gather [spmem:s11], $0x4000, $0x38;
	[tilespmem:$0x1C100] =	vst v63  }
0x9d: {  	_ =	swait.ge [sflag:s24], $0x4000  }
0x9e: {  	[sflag:s24] =	ssyncset.done $0x0  }
0x9f: {  	[sflag:s24] =	ssyncadd.s32 $0xFFFFC000  }
0xa0: {  	[hbm4b:s18+s2] =	stream.linear.scatter [tilespmem:s25], [sflag:$0x3], $0x4000, $0x38;
	[tilespmem:$0x1C100] =	vst v63  }
0xa1: {  	_ =	swait.ge [sflag:s24], $0x4000  }
0xa2: {  	[sflag:s24] =	ssyncset.done $0x0  }
0xa3: {  	[sflag:s24] =	ssyncadd.s32 $0xFFFFC000  }
0xa4: {  	[tilespmem:s25], [sflag:$0x3] =	stream.linear.gather [spmem:s12], $0x4000, $0x38;
	[tilespmem:$0x1C100] =	vst v63  }
0xa5: {  	s30 =	sadd.s32 $0x1, s30;
	_ =	swait.ge [sflag:s24], $0x4000  }
0xa6: {  	p0 =	sne.s32 s30, s20;
	[sflag:s24] =	ssyncset.done $0x0  }
.Ltmp1:
0xa7: {  	[sflag:s24] =	ssyncadd.s32 $0xFFFFC000;
	(pc) =	sbr.rel @p0 .LBB2_1-.Ltmp1, $4  }
0xa8: {  	[hbm4b:s19+s2] =	stream.linear.scatter [tilespmem:s25], [sflag:$0x3], $0x4000, $0x38;
	[tilespmem:$0x1C100] =	vst v63  }
0xa9: {  	_ =	swait.ge [sflag:s24], $0x4000  }
0xaa: {  	[sflag:s24] =	ssyncset.done $0x0  }
0xab: {  	[sflag:s24] =	ssyncadd.s32 $0xFFFFC000  }
0xac: {  	_ =	sfence.sel $0x180000  }
0xad: {  	[bflag:$0x0] =	sbarrier.arrive $0xFFFF  }
0xae: {  	_ =	strace $0x9000004D  }
0xaf: {  	s0 =	stileid.u32;
	[bflag:$0x2] =	sbarrier.arrive $0xFFFF  }
0xb0: {  	p0 =	sne.s32 s0, $0x0;
	s0 =	rddreg [dreg:$0x2]  }
0xb1: {  	s0 =	sadd.s32 @!p0 $0x100000, s0  }
0xb2: {  	[sflag:s0] =	ssyncadd.tile.s32 @!p0 $0x1;
	_ =	shalt  }
.Lfunc_end2:
_tile_overlayer_lowered:
.L_overlay_start_2:
0xb3: {  	(tag) =	ssettag $0x2  }
0xb4: {  	s0 =	rddreg [dreg:$0x0];
	s2 =	stileid.u32  }
0xb5: {  	s1 =	rddreg [dreg:$0x1];
	p0 =	sne.s32 s2, $0x0  }
0xb6: {  	s3 =	rddreg [dreg:$0x2];
	[bflag:$0x3] =	sbarrier.arrive $0xFFFF;
	s2 =	simm.s32 @!p0 $0x1C03  }
0xb7: {  	[timem:s3], [sflag:s2] =	dma.local @!p0 [hbm:s0], s1  }
0xb8: {  	s0 =	simm.s32 @!p0 $0x3  }
0xb9: {  	_ =	swait.ge @!p0 [sflag:s0], s1  }
0xba: {  	s1 =	ssub.s32 @!p0 $0x0, s1;
	[sflag:s0] =	ssyncset.done @!p0 $0x0  }
0xbb: {  	[sflag:s0] =	ssyncadd.s32 @!p0 s1  }
0xbc: {  	[bflag:$0x3] =	sbarrier.arrive $0xFFFF  }
0xbd: {  	_ =	shalt  }

</sc_bundles>
